<compile_context>
chip_gen: v7x
topology: tpu7x:2x2x1
jax: 0.10.2.dev20260603
libtpu: 0.0.44.dev20260713+nightly
codegen_flags: <defaults>
</compile_context>

<pallas_src>
import functools

import jax
import jax.numpy as jnp
from jax import lax
from jax.experimental import pallas as pl
from jax.experimental.pallas import tpu as pltpu
from jax.experimental.pallas import tpu_sc as plsc

N = 8192
MID = 32
OUT_CH = 40
K = 16
TBL_W = 128
QB = 256
_BN = 0.9999950000374997

_NC, _NS = 2, 16
_NW = _NC * _NS
_B = N * K
_CHUNK = 128
_ROWS_PER_W = _B // _NW
_CHUNKS_PER_W = _ROWS_PER_W // _CHUNK

_NCH = 64
_S = 4


def _prep_body(x_ref, pq_ref, ptsT_ref, w1a_ref, w1b_ref, wli_ref, bli_ref,
               wq_ref, wk_ref, wv_ref, wp1_ref, fin_ref, fq_ref, tbl_ref,
               tu_ref, idx_ref):
    x = x_ref[...]
    f = jnp.maximum(jnp.dot(x, w1a_ref[...], preferred_element_type=jnp.float32), 0.0)
    f = jnp.maximum(jnp.dot(f, w1b_ref[...], preferred_element_type=jnp.float32), 0.0)
    fin_ref[...] = f
    h = jnp.dot(f, wli_ref[...], preferred_element_type=jnp.float32) + bli_ref[...]
    fq_ref[...] = jnp.dot(h, wq_ref[...], preferred_element_type=jnp.float32)
    u = jnp.dot(pq_ref[...], wp1_ref[...], preferred_element_type=jnp.float32)
    tu_ref[...] = u
    tbl_ref[:, 0:MID] = jnp.dot(h, wk_ref[...], preferred_element_type=jnp.float32)
    tbl_ref[:, MID:2 * MID] = jnp.dot(h, wv_ref[...], preferred_element_type=jnp.float32)
    tbl_ref[:, 2 * MID:3 * MID] = u
    tbl_ref[:, 3 * MID:4 * MID] = jnp.zeros((QB, MID), jnp.float32)
    _knn(ptsT_ref, pq_ref, idx_ref)


def _knn(ptsT_ref, pq_ref, idx_ref):
    pq = pq_ref[...]
    pall = ptsT_ref[...]
    qn = jnp.sum(pq * pq, axis=1, keepdims=True)
    kn = jnp.sum(pall * pall, axis=0, keepdims=True)
    dot = jnp.dot(pq, pall, preferred_element_type=jnp.float32)
    d = (qn + kn) - (dot + dot)

    lane = lax.broadcasted_iota(jnp.int32, (QB, 128), 1)
    imax = jnp.int32(0x7FFFFFFF)
    mask6 = jnp.int32(~0x3F)
    keys = [
        (lax.bitcast_convert_type(d[:, c * 128:(c + 1) * 128], jnp.int32) & mask6)
        | jnp.int32(c)
        for c in range(_NCH)
    ]
    m = keys[0]
    for c in range(1, _NCH):
        m = jnp.minimum(m, keys[c])
    rows = [m]
    for _ in range(_S - 1):
        prev = rows[-1]
        t = None
        for c in range(_NCH):
            cand = jnp.where(keys[c] > prev, keys[c], imax)
            t = cand if t is None else jnp.minimum(t, cand)
        rows.append(t)
    jr = [((r & jnp.int32(0x3F)) << 7) | lane for r in rows]
    for k in range(K):
        mk = jnp.min(rows[0], axis=1, keepdims=True)
        eq = rows[0] == mk
        idxv = jnp.min(jnp.where(eq, jr[0], N), axis=1, keepdims=True)
        idx_ref[:, k:k + 1] = idxv
        for r in range(_S - 1):
            rows[r] = jnp.where(eq, rows[r + 1], rows[r])
            jr[r] = jnp.where(eq, jr[r + 1], jr[r])
        rows[_S - 1] = jnp.where(eq, imax, rows[_S - 1])


def _attn_body(g_ref, fq_ref, fin_ref, u_ref, wp2_ref, wa1_ref, wa2_ref,
               ba2_ref, wlo_ref, blo_ref, w3a_ref, w3b_ref, out_ref):
    g = g_ref[...]
    fk = g[:, 0:MID]
    fv = g[:, MID:2 * MID]
    uj = g[:, 2 * MID:3 * MID]
    fqe = jnp.broadcast_to(fq_ref[...][:, None, :], (QB, K, MID)).reshape(QB * K, MID)
    uie = jnp.broadcast_to(u_ref[...][:, None, :], (QB, K, MID)).reshape(QB * K, MID)
    rp = jnp.maximum(uie - uj, 0.0)
    enc = jnp.dot(rp, wp2_ref[...], preferred_element_type=jnp.float32)
    w = jnp.maximum(fqe - fk + enc, 0.0)
    w = jnp.dot(w, wa1_ref[...], preferred_element_type=jnp.float32)
    w = jnp.maximum(w, 0.0)
    logits = (jnp.dot(w, wa2_ref[...], preferred_element_type=jnp.float32)
              + ba2_ref[...]).reshape(QB, K, MID)
    vals = (fv + enc).reshape(QB, K, MID)
    m = jnp.max(logits, axis=1, keepdims=True)
    e = jnp.exp(logits - m)
    s = jnp.sum(e, axis=1)
    acc = jnp.sum(e * vals, axis=1)
    out_f = acc / s
    h = (jnp.dot(out_f, wlo_ref[...], preferred_element_type=jnp.float32)
         + blo_ref[...] + fin_ref[...])
    o = jnp.maximum(jnp.dot(h, w3a_ref[...], preferred_element_type=jnp.float32), 0.0)
    out_ref[...] = jnp.maximum(
        jnp.dot(o, w3b_ref[...], preferred_element_type=jnp.float32), 0.0)


def _sc_gather_body(cpw, tbl_hbm, idx_hbm, out_hbm, idx_v, buf0, buf1, sem0,
                    sem1):
    wid = lax.axis_index("s") * _NC + lax.axis_index("c")
    row0 = wid * cpw
    pltpu.sync_copy(idx_hbm.at[pl.ds(row0, cpw)], idx_v)
    out0 = wid * cpw * _CHUNK
    pltpu.async_copy(tbl_hbm.at[idx_v.at[0]], buf0, sem0)

    def body(t, carry):
        j = t * 2
        pltpu.async_copy(tbl_hbm.at[idx_v.at[j + 1]], buf1, sem1)
        pltpu.make_async_copy(tbl_hbm.at[idx_v.at[j]], buf0, sem0).wait()
        pltpu.sync_copy(buf0, out_hbm.at[pl.ds(out0 + j * _CHUNK, _CHUNK)])

        @pl.when(j + 2 < cpw)
        def _():
            pltpu.async_copy(tbl_hbm.at[idx_v.at[j + 2]], buf0, sem0)

        pltpu.make_async_copy(tbl_hbm.at[idx_v.at[j + 1]], buf1, sem1).wait()
        pltpu.sync_copy(buf1, out_hbm.at[pl.ds(out0 + (j + 1) * _CHUNK, _CHUNK)])
        return carry

    lax.fori_loop(0, cpw // 2, body, 0)


@functools.cache
def _sc_gather(b):
    cpw = b // (_NW * _CHUNK)
    return pl.kernel(
        functools.partial(_sc_gather_body, cpw),
        out_type=jax.ShapeDtypeStruct((b, TBL_W), jnp.float32),
        mesh=plsc.VectorSubcoreMesh(
            core_axis_name="c", subcore_axis_name="s", num_cores=_NC),
        scratch_types=[
            pltpu.VMEM((cpw, _CHUNK), jnp.int32),
            pltpu.VMEM((_CHUNK, TBL_W), jnp.float32),
            pltpu.VMEM((_CHUNK, TBL_W), jnp.float32),
            pltpu.SemaphoreType.DMA,
            pltpu.SemaphoreType.DMA,
        ],
    )


def _full(shape):
    return pl.BlockSpec(shape, lambda i: tuple(0 for _ in shape))


def _rows(width):
    return pl.BlockSpec((QB, width), lambda i: (i, 0))


def kernel(points, features, W1a, W1b, Wli, bli, Wq, Wk, Wv, Wa1, Wa2, ba2,
           Wp1, Wp2, Wlo, blo, W3a, W3b):
    bn = jnp.float32(_BN)
    featsp = jnp.pad(features, ((0, 0), (0, 2)))
    ptsp = jnp.pad(points, ((0, 0), (0, 5)))
    w1at = jnp.zeros((8, 8), jnp.float32).at[:6, :6].set(bn * W1a.T)
    w1bt = jnp.zeros((8, MID), jnp.float32).at[:6, :].set(bn * W1b.T)
    wp1p = jnp.zeros((8, MID), jnp.float32).at[:3, :3].set(bn * Wp1.T)

    f_in, f_q, tbl, t_u, idx = pl.pallas_call(
        _prep_body,
        grid=(N // QB,),
        in_specs=[
            _rows(8), _rows(8), _full((8, N)), _full((8, 8)), _full((8, MID)),
            _full((MID, MID)), _full((1, MID)), _full((MID, MID)),
            _full((MID, MID)), _full((MID, MID)), _full((8, MID)),
        ],
        out_specs=[_rows(MID), _rows(MID), _rows(TBL_W), _rows(MID), _rows(K)],
        out_shape=[
            jax.ShapeDtypeStruct((N, MID), jnp.float32),
            jax.ShapeDtypeStruct((N, MID), jnp.float32),
            jax.ShapeDtypeStruct((N, TBL_W), jnp.float32),
            jax.ShapeDtypeStruct((N, MID), jnp.float32),
            jax.ShapeDtypeStruct((N, K), jnp.int32),
        ],
    )(featsp, ptsp, ptsp.T, w1at, w1bt, Wli.T, bli.reshape(1, MID), Wq.T,
      Wk.T, Wv.T, wp1p)

    idx2 = idx.reshape(_B // _CHUNK, _CHUNK)
    wp2p = jnp.zeros((MID, MID), jnp.float32).at[:3, :].set(Wp2.T)
    halves = []
    nh = N // 2
    for h in range(2):
        g_h = _sc_gather(_B // 2)(tbl, idx2[h * (_B // _CHUNK // 2):
                                            (h + 1) * (_B // _CHUNK // 2)])
        r = slice(h * nh, (h + 1) * nh)
        halves.append(pl.pallas_call(
            _attn_body,
            grid=(nh // QB,),
            in_specs=[
                pl.BlockSpec((QB * K, TBL_W), lambda i: (i, 0)),
                _rows(MID), _rows(MID), _rows(MID),
                _full((MID, MID)), _full((MID, MID)), _full((MID, MID)),
                _full((1, MID)), _full((MID, MID)), _full((1, MID)),
                _full((MID, MID)), _full((MID, OUT_CH)),
            ],
            out_specs=_rows(OUT_CH),
            out_shape=jax.ShapeDtypeStruct((nh, OUT_CH), jnp.float32),
        )(g_h, f_q[r], f_in[r], t_u[r], wp2p, bn * Wa1.T, bn * Wa2.T,
          ba2.reshape(1, MID), Wlo.T, blo.reshape(1, MID), bn * W3a.T,
          bn * W3b.T))
    return jnp.concatenate(halves, axis=0)

# --- scband reference (transcript-rebuilt; emitter-appended) ---
"""Pipeline reference for scband-point-transformer-15539191676965 (READ-ONLY COPY).

The authoritative reference and input builder live on the scoring server;
editing this copy changes nothing except your own understanding.
"""

import jax, jax.numpy as jnp
import numpy as np

N = 8192
IN_CH = 6
MID = 32
OUT_CH = 40
K = 16


def setup_inputs(seed: int = 0) -> dict:
    key = jax.random.key(seed)
    ks = jax.random.split(key, 24)

    def w(k, shape):
        return jax.random.normal(k, shape, dtype=jnp.float32) * 0.05

    return {
        'points': jax.random.normal(ks[0], (N, 3), dtype=jnp.float32),
        'features': jax.random.normal(ks[1], (N, IN_CH), dtype=jnp.float32),
        'W1a': w(ks[2], (IN_CH, IN_CH)),
        'W1b': w(ks[3], (MID, IN_CH)),
        'Wli': w(ks[4], (MID, MID)),
        'bli': jnp.zeros((MID,), dtype=jnp.float32),
        'Wq': w(ks[5], (MID, MID)),
        'Wk': w(ks[6], (MID, MID)),
        'Wv': w(ks[7], (MID, MID)),
        'Wa1': w(ks[8], (MID, MID)),
        'Wa2': w(ks[9], (MID, MID)),
        'ba2': jnp.zeros((MID,), dtype=jnp.float32),
        'Wp1': w(ks[10], (3, 3)),
        'Wp2': w(ks[11], (MID, 3)),
        'Wlo': w(ks[12], (MID, MID)),
        'blo': jnp.zeros((MID,), dtype=jnp.float32),
        'W3a': w(ks[13], (MID, MID)),
        'W3b': w(ks[14], (OUT_CH, MID)),
    }


def _bn(x):
    # eval-mode BatchNorm1d with default running stats (mean=0, var=1, gamma=1, beta=0)
    return x / jnp.sqrt(jnp.float32(1.0 + 1e-5))


def reference(points, features, W1a, W1b, Wli, bli, Wq, Wk, Wv, Wa1, Wa2, ba2, Wp1, Wp2, Wlo, blo, W3a, W3b):
    relu = jax.nn.relu
    n = points.shape[0]
    # mlp1: Linear -> BN -> ReLU -> Linear -> BN -> ReLU
    f = relu(_bn(features @ W1a.T))
    f = relu(_bn(f @ W1b.T))
    f_in = f
    # PointTransformerBlock.linear_in
    h = f @ Wli.T + bli
    # PointTransformerLayer
    f_q = h @ Wq.T
    f_k = h @ Wk.T
    f_v = h @ Wv.T
    # find_knn: brute-force pairwise squared distances, k nearest (includes self)
    d2 = jnp.sum((points[:, None, :] - points[None, :, :]) ** 2, axis=-1)
    _, knn_indices = jax.lax.top_k(-d2, K)
    knn_points = points[knn_indices.reshape(-1)].reshape(n, K, 3)
    knn_k = f_k[knn_indices.reshape(-1)].reshape(n, K, MID)
    knn_v = f_v[knn_indices.reshape(-1)].reshape(n, K, MID)
    rel_pos = points[:, None, :] - knn_points
    # mlp_pos: Linear(3,3) -> BN -> ReLU -> Linear(3,MID)
    rp = rel_pos.reshape(-1, 3) @ Wp1.T
    rp = relu(_bn(rp))
    rel_pos_enc = (rp @ Wp2.T).reshape(n, K, MID)
    vec_sim = f_q[:, None, :] - knn_k + rel_pos_enc
    # mlp_attn: BN -> ReLU -> Linear -> BN -> ReLU -> Linear(+bias)
    w_ = relu(_bn(vec_sim.reshape(-1, MID)))
    w_ = w_ @ Wa1.T
    w_ = relu(_bn(w_))
    w_ = (w_ @ Wa2.T + ba2).reshape(n, K, MID)
    w_ = jax.nn.softmax(w_, axis=1)
    out_f = jnp.sum(w_ * (knn_v + rel_pos_enc), axis=1)
    # linear_out + residual
    h = out_f @ Wlo.T + blo
    h = h + f_in
    # mlp3: Linear -> BN -> ReLU -> Linear -> BN -> ReLU
    o = relu(_bn(h @ W3a.T))
    o = relu(_bn(o @ W3b.T))
    return o

if __name__ == "__main__":
    import jax
    _d = setup_inputs()
    print(jax.jit(kernel)(*tuple(_d.values())))

</pallas_src>

<mosaic_0001>
#map = affine_map<(d0, d1) -> (0, 0)>
module attributes {stable_mosaic.version = 14 : i64} {
  func.func @_sc_gather_body(%arg0: i32, %arg1: i32, %arg2: memref<8192x128xf32, #tpu.memory_space<hbm>>, %arg3: memref<512x128xi32, #tpu.memory_space<hbm>>, %arg4: memref<65536x128xf32, #tpu.memory_space<hbm>>, %arg5: memref<16x128xi32, #tpu.memory_space<vmem>>, %arg6: memref<128x128xf32, #tpu.memory_space<vmem>>, %arg7: memref<128x128xf32, #tpu.memory_space<vmem>>, %arg8: memref<!tpu.dma_semaphore, #tpu.memory_space<semaphore_mem>>, %arg9: memref<!tpu.dma_semaphore, #tpu.memory_space<semaphore_mem>>) attributes {dimension_semantics = [#tpu.dimension_semantics<core_parallel>, #tpu.dimension_semantics<subcore_parallel>], iteration_bounds = array<i64: 2, 16>, scalar_prefetch = 0 : i64, scratch_operands = 5 : i64, tpu.core_type = #tpu.core_type<sc_vector_subcore>, window_params = [{transform_indices = #map}, {transform_indices = #map}, {transform_indices = #map}]} {
    %mul3A = arith.constant 2 : i32
    %mul3A_0 = arith.muli %arg1, %mul3A : i32
    %add3A = arith.addi %mul3A_0, %arg0 : i32
    %mul3A_1 = arith.constant 16 : i32
    %mul3A_2 = arith.muli %add3A, %mul3A_1 : i32
    "tpu.region"() ({
      %run_scoped3A = tpu.sem_alloc : memref<!tpu.dma_semaphore, #tpu.memory_space<semaphore_mem>>
      %dma_start3A_18 = arith.constant 0 : i32
      %dma_start3A_19 = tpu.memref_slice %arg3[%mul3A_2, %dma_start3A_18] : memref<512x128xi32, #tpu.memory_space<hbm>> -> memref<16x128xi32, #tpu.memory_space<hbm>>
      %dma_start3A_20 = arith.constant 0 : i32
      %dma_start3A_21 = tpu.memref_slice %arg3[%mul3A_2, %dma_start3A_20] : memref<512x128xi32, #tpu.memory_space<hbm>> -> memref<16x128xi32, #tpu.memory_space<hbm>>
      tpu.enqueue_dma source(%dma_start3A_21 : memref<16x128xi32, #tpu.memory_space<hbm>>) target(%arg5 : memref<16x128xi32, #tpu.memory_space<vmem>>) target_semaphore(%run_scoped3A : memref<!tpu.dma_semaphore, #tpu.memory_space<semaphore_mem>>)
      %dma_wait3A = arith.constant 0 : i32
      %dma_wait3A_22 = tpu.memref_slice %arg3[%mul3A_2, %dma_wait3A] : memref<512x128xi32, #tpu.memory_space<hbm>> -> memref<16x128xi32, #tpu.memory_space<hbm>>
      %dma_wait3A_23 = arith.constant 0 : i32
      %dma_wait3A_24 = tpu.memref_slice %arg3[%mul3A_2, %dma_wait3A_23] : memref<512x128xi32, #tpu.memory_space<hbm>> -> memref<16x128xi32, #tpu.memory_space<hbm>>
      tpu.wait_dma2 semaphore(%run_scoped3A : memref<!tpu.dma_semaphore, #tpu.memory_space<semaphore_mem>>) src(%dma_wait3A_24 : memref<16x128xi32, #tpu.memory_space<hbm>>) dst(%arg5 : memref<16x128xi32, #tpu.memory_space<vmem>>)
      tpu.yield
    }) : () -> ()
    %mul3A_3 = arith.constant 16 : i32
    %mul3A_4 = arith.muli %add3A, %mul3A_3 : i32
    %mul3A_5 = arith.constant 128 : i32
    %mul3A_6 = arith.muli %mul3A_4, %mul3A_5 : i32
    %dma_start3A = arith.constant 0 : i32
    %dma_start3A_7 = arith.constant 0 : i32
    %dma_start3A_8 = tpu.memref_slice %arg5[%dma_start3A, %dma_start3A_7] : memref<16x128xi32, #tpu.memory_space<vmem>> -> memref<1x128xi32, #tpu.memory_space<vmem>>
    %dma_start3A_9 = tpu.memref_squeeze %dma_start3A_8 : memref<1x128xi32, #tpu.memory_space<vmem>> -> memref<128xi32, #tpu.memory_space<vmem>>
    %dma_start3A_10 = arith.constant 0 : i32
    %dma_start3A_11 = arith.constant 0 : i32
    %dma_start3A_12 = tpu.memref_slice %arg2[%dma_start3A_10, %dma_start3A_11] : memref<8192x128xf32, #tpu.memory_space<hbm>> -> memref<8192x128xf32, #tpu.memory_space<hbm>>
    tpu.enqueue_indirect_dma source(%dma_start3A_12 : memref<8192x128xf32, #tpu.memory_space<hbm>>) target(%arg6 : memref<128x128xf32, #tpu.memory_space<vmem>>) offsets(%dma_start3A_9 : memref<128xi32, #tpu.memory_space<vmem>>) semaphore(%arg8 : memref<!tpu.dma_semaphore, #tpu.memory_space<semaphore_mem>>)
    %scan3A = arith.constant 0 : i32
    %scan3A_13 = arith.constant 0 : i32
    %scan3A_14 = arith.constant 8 : i32
    %scan3A_15 = arith.addi %scan3A_13, %scan3A_14 : i32
    %scan3A_16 = arith.constant 1 : i32
    scf.for %scan3A_18 = %scan3A_13 to %scan3A_15 step %scan3A_16  : i32 {
      %mul3A_19 = arith.constant 2 : i32
      %mul3A_20 = arith.muli %scan3A_18, %mul3A_19 : i32
      %add3A_21 = arith.constant 1 : i32
      %add3A_22 = arith.addi %mul3A_20, %add3A_21 : i32
      %dma_start3A_23 = arith.constant 0 : i32
      %dma_start3A_24 = tpu.memref_slice %arg5[%add3A_22, %dma_start3A_23] : memref<16x128xi32, #tpu.memory_space<vmem>> -> memref<1x128xi32, #tpu.memory_space<vmem>>
      %dma_start3A_25 = tpu.memref_squeeze %dma_start3A_24 : memref<1x128xi32, #tpu.memory_space<vmem>> -> memref<128xi32, #tpu.memory_space<vmem>>
      %dma_start3A_26 = arith.constant 0 : i32
      %dma_start3A_27 = arith.constant 0 : i32
      %dma_start3A_28 = tpu.memref_slice %arg2[%dma_start3A_26, %dma_start3A_27] : memref<8192x128xf32, #tpu.memory_space<hbm>> -> memref<8192x128xf32, #tpu.memory_space<hbm>>
      tpu.enqueue_indirect_dma source(%dma_start3A_28 : memref<8192x128xf32, #tpu.memory_space<hbm>>) target(%arg7 : memref<128x128xf32, #tpu.memory_space<vmem>>) offsets(%dma_start3A_25 : memref<128xi32, #tpu.memory_space<vmem>>) semaphore(%arg9 : memref<!tpu.dma_semaphore, #tpu.memory_space<semaphore_mem>>)
      %dma_wait3A = arith.constant 0 : i32
      %dma_wait3A_29 = tpu.memref_slice %arg5[%mul3A_20, %dma_wait3A] : memref<16x128xi32, #tpu.memory_space<vmem>> -> memref<1x128xi32, #tpu.memory_space<vmem>>
      %dma_wait3A_30 = tpu.memref_squeeze %dma_wait3A_29 : memref<1x128xi32, #tpu.memory_space<vmem>> -> memref<128xi32, #tpu.memory_space<vmem>>
      %dma_wait3A_31 = arith.constant 0 : i32
      %dma_wait3A_32 = arith.constant 0 : i32
      %dma_wait3A_33 = tpu.memref_slice %arg2[%dma_wait3A_31, %dma_wait3A_32] : memref<8192x128xf32, #tpu.memory_space<hbm>> -> memref<8192x128xf32, #tpu.memory_space<hbm>>
      tpu.wait_indirect_dma semaphore(%arg8 : memref<!tpu.dma_semaphore, #tpu.memory_space<semaphore_mem>>) src(%dma_wait3A_33 : memref<8192x128xf32, #tpu.memory_space<hbm>>) dst(%arg6 : memref<128x128xf32, #tpu.memory_space<vmem>>)
      %mul3A_34 = arith.constant 128 : i32
      %mul3A_35 = arith.muli %mul3A_20, %mul3A_34 : i32
      %add3A_36 = arith.addi %mul3A_6, %mul3A_35 : i32
      "tpu.region"() ({
        %run_scoped3A = tpu.sem_alloc : memref<!tpu.dma_semaphore, #tpu.memory_space<semaphore_mem>>
        %dma_start3A_54 = arith.constant 0 : i32
        %dma_start3A_55 = tpu.memref_slice %arg4[%add3A_36, %dma_start3A_54] : memref<65536x128xf32, #tpu.memory_space<hbm>> -> memref<128x128xf32, #tpu.memory_space<hbm>>
        %dma_start3A_56 = arith.constant 0 : i32
        %dma_start3A_57 = tpu.memref_slice %arg4[%add3A_36, %dma_start3A_56] : memref<65536x128xf32, #tpu.memory_space<hbm>> -> memref<128x128xf32, #tpu.memory_space<hbm>>
        tpu.enqueue_dma source(%arg6 : memref<128x128xf32, #tpu.memory_space<vmem>>) target(%dma_start3A_57 : memref<128x128xf32, #tpu.memory_space<hbm>>) target_semaphore(%run_scoped3A : memref<!tpu.dma_semaphore, #tpu.memory_space<semaphore_mem>>)
        %dma_wait3A_58 = arith.constant 0 : i32
        %dma_wait3A_59 = tpu.memref_slice %arg4[%add3A_36, %dma_wait3A_58] : memref<65536x128xf32, #tpu.memory_space<hbm>> -> memref<128x128xf32, #tpu.memory_space<hbm>>
        %dma_wait3A_60 = arith.constant 0 : i32
        %dma_wait3A_61 = tpu.memref_slice %arg4[%add3A_36, %dma_wait3A_60] : memref<65536x128xf32, #tpu.memory_space<hbm>> -> memref<128x128xf32, #tpu.memory_space<hbm>>
        tpu.wait_dma2 semaphore(%run_scoped3A : memref<!tpu.dma_semaphore, #tpu.memory_space<semaphore_mem>>) src(%arg6 : memref<128x128xf32, #tpu.memory_space<vmem>>) dst(%dma_wait3A_61 : memref<128x128xf32, #tpu.memory_space<hbm>>)
        tpu.yield
      }) : () -> ()
      %add3A_37 = arith.constant 2 : i32
      %add3A_38 = arith.addi %mul3A_20, %add3A_37 : i32
      %lt3A = arith.constant 16 : i32
      %lt3A_39 = arith.cmpi slt, %add3A_38, %lt3A : i32
      %convert_element_type3A = arith.extui %lt3A_39 : i1 to i32
      %cond3A = arith.constant 0 : i32
      %cond3A_40 = arith.cmpi ne, %convert_element_type3A, %cond3A : i32
      scf.if %cond3A_40 {
        %add3A_54 = arith.constant 2 : i32
        %add3A_55 = arith.addi %mul3A_20, %add3A_54 : i32
        %dma_start3A_56 = arith.constant 0 : i32
        %dma_start3A_57 = tpu.memref_slice %arg5[%add3A_55, %dma_start3A_56] : memref<16x128xi32, #tpu.memory_space<vmem>> -> memref<1x128xi32, #tpu.memory_space<vmem>>
        %dma_start3A_58 = tpu.memref_squeeze %dma_start3A_57 : memref<1x128xi32, #tpu.memory_space<vmem>> -> memref<128xi32, #tpu.memory_space<vmem>>
        %dma_start3A_59 = arith.constant 0 : i32
        %dma_start3A_60 = arith.constant 0 : i32
        %dma_start3A_61 = tpu.memref_slice %arg2[%dma_start3A_59, %dma_start3A_60] : memref<8192x128xf32, #tpu.memory_space<hbm>> -> memref<8192x128xf32, #tpu.memory_space<hbm>>
        tpu.enqueue_indirect_dma source(%dma_start3A_61 : memref<8192x128xf32, #tpu.memory_space<hbm>>) target(%arg6 : memref<128x128xf32, #tpu.memory_space<vmem>>) offsets(%dma_start3A_58 : memref<128xi32, #tpu.memory_space<vmem>>) semaphore(%arg8 : memref<!tpu.dma_semaphore, #tpu.memory_space<semaphore_mem>>)
      } else {
      }
      %add3A_41 = arith.constant 1 : i32
      %add3A_42 = arith.addi %mul3A_20, %add3A_41 : i32
      %dma_wait3A_43 = arith.constant 0 : i32
      %dma_wait3A_44 = tpu.memref_slice %arg5[%add3A_42, %dma_wait3A_43] : memref<16x128xi32, #tpu.memory_space<vmem>> -> memref<1x128xi32, #tpu.memory_space<vmem>>
      %dma_wait3A_45 = tpu.memref_squeeze %dma_wait3A_44 : memref<1x128xi32, #tpu.memory_space<vmem>> -> memref<128xi32, #tpu.memory_space<vmem>>
      %dma_wait3A_46 = arith.constant 0 : i32
      %dma_wait3A_47 = arith.constant 0 : i32
      %dma_wait3A_48 = tpu.memref_slice %arg2[%dma_wait3A_46, %dma_wait3A_47] : memref<8192x128xf32, #tpu.memory_space<hbm>> -> memref<8192x128xf32, #tpu.memory_space<hbm>>
      tpu.wait_indirect_dma semaphore(%arg9 : memref<!tpu.dma_semaphore, #tpu.memory_space<semaphore_mem>>) src(%dma_wait3A_48 : memref<8192x128xf32, #tpu.memory_space<hbm>>) dst(%arg7 : memref<128x128xf32, #tpu.memory_space<vmem>>)
      %add3A_49 = arith.constant 1 : i32
      %add3A_50 = arith.addi %mul3A_20, %add3A_49 : i32
      %mul3A_51 = arith.constant 128 : i32
      %mul3A_52 = arith.muli %add3A_50, %mul3A_51 : i32
      %add3A_53 = arith.addi %mul3A_6, %mul3A_52 : i32
      "tpu.region"() ({
        %run_scoped3A = tpu.sem_alloc : memref<!tpu.dma_semaphore, #tpu.memory_space<semaphore_mem>>
        %dma_start3A_54 = arith.constant 0 : i32
        %dma_start3A_55 = tpu.memref_slice %arg4[%add3A_53, %dma_start3A_54] : memref<65536x128xf32, #tpu.memory_space<hbm>> -> memref<128x128xf32, #tpu.memory_space<hbm>>
        %dma_start3A_56 = arith.constant 0 : i32
        %dma_start3A_57 = tpu.memref_slice %arg4[%add3A_53, %dma_start3A_56] : memref<65536x128xf32, #tpu.memory_space<hbm>> -> memref<128x128xf32, #tpu.memory_space<hbm>>
        tpu.enqueue_dma source(%arg7 : memref<128x128xf32, #tpu.memory_space<vmem>>) target(%dma_start3A_57 : memref<128x128xf32, #tpu.memory_space<hbm>>) target_semaphore(%run_scoped3A : memref<!tpu.dma_semaphore, #tpu.memory_space<semaphore_mem>>)
        %dma_wait3A_58 = arith.constant 0 : i32
        %dma_wait3A_59 = tpu.memref_slice %arg4[%add3A_53, %dma_wait3A_58] : memref<65536x128xf32, #tpu.memory_space<hbm>> -> memref<128x128xf32, #tpu.memory_space<hbm>>
        %dma_wait3A_60 = arith.constant 0 : i32
        %dma_wait3A_61 = tpu.memref_slice %arg4[%add3A_53, %dma_wait3A_60] : memref<65536x128xf32, #tpu.memory_space<hbm>> -> memref<128x128xf32, #tpu.memory_space<hbm>>
        tpu.wait_dma2 semaphore(%run_scoped3A : memref<!tpu.dma_semaphore, #tpu.memory_space<semaphore_mem>>) src(%arg7 : memref<128x128xf32, #tpu.memory_space<vmem>>) dst(%dma_wait3A_61 : memref<128x128xf32, #tpu.memory_space<hbm>>)
        tpu.yield
      }) : () -> ()
    }
    %scan3A_17 = arith.constant 8 : i32
    return
  }
}

#map = affine_map<(d0, d1) -> (0, 0)>
module attributes {stable_mosaic.version = 14 : i64} {
  func.func @_sc_gather_body(%arg0: i32, %arg1: i32, %arg2: memref<8192x128xf32, #tpu.memory_space<hbm>>, %arg3: memref<512x128xi32, #tpu.memory_space<hbm>>, %arg4: memref<65536x128xf32, #tpu.memory_space<hbm>>, %arg5: memref<16x128xi32, #tpu.memory_space<vmem>>, %arg6: memref<128x128xf32, #tpu.memory_space<vmem>>, %arg7: memref<128x128xf32, #tpu.memory_space<vmem>>, %arg8: memref<!tpu.dma_semaphore, #tpu.memory_space<semaphore_mem>>, %arg9: memref<!tpu.dma_semaphore, #tpu.memory_space<semaphore_mem>>) attributes {dimension_semantics = [#tpu.dimension_semantics<core_parallel>, #tpu.dimension_semantics<subcore_parallel>], iteration_bounds = array<i64: 2, 16>, scalar_prefetch = 0 : i64, scratch_operands = 5 : i64, tpu.core_type = #tpu.core_type<sc_vector_subcore>, window_params = [{transform_indices = #map}, {transform_indices = #map}, {transform_indices = #map}]} {
    %mul3A = arith.constant 2 : i32
    %mul3A_0 = arith.muli %arg1, %mul3A : i32
    %add3A = arith.addi %mul3A_0, %arg0 : i32
    %mul3A_1 = arith.constant 16 : i32
    %mul3A_2 = arith.muli %add3A, %mul3A_1 : i32
    "tpu.region"() ({
      %run_scoped3A = tpu.sem_alloc : memref<!tpu.dma_semaphore, #tpu.memory_space<semaphore_mem>>
      %dma_start3A_18 = arith.constant 0 : i32
      %dma_start3A_19 = tpu.memref_slice %arg3[%mul3A_2, %dma_start3A_18] : memref<512x128xi32, #tpu.memory_space<hbm>> -> memref<16x128xi32, #tpu.memory_space<hbm>>
      %dma_start3A_20 = arith.constant 0 : i32
      %dma_start3A_21 = tpu.memref_slice %arg3[%mul3A_2, %dma_start3A_20] : memref<512x128xi32, #tpu.memory_space<hbm>> -> memref<16x128xi32, #tpu.memory_space<hbm>>
      tpu.enqueue_dma source(%dma_start3A_21 : memref<16x128xi32, #tpu.memory_space<hbm>>) target(%arg5 : memref<16x128xi32, #tpu.memory_space<vmem>>) target_semaphore(%run_scoped3A : memref<!tpu.dma_semaphore, #tpu.memory_space<semaphore_mem>>)
      %dma_wait3A = arith.constant 0 : i32
      %dma_wait3A_22 = tpu.memref_slice %arg3[%mul3A_2, %dma_wait3A] : memref<512x128xi32, #tpu.memory_space<hbm>> -> memref<16x128xi32, #tpu.memory_space<hbm>>
      %dma_wait3A_23 = arith.constant 0 : i32
      %dma_wait3A_24 = tpu.memref_slice %arg3[%mul3A_2, %dma_wait3A_23] : memref<512x128xi32, #tpu.memory_space<hbm>> -> memref<16x128xi32, #tpu.memory_space<hbm>>
      tpu.wait_dma2 semaphore(%run_scoped3A : memref<!tpu.dma_semaphore, #tpu.memory_space<semaphore_mem>>) src(%dma_wait3A_24 : memref<16x128xi32, #tpu.memory_space<hbm>>) dst(%arg5 : memref<16x128xi32, #tpu.memory_space<vmem>>)
      tpu.yield
    }) : () -> ()
    %mul3A_3 = arith.constant 16 : i32
    %mul3A_4 = arith.muli %add3A, %mul3A_3 : i32
    %mul3A_5 = arith.constant 128 : i32
    %mul3A_6 = arith.muli %mul3A_4, %mul3A_5 : i32
    %dma_start3A = arith.constant 0 : i32
    %dma_start3A_7 = arith.constant 0 : i32
    %dma_start3A_8 = tpu.memref_slice %arg5[%dma_start3A, %dma_start3A_7] : memref<16x128xi32, #tpu.memory_space<vmem>> -> memref<1x128xi32, #tpu.memory_space<vmem>>
    %dma_start3A_9 = tpu.memref_squeeze %dma_start3A_8 : memref<1x128xi32, #tpu.memory_space<vmem>> -> memref<128xi32, #tpu.memory_space<vmem>>
    %dma_start3A_10 = arith.constant 0 : i32
    %dma_start3A_11 = arith.constant 0 : i32
    %dma_start3A_12 = tpu.memref_slice %arg2[%dma_start3A_10, %dma_start3A_11] : memref<8192x128xf32, #tpu.memory_space<hbm>> -> memref<8192x128xf32, #tpu.memory_space<hbm>>
    tpu.enqueue_indirect_dma source(%dma_start3A_12 : memref<8192x128xf32, #tpu.memory_space<hbm>>) target(%arg6 : memref<128x128xf32, #tpu.memory_space<vmem>>) offsets(%dma_start3A_9 : memref<128xi32, #tpu.memory_space<vmem>>) semaphore(%arg8 : memref<!tpu.dma_semaphore, #tpu.memory_space<semaphore_mem>>)
    %scan3A = arith.constant 0 : i32
    %scan3A_13 = arith.constant 0 : i32
    %scan3A_14 = arith.constant 8 : i32
    %scan3A_15 = arith.addi %scan3A_13, %scan3A_14 : i32
    %scan3A_16 = arith.constant 1 : i32
    scf.for %scan3A_18 = %scan3A_13 to %scan3A_15 step %scan3A_16  : i32 {
      %mul3A_19 = arith.constant 2 : i32
      %mul3A_20 = arith.muli %scan3A_18, %mul3A_19 : i32
      %add3A_21 = arith.constant 1 : i32
      %add3A_22 = arith.addi %mul3A_20, %add3A_21 : i32
      %dma_start3A_23 = arith.constant 0 : i32
      %dma_start3A_24 = tpu.memref_slice %arg5[%add3A_22, %dma_start3A_23] : memref<16x128xi32, #tpu.memory_space<vmem>> -> memref<1x128xi32, #tpu.memory_space<vmem>>
      %dma_start3A_25 = tpu.memref_squeeze %dma_start3A_24 : memref<1x128xi32, #tpu.memory_space<vmem>> -> memref<128xi32, #tpu.memory_space<vmem>>
      %dma_start3A_26 = arith.constant 0 : i32
      %dma_start3A_27 = arith.constant 0 : i32
      %dma_start3A_28 = tpu.memref_slice %arg2[%dma_start3A_26, %dma_start3A_27] : memref<8192x128xf32, #tpu.memory_space<hbm>> -> memref<8192x128xf32, #tpu.memory_space<hbm>>
      tpu.enqueue_indirect_dma source(%dma_start3A_28 : memref<8192x128xf32, #tpu.memory_space<hbm>>) target(%arg7 : memref<128x128xf32, #tpu.memory_space<vmem>>) offsets(%dma_start3A_25 : memref<128xi32, #tpu.memory_space<vmem>>) semaphore(%arg9 : memref<!tpu.dma_semaphore, #tpu.memory_space<semaphore_mem>>)
      %dma_wait3A = arith.constant 0 : i32
      %dma_wait3A_29 = tpu.memref_slice %arg5[%mul3A_20, %dma_wait3A] : memref<16x128xi32, #tpu.memory_space<vmem>> -> memref<1x128xi32, #tpu.memory_space<vmem>>
      %dma_wait3A_30 = tpu.memref_squeeze %dma_wait3A_29 : memref<1x128xi32, #tpu.memory_space<vmem>> -> memref<128xi32, #tpu.memory_space<vmem>>
      %dma_wait3A_31 = arith.constant 0 : i32
      %dma_wait3A_32 = arith.constant 0 : i32
      %dma_wait3A_33 = tpu.memref_slice %arg2[%dma_wait3A_31, %dma_wait3A_32] : memref<8192x128xf32, #tpu.memory_space<hbm>> -> memref<8192x128xf32, #tpu.memory_space<hbm>>
      tpu.wait_indirect_dma semaphore(%arg8 : memref<!tpu.dma_semaphore, #tpu.memory_space<semaphore_mem>>) src(%dma_wait3A_33 : memref<8192x128xf32, #tpu.memory_space<hbm>>) dst(%arg6 : memref<128x128xf32, #tpu.memory_space<vmem>>)
      %mul3A_34 = arith.constant 128 : i32
      %mul3A_35 = arith.muli %mul3A_20, %mul3A_34 : i32
      %add3A_36 = arith.addi %mul3A_6, %mul3A_35 : i32
      "tpu.region"() ({
        %run_scoped3A = tpu.sem_alloc : memref<!tpu.dma_semaphore, #tpu.memory_space<semaphore_mem>>
        %dma_start3A_54 = arith.constant 0 : i32
        %dma_start3A_55 = tpu.memref_slice %arg4[%add3A_36, %dma_start3A_54] : memref<65536x128xf32, #tpu.memory_space<hbm>> -> memref<128x128xf32, #tpu.memory_space<hbm>>
        %dma_start3A_56 = arith.constant 0 : i32
        %dma_start3A_57 = tpu.memref_slice %arg4[%add3A_36, %dma_start3A_56] : memref<65536x128xf32, #tpu.memory_space<hbm>> -> memref<128x128xf32, #tpu.memory_space<hbm>>
        tpu.enqueue_dma source(%arg6 : memref<128x128xf32, #tpu.memory_space<vmem>>) target(%dma_start3A_57 : memref<128x128xf32, #tpu.memory_space<hbm>>) target_semaphore(%run_scoped3A : memref<!tpu.dma_semaphore, #tpu.memory_space<semaphore_mem>>)
        %dma_wait3A_58 = arith.constant 0 : i32
        %dma_wait3A_59 = tpu.memref_slice %arg4[%add3A_36, %dma_wait3A_58] : memref<65536x128xf32, #tpu.memory_space<hbm>> -> memref<128x128xf32, #tpu.memory_space<hbm>>
        %dma_wait3A_60 = arith.constant 0 : i32
        %dma_wait3A_61 = tpu.memref_slice %arg4[%add3A_36, %dma_wait3A_60] : memref<65536x128xf32, #tpu.memory_space<hbm>> -> memref<128x128xf32, #tpu.memory_space<hbm>>
        tpu.wait_dma2 semaphore(%run_scoped3A : memref<!tpu.dma_semaphore, #tpu.memory_space<semaphore_mem>>) src(%arg6 : memref<128x128xf32, #tpu.memory_space<vmem>>) dst(%dma_wait3A_61 : memref<128x128xf32, #tpu.memory_space<hbm>>)
        tpu.yield
      }) : () -> ()
      %add3A_37 = arith.constant 2 : i32
      %add3A_38 = arith.addi %mul3A_20, %add3A_37 : i32
      %lt3A = arith.constant 16 : i32
      %lt3A_39 = arith.cmpi slt, %add3A_38, %lt3A : i32
      %convert_element_type3A = arith.extui %lt3A_39 : i1 to i32
      %cond3A = arith.constant 0 : i32
      %cond3A_40 = arith.cmpi ne, %convert_element_type3A, %cond3A : i32
      scf.if %cond3A_40 {
        %add3A_54 = arith.constant 2 : i32
        %add3A_55 = arith.addi %mul3A_20, %add3A_54 : i32
        %dma_start3A_56 = arith.constant 0 : i32
        %dma_start3A_57 = tpu.memref_slice %arg5[%add3A_55, %dma_start3A_56] : memref<16x128xi32, #tpu.memory_space<vmem>> -> memref<1x128xi32, #tpu.memory_space<vmem>>
        %dma_start3A_58 = tpu.memref_squeeze %dma_start3A_57 : memref<1x128xi32, #tpu.memory_space<vmem>> -> memref<128xi32, #tpu.memory_space<vmem>>
        %dma_start3A_59 = arith.constant 0 : i32
        %dma_start3A_60 = arith.constant 0 : i32
        %dma_start3A_61 = tpu.memref_slice %arg2[%dma_start3A_59, %dma_start3A_60] : memref<8192x128xf32, #tpu.memory_space<hbm>> -> memref<8192x128xf32, #tpu.memory_space<hbm>>
        tpu.enqueue_indirect_dma source(%dma_start3A_61 : memref<8192x128xf32, #tpu.memory_space<hbm>>) target(%arg6 : memref<128x128xf32, #tpu.memory_space<vmem>>) offsets(%dma_start3A_58 : memref<128xi32, #tpu.memory_space<vmem>>) semaphore(%arg8 : memref<!tpu.dma_semaphore, #tpu.memory_space<semaphore_mem>>)
      } else {
      }
      %add3A_41 = arith.constant 1 : i32
      %add3A_42 = arith.addi %mul3A_20, %add3A_41 : i32
      %dma_wait3A_43 = arith.constant 0 : i32
      %dma_wait3A_44 = tpu.memref_slice %arg5[%add3A_42, %dma_wait3A_43] : memref<16x128xi32, #tpu.memory_space<vmem>> -> memref<1x128xi32, #tpu.memory_space<vmem>>
      %dma_wait3A_45 = tpu.memref_squeeze %dma_wait3A_44 : memref<1x128xi32, #tpu.memory_space<vmem>> -> memref<128xi32, #tpu.memory_space<vmem>>
      %dma_wait3A_46 = arith.constant 0 : i32
      %dma_wait3A_47 = arith.constant 0 : i32
      %dma_wait3A_48 = tpu.memref_slice %arg2[%dma_wait3A_46, %dma_wait3A_47] : memref<8192x128xf32, #tpu.memory_space<hbm>> -> memref<8192x128xf32, #tpu.memory_space<hbm>>
      tpu.wait_indirect_dma semaphore(%arg9 : memref<!tpu.dma_semaphore, #tpu.memory_space<semaphore_mem>>) src(%dma_wait3A_48 : memref<8192x128xf32, #tpu.memory_space<hbm>>) dst(%arg7 : memref<128x128xf32, #tpu.memory_space<vmem>>)
      %add3A_49 = arith.constant 1 : i32
      %add3A_50 = arith.addi %mul3A_20, %add3A_49 : i32
      %mul3A_51 = arith.constant 128 : i32
      %mul3A_52 = arith.muli %add3A_50, %mul3A_51 : i32
      %add3A_53 = arith.addi %mul3A_6, %mul3A_52 : i32
      "tpu.region"() ({
        %run_scoped3A = tpu.sem_alloc : memref<!tpu.dma_semaphore, #tpu.memory_space<semaphore_mem>>
        %dma_start3A_54 = arith.constant 0 : i32
        %dma_start3A_55 = tpu.memref_slice %arg4[%add3A_53, %dma_start3A_54] : memref<65536x128xf32, #tpu.memory_space<hbm>> -> memref<128x128xf32, #tpu.memory_space<hbm>>
        %dma_start3A_56 = arith.constant 0 : i32
        %dma_start3A_57 = tpu.memref_slice %arg4[%add3A_53, %dma_start3A_56] : memref<65536x128xf32, #tpu.memory_space<hbm>> -> memref<128x128xf32, #tpu.memory_space<hbm>>
        tpu.enqueue_dma source(%arg7 : memref<128x128xf32, #tpu.memory_space<vmem>>) target(%dma_start3A_57 : memref<128x128xf32, #tpu.memory_space<hbm>>) target_semaphore(%run_scoped3A : memref<!tpu.dma_semaphore, #tpu.memory_space<semaphore_mem>>)
        %dma_wait3A_58 = arith.constant 0 : i32
        %dma_wait3A_59 = tpu.memref_slice %arg4[%add3A_53, %dma_wait3A_58] : memref<65536x128xf32, #tpu.memory_space<hbm>> -> memref<128x128xf32, #tpu.memory_space<hbm>>
        %dma_wait3A_60 = arith.constant 0 : i32
        %dma_wait3A_61 = tpu.memref_slice %arg4[%add3A_53, %dma_wait3A_60] : memref<65536x128xf32, #tpu.memory_space<hbm>> -> memref<128x128xf32, #tpu.memory_space<hbm>>
        tpu.wait_dma2 semaphore(%run_scoped3A : memref<!tpu.dma_semaphore, #tpu.memory_space<semaphore_mem>>) src(%arg7 : memref<128x128xf32, #tpu.memory_space<vmem>>) dst(%dma_wait3A_61 : memref<128x128xf32, #tpu.memory_space<hbm>>)
        tpu.yield
      }) : () -> ()
    }
    %scan3A_17 = arith.constant 8 : i32
    return
  }
}

module attributes {stable_mosaic.version = 14 : i64} {
  func.func @_prep_body(%arg0: i32, %arg1: memref<256x8xf32, #tpu.memory_space<vmem>>, %arg2: memref<256x8xf32, #tpu.memory_space<vmem>>, %arg3: memref<8x8192xf32, #tpu.memory_space<vmem>>, %arg4: memref<8x8xf32, #tpu.memory_space<vmem>>, %arg5: memref<8x32xf32, #tpu.memory_space<vmem>>, %arg6: memref<32x32xf32, #tpu.memory_space<vmem>>, %arg7: memref<1x32xf32, #tpu.memory_space<vmem>>, %arg8: memref<32x32xf32, #tpu.memory_space<vmem>>, %arg9: memref<32x32xf32, #tpu.memory_space<vmem>>, %arg10: memref<32x32xf32, #tpu.memory_space<vmem>>, %arg11: memref<8x32xf32, #tpu.memory_space<vmem>>, %arg12: memref<256x32xf32, #tpu.memory_space<vmem>>, %arg13: memref<256x32xf32, #tpu.memory_space<vmem>>, %arg14: memref<256x128xf32, #tpu.memory_space<vmem>>, %arg15: memref<256x32xf32, #tpu.memory_space<vmem>>, %arg16: memref<256x16xi32, #tpu.memory_space<vmem>>) attributes {dimension_semantics = [#tpu.dimension_semantics<arbitrary>], iteration_bounds = array<i64: 32>, scalar_prefetch = 0 : i64, scratch_operands = 0 : i64, tpu.core_type = #tpu.core_type<tc>, window_params = [{transform_indices = @transform_0, window_bounds = array<i64: 256, 8>}, {transform_indices = @transform_1, window_bounds = array<i64: 256, 8>}, {pipeline_mode = #tpu.pipeline_mode<synchronous>, transform_indices = @transform_2, window_bounds = array<i64: 8, 8192>}, {pipeline_mode = #tpu.pipeline_mode<synchronous>, transform_indices = @transform_3, window_bounds = array<i64: 8, 8>}, {pipeline_mode = #tpu.pipeline_mode<synchronous>, transform_indices = @transform_4, window_bounds = array<i64: 8, 32>}, {pipeline_mode = #tpu.pipeline_mode<synchronous>, transform_indices = @transform_5, window_bounds = array<i64: 32, 32>}, {pipeline_mode = #tpu.pipeline_mode<synchronous>, transform_indices = @transform_6, window_bounds = array<i64: 1, 32>}, {pipeline_mode = #tpu.pipeline_mode<synchronous>, transform_indices = @transform_7, window_bounds = array<i64: 32, 32>}, {pipeline_mode = #tpu.pipeline_mode<synchronous>, transform_indices = @transform_8, window_bounds = array<i64: 32, 32>}, {pipeline_mode = #tpu.pipeline_mode<synchronous>, transform_indices = @transform_9, window_bounds = array<i64: 32, 32>}, {pipeline_mode = #tpu.pipeline_mode<synchronous>, transform_indices = @transform_10, window_bounds = array<i64: 8, 32>}, {transform_indices = @transform_11, window_bounds = array<i64: 256, 32>}, {transform_indices = @transform_12, window_bounds = array<i64: 256, 32>}, {transform_indices = @transform_13, window_bounds = array<i64: 256, 128>}, {transform_indices = @transform_14, window_bounds = array<i64: 256, 32>}, {transform_indices = @transform_15, window_bounds = array<i64: 256, 16>}]} {
    %get3A = arith.constant 0 : index
    %get3A_0 = arith.constant 0 : index
    %get3A_1 = vector.load %arg1[%get3A, %get3A_0] : memref<256x8xf32, #tpu.memory_space<vmem>>, vector<256x8xf32>
    %get3A_2 = arith.constant 0 : index
    %get3A_3 = arith.constant 0 : index
    %get3A_4 = vector.load %arg4[%get3A_2, %get3A_3] : memref<8x8xf32, #tpu.memory_space<vmem>>, vector<8x8xf32>
    %dot_general3A = arith.constant dense<0.000000e+00> : vector<256x8xf32>
    %dot_general3A_5 = tpu.matmul %get3A_1, %get3A_4, %dot_general3A {dimension_numbers = #tpu.dot_dimension_numbers<[1], [0], [0], [1], [0, 0, 1, 1], [], []>, transpose_lhs_hint = false} : vector<256x8xf32>, vector<8x8xf32>, vector<256x8xf32> -> vector<256x8xf32>
    %max3A = arith.constant 0.000000e+00 : f32
    %max3A_6 = vector.broadcast %max3A : f32 to vector<256x8xf32>
    %max3A_7 = arith.maximumf %dot_general3A_5, %max3A_6 : vector<256x8xf32>
    %get3A_8 = arith.constant 0 : index
    %get3A_9 = arith.constant 0 : index
    %get3A_10 = vector.load %arg5[%get3A_8, %get3A_9] : memref<8x32xf32, #tpu.memory_space<vmem>>, vector<8x32xf32>
    %dot_general3A_11 = arith.constant dense<0.000000e+00> : vector<256x32xf32>
    %dot_general3A_12 = tpu.matmul %max3A_7, %get3A_10, %dot_general3A_11 {dimension_numbers = #tpu.dot_dimension_numbers<[1], [0], [0], [1], [0, 0, 1, 1], [], []>, transpose_lhs_hint = false} : vector<256x8xf32>, vector<8x32xf32>, vector<256x32xf32> -> vector<256x32xf32>
    %max3A_13 = arith.constant 0.000000e+00 : f32
    %max3A_14 = vector.broadcast %max3A_13 : f32 to vector<256x32xf32>
    %max3A_15 = arith.maximumf %dot_general3A_12, %max3A_14 : vector<256x32xf32>
    %swap3A = arith.constant 0 : index
    %swap3A_16 = arith.constant 0 : index
    %swap3A_17 = vector.load %arg12[%swap3A, %swap3A_16] : memref<256x32xf32, #tpu.memory_space<vmem>>, vector<256x32xf32>
    tpu.vector_store %arg12[%swap3A, %swap3A_16], %max3A_15 {strides = array<i32>} : memref<256x32xf32, #tpu.memory_space<vmem>>, vector<256x32xf32>,
    %get3A_18 = arith.constant 0 : index
    %get3A_19 = arith.constant 0 : index
    %get3A_20 = vector.load %arg6[%get3A_18, %get3A_19] : memref<32x32xf32, #tpu.memory_space<vmem>>, vector<32x32xf32>
    %dot_general3A_21 = arith.constant dense<0.000000e+00> : vector<256x32xf32>
    %dot_general3A_22 = tpu.matmul %max3A_15, %get3A_20, %dot_general3A_21 {dimension_numbers = #tpu.dot_dimension_numbers<[1], [0], [0], [1], [0, 0, 1, 1], [], []>, transpose_lhs_hint = false} : vector<256x32xf32>, vector<32x32xf32>, vector<256x32xf32> -> vector<256x32xf32>
    %get3A_23 = arith.constant 0 : index
    %get3A_24 = arith.constant 0 : index
    %get3A_25 = vector.load %arg7[%get3A_23, %get3A_24] : memref<1x32xf32, #tpu.memory_space<vmem>>, vector<1x32xf32>
    %add3A = vector.broadcast %get3A_25 : vector<1x32xf32> to vector<256x32xf32>
    %add3A_26 = arith.addf %dot_general3A_22, %add3A : vector<256x32xf32>
    %get3A_27 = arith.constant 0 : index
    %get3A_28 = arith.constant 0 : index
    %get3A_29 = vector.load %arg8[%get3A_27, %get3A_28] : memref<32x32xf32, #tpu.memory_space<vmem>>, vector<32x32xf32>
    %dot_general3A_30 = arith.constant dense<0.000000e+00> : vector<256x32xf32>
    %dot_general3A_31 = tpu.matmul %add3A_26, %get3A_29, %dot_general3A_30 {dimension_numbers = #tpu.dot_dimension_numbers<[1], [0], [0], [1], [0, 0, 1, 1], [], []>, transpose_lhs_hint = false} : vector<256x32xf32>, vector<32x32xf32>, vector<256x32xf32> -> vector<256x32xf32>
    %swap3A_32 = arith.constant 0 : index
    %swap3A_33 = arith.constant 0 : index
    %swap3A_34 = vector.load %arg13[%swap3A_32, %swap3A_33] : memref<256x32xf32, #tpu.memory_space<vmem>>, vector<256x32xf32>
    tpu.vector_store %arg13[%swap3A_32, %swap3A_33], %dot_general3A_31 {strides = array<i32>} : memref<256x32xf32, #tpu.memory_space<vmem>>, vector<256x32xf32>,
    %get3A_35 = arith.constant 0 : index
    %get3A_36 = arith.constant 0 : index
    %get3A_37 = vector.load %arg2[%get3A_35, %get3A_36] : memref<256x8xf32, #tpu.memory_space<vmem>>, vector<256x8xf32>
    %get3A_38 = arith.constant 0 : index
    %get3A_39 = arith.constant 0 : index
    %get3A_40 = vector.load %arg11[%get3A_38, %get3A_39] : memref<8x32xf32, #tpu.memory_space<vmem>>, vector<8x32xf32>
    %dot_general3A_41 = arith.constant dense<0.000000e+00> : vector<256x32xf32>
    %dot_general3A_42 = tpu.matmul %get3A_37, %get3A_40, %dot_general3A_41 {dimension_numbers = #tpu.dot_dimension_numbers<[1], [0], [0], [1], [0, 0, 1, 1], [], []>, transpose_lhs_hint = false} : vector<256x8xf32>, vector<8x32xf32>, vector<256x32xf32> -> vector<256x32xf32>
    %swap3A_43 = arith.constant 0 : index
    %swap3A_44 = arith.constant 0 : index
    %swap3A_45 = vector.load %arg15[%swap3A_43, %swap3A_44] : memref<256x32xf32, #tpu.memory_space<vmem>>, vector<256x32xf32>
    tpu.vector_store %arg15[%swap3A_43, %swap3A_44], %dot_general3A_42 {strides = array<i32>} : memref<256x32xf32, #tpu.memory_space<vmem>>, vector<256x32xf32>,
    %get3A_46 = arith.constant 0 : index
    %get3A_47 = arith.constant 0 : index
    %get3A_48 = vector.load %arg9[%get3A_46, %get3A_47] : memref<32x32xf32, #tpu.memory_space<vmem>>, vector<32x32xf32>
    %dot_general3A_49 = arith.constant dense<0.000000e+00> : vector<256x32xf32>
    %dot_general3A_50 = tpu.matmul %add3A_26, %get3A_48, %dot_general3A_49 {dimension_numbers = #tpu.dot_dimension_numbers<[1], [0], [0], [1], [0, 0, 1, 1], [], []>, transpose_lhs_hint = false} : vector<256x32xf32>, vector<32x32xf32>, vector<256x32xf32> -> vector<256x32xf32>
    %swap3A_51 = arith.constant 0 : index
    %swap3A_52 = arith.constant 0 : index
    %swap3A_53 = vector.load %arg14[%swap3A_51, %swap3A_52] : memref<256x128xf32, #tpu.memory_space<vmem>>, vector<256x32xf32>
    tpu.vector_store %arg14[%swap3A_51, %swap3A_52], %dot_general3A_50 {strides = array<i32>} : memref<256x128xf32, #tpu.memory_space<vmem>>, vector<256x32xf32>,
    %get3A_54 = arith.constant 0 : index
    %get3A_55 = arith.constant 0 : index
    %get3A_56 = vector.load %arg10[%get3A_54, %get3A_55] : memref<32x32xf32, #tpu.memory_space<vmem>>, vector<32x32xf32>
    %dot_general3A_57 = arith.constant dense<0.000000e+00> : vector<256x32xf32>
    %dot_general3A_58 = tpu.matmul %add3A_26, %get3A_56, %dot_general3A_57 {dimension_numbers = #tpu.dot_dimension_numbers<[1], [0], [0], [1], [0, 0, 1, 1], [], []>, transpose_lhs_hint = false} : vector<256x32xf32>, vector<32x32xf32>, vector<256x32xf32> -> vector<256x32xf32>
    %swap3A_59 = arith.constant 0 : index
    %swap3A_60 = arith.constant 32 : index
    %swap3A_61 = vector.load %arg14[%swap3A_59, %swap3A_60] : memref<256x128xf32, #tpu.memory_space<vmem>>, vector<256x32xf32>
    tpu.vector_store %arg14[%swap3A_59, %swap3A_60], %dot_general3A_58 {strides = array<i32>} : memref<256x128xf32, #tpu.memory_space<vmem>>, vector<256x32xf32>,
    %swap3A_62 = arith.constant 0 : index
    %swap3A_63 = arith.constant 64 : index
    %swap3A_64 = vector.load %arg14[%swap3A_62, %swap3A_63] : memref<256x128xf32, #tpu.memory_space<vmem>>, vector<256x32xf32>
    tpu.vector_store %arg14[%swap3A_62, %swap3A_63], %dot_general3A_42 {strides = array<i32>} : memref<256x128xf32, #tpu.memory_space<vmem>>, vector<256x32xf32>,
    %broadcast_in_dim3A = arith.constant 0.000000e+00 : f32
    %broadcast_in_dim3A_65 = vector.broadcast %broadcast_in_dim3A : f32 to vector<256x32xf32>
    %swap3A_66 = arith.constant 0 : index
    %swap3A_67 = arith.constant 96 : index
    %swap3A_68 = vector.load %arg14[%swap3A_66, %swap3A_67] : memref<256x128xf32, #tpu.memory_space<vmem>>, vector<256x32xf32>
    tpu.vector_store %arg14[%swap3A_66, %swap3A_67], %broadcast_in_dim3A_65 {strides = array<i32>} : memref<256x128xf32, #tpu.memory_space<vmem>>, vector<256x32xf32>,
    %get3A_69 = arith.constant 0 : index
    %get3A_70 = arith.constant 0 : index
    %get3A_71 = vector.load %arg2[%get3A_69, %get3A_70] : memref<256x8xf32, #tpu.memory_space<vmem>>, vector<256x8xf32>
    %get3A_72 = arith.constant 0 : index
    %get3A_73 = arith.constant 0 : index
    %get3A_74 = vector.load %arg3[%get3A_72, %get3A_73] : memref<8x8192xf32, #tpu.memory_space<vmem>>, vector<8x8192xf32>
    %mul3A = arith.mulf %get3A_71, %get3A_71 : vector<256x8xf32>
    %reduce_sum3A = arith.constant dense<0.000000e+00> : vector<256xf32>
    %reduce_sum3A_75 = vector.multi_reduction <add>, %mul3A, %reduce_sum3A [1] : vector<256x8xf32> to vector<256xf32>
    %broadcast_in_dim3A_76 = vector.shape_cast %reduce_sum3A_75 : vector<256xf32> to vector<256x1xf32>
    %mul3A_77 = arith.mulf %get3A_74, %get3A_74 : vector<8x8192xf32>
    %reduce_sum3A_78 = arith.constant dense<0.000000e+00> : vector<8192xf32>
    %reduce_sum3A_79 = vector.multi_reduction <add>, %mul3A_77, %reduce_sum3A_78 [0] : vector<8x8192xf32> to vector<8192xf32>
    %broadcast_in_dim3A_80 = vector.shape_cast %reduce_sum3A_79 : vector<8192xf32> to vector<1x8192xf32>
    %dot_general3A_81 = arith.constant dense<0.000000e+00> : vector<256x8192xf32>
    %dot_general3A_82 = tpu.matmul %get3A_71, %get3A_74, %dot_general3A_81 {dimension_numbers = #tpu.dot_dimension_numbers<[1], [0], [0], [1], [0, 0, 1, 1], [], []>, transpose_lhs_hint = false} : vector<256x8xf32>, vector<8x8192xf32>, vector<256x8192xf32> -> vector<256x8192xf32>
    %add3A_83 = vector.broadcast %broadcast_in_dim3A_76 : vector<256x1xf32> to vector<256x8192xf32>
    %add3A_84 = vector.broadcast %broadcast_in_dim3A_80 : vector<1x8192xf32> to vector<256x8192xf32>
    %add3A_85 = arith.addf %add3A_83, %add3A_84 : vector<256x8192xf32>
    %add3A_86 = arith.addf %dot_general3A_82, %dot_general3A_82 : vector<256x8192xf32>
    %sub3A = arith.subf %add3A_85, %add3A_86 : vector<256x8192xf32>
    %iota3A = tpu.iota {dimensions = array<i32: 1>} : vector<256x128xi32>
    %slice3A = vector.extract_strided_slice %sub3A {offsets = [0, 0], sizes = [256, 128], strides = [1, 1]} : vector<256x8192xf32> to vector<256x128xf32>
    %bitcast_convert_type3A = tpu.bitcast %slice3A : vector<256x128xf32> -> vector<256x128xi32>
    %and3A = arith.constant -64 : i32
    %and3A_87 = vector.broadcast %and3A : i32 to vector<256x128xi32>
    %and3A_88 = arith.andi %bitcast_convert_type3A, %and3A_87 : vector<256x128xi32>
    %or3A = arith.constant 0 : i32
    %or3A_89 = vector.broadcast %or3A : i32 to vector<256x128xi32>
    %or3A_90 = arith.ori %and3A_88, %or3A_89 : vector<256x128xi32>
    %slice3A_91 = vector.extract_strided_slice %sub3A {offsets = [0, 128], sizes = [256, 128], strides = [1, 1]} : vector<256x8192xf32> to vector<256x128xf32>
    %bitcast_convert_type3A_92 = tpu.bitcast %slice3A_91 : vector<256x128xf32> -> vector<256x128xi32>
    %and3A_93 = arith.constant -64 : i32
    %and3A_94 = vector.broadcast %and3A_93 : i32 to vector<256x128xi32>
    %and3A_95 = arith.andi %bitcast_convert_type3A_92, %and3A_94 : vector<256x128xi32>
    %or3A_96 = arith.constant 1 : i32
    %or3A_97 = vector.broadcast %or3A_96 : i32 to vector<256x128xi32>
    %or3A_98 = arith.ori %and3A_95, %or3A_97 : vector<256x128xi32>
    %slice3A_99 = vector.extract_strided_slice %sub3A {offsets = [0, 256], sizes = [256, 128], strides = [1, 1]} : vector<256x8192xf32> to vector<256x128xf32>
    %bitcast_convert_type3A_100 = tpu.bitcast %slice3A_99 : vector<256x128xf32> -> vector<256x128xi32>
    %and3A_101 = arith.constant -64 : i32
    %and3A_102 = vector.broadcast %and3A_101 : i32 to vector<256x128xi32>
    %and3A_103 = arith.andi %bitcast_convert_type3A_100, %and3A_102 : vector<256x128xi32>
    %or3A_104 = arith.constant 2 : i32
    %or3A_105 = vector.broadcast %or3A_104 : i32 to vector<256x128xi32>
    %or3A_106 = arith.ori %and3A_103, %or3A_105 : vector<256x128xi32>
    %slice3A_107 = vector.extract_strided_slice %sub3A {offsets = [0, 384], sizes = [256, 128], strides = [1, 1]} : vector<256x8192xf32> to vector<256x128xf32>
    %bitcast_convert_type3A_108 = tpu.bitcast %slice3A_107 : vector<256x128xf32> -> vector<256x128xi32>
    %and3A_109 = arith.constant -64 : i32
    %and3A_110 = vector.broadcast %and3A_109 : i32 to vector<256x128xi32>
    %and3A_111 = arith.andi %bitcast_convert_type3A_108, %and3A_110 : vector<256x128xi32>
    %or3A_112 = arith.constant 3 : i32
    %or3A_113 = vector.broadcast %or3A_112 : i32 to vector<256x128xi32>
    %or3A_114 = arith.ori %and3A_111, %or3A_113 : vector<256x128xi32>
    %slice3A_115 = vector.extract_strided_slice %sub3A {offsets = [0, 512], sizes = [256, 128], strides = [1, 1]} : vector<256x8192xf32> to vector<256x128xf32>
    %bitcast_convert_type3A_116 = tpu.bitcast %slice3A_115 : vector<256x128xf32> -> vector<256x128xi32>
    %and3A_117 = arith.constant -64 : i32
    %and3A_118 = vector.broadcast %and3A_117 : i32 to vector<256x128xi32>
    %and3A_119 = arith.andi %bitcast_convert_type3A_116, %and3A_118 : vector<256x128xi32>
    %or3A_120 = arith.constant 4 : i32
    %or3A_121 = vector.broadcast %or3A_120 : i32 to vector<256x128xi32>
    %or3A_122 = arith.ori %and3A_119, %or3A_121 : vector<256x128xi32>
    %slice3A_123 = vector.extract_strided_slice %sub3A {offsets = [0, 640], sizes = [256, 128], strides = [1, 1]} : vector<256x8192xf32> to vector<256x128xf32>
    %bitcast_convert_type3A_124 = tpu.bitcast %slice3A_123 : vector<256x128xf32> -> vector<256x128xi32>
    %and3A_125 = arith.constant -64 : i32
    %and3A_126 = vector.broadcast %and3A_125 : i32 to vector<256x128xi32>
    %and3A_127 = arith.andi %bitcast_convert_type3A_124, %and3A_126 : vector<256x128xi32>
    %or3A_128 = arith.constant 5 : i32
    %or3A_129 = vector.broadcast %or3A_128 : i32 to vector<256x128xi32>
    %or3A_130 = arith.ori %and3A_127, %or3A_129 : vector<256x128xi32>
    %slice3A_131 = vector.extract_strided_slice %sub3A {offsets = [0, 768], sizes = [256, 128], strides = [1, 1]} : vector<256x8192xf32> to vector<256x128xf32>
    %bitcast_convert_type3A_132 = tpu.bitcast %slice3A_131 : vector<256x128xf32> -> vector<256x128xi32>
    %and3A_133 = arith.constant -64 : i32
    %and3A_134 = vector.broadcast %and3A_133 : i32 to vector<256x128xi32>
    %and3A_135 = arith.andi %bitcast_convert_type3A_132, %and3A_134 : vector<256x128xi32>
    %or3A_136 = arith.constant 6 : i32
    %or3A_137 = vector.broadcast %or3A_136 : i32 to vector<256x128xi32>
    %or3A_138 = arith.ori %and3A_135, %or3A_137 : vector<256x128xi32>
    %slice3A_139 = vector.extract_strided_slice %sub3A {offsets = [0, 896], sizes = [256, 128], strides = [1, 1]} : vector<256x8192xf32> to vector<256x128xf32>
    %bitcast_convert_type3A_140 = tpu.bitcast %slice3A_139 : vector<256x128xf32> -> vector<256x128xi32>
    %and3A_141 = arith.constant -64 : i32
    %and3A_142 = vector.broadcast %and3A_141 : i32 to vector<256x128xi32>
    %and3A_143 = arith.andi %bitcast_convert_type3A_140, %and3A_142 : vector<256x128xi32>
    %or3A_144 = arith.constant 7 : i32
    %or3A_145 = vector.broadcast %or3A_144 : i32 to vector<256x128xi32>
    %or3A_146 = arith.ori %and3A_143, %or3A_145 : vector<256x128xi32>
    %slice3A_147 = vector.extract_strided_slice %sub3A {offsets = [0, 1024], sizes = [256, 128], strides = [1, 1]} : vector<256x8192xf32> to vector<256x128xf32>
    %bitcast_convert_type3A_148 = tpu.bitcast %slice3A_147 : vector<256x128xf32> -> vector<256x128xi32>
    %and3A_149 = arith.constant -64 : i32
    %and3A_150 = vector.broadcast %and3A_149 : i32 to vector<256x128xi32>
    %and3A_151 = arith.andi %bitcast_convert_type3A_148, %and3A_150 : vector<256x128xi32>
    %or3A_152 = arith.constant 8 : i32
    %or3A_153 = vector.broadcast %or3A_152 : i32 to vector<256x128xi32>
    %or3A_154 = arith.ori %and3A_151, %or3A_153 : vector<256x128xi32>
    %slice3A_155 = vector.extract_strided_slice %sub3A {offsets = [0, 1152], sizes = [256, 128], strides = [1, 1]} : vector<256x8192xf32> to vector<256x128xf32>
    %bitcast_convert_type3A_156 = tpu.bitcast %slice3A_155 : vector<256x128xf32> -> vector<256x128xi32>
    %and3A_157 = arith.constant -64 : i32
    %and3A_158 = vector.broadcast %and3A_157 : i32 to vector<256x128xi32>
    %and3A_159 = arith.andi %bitcast_convert_type3A_156, %and3A_158 : vector<256x128xi32>
    %or3A_160 = arith.constant 9 : i32
    %or3A_161 = vector.broadcast %or3A_160 : i32 to vector<256x128xi32>
    %or3A_162 = arith.ori %and3A_159, %or3A_161 : vector<256x128xi32>
    %slice3A_163 = vector.extract_strided_slice %sub3A {offsets = [0, 1280], sizes = [256, 128], strides = [1, 1]} : vector<256x8192xf32> to vector<256x128xf32>
    %bitcast_convert_type3A_164 = tpu.bitcast %slice3A_163 : vector<256x128xf32> -> vector<256x128xi32>
    %and3A_165 = arith.constant -64 : i32
    %and3A_166 = vector.broadcast %and3A_165 : i32 to vector<256x128xi32>
    %and3A_167 = arith.andi %bitcast_convert_type3A_164, %and3A_166 : vector<256x128xi32>
    %or3A_168 = arith.constant 10 : i32
    %or3A_169 = vector.broadcast %or3A_168 : i32 to vector<256x128xi32>
    %or3A_170 = arith.ori %and3A_167, %or3A_169 : vector<256x128xi32>
    %slice3A_171 = vector.extract_strided_slice %sub3A {offsets = [0, 1408], sizes = [256, 128], strides = [1, 1]} : vector<256x8192xf32> to vector<256x128xf32>
    %bitcast_convert_type3A_172 = tpu.bitcast %slice3A_171 : vector<256x128xf32> -> vector<256x128xi32>
    %and3A_173 = arith.constant -64 : i32
    %and3A_174 = vector.broadcast %and3A_173 : i32 to vector<256x128xi32>
    %and3A_175 = arith.andi %bitcast_convert_type3A_172, %and3A_174 : vector<256x128xi32>
    %or3A_176 = arith.constant 11 : i32
    %or3A_177 = vector.broadcast %or3A_176 : i32 to vector<256x128xi32>
    %or3A_178 = arith.ori %and3A_175, %or3A_177 : vector<256x128xi32>
    %slice3A_179 = vector.extract_strided_slice %sub3A {offsets = [0, 1536], sizes = [256, 128], strides = [1, 1]} : vector<256x8192xf32> to vector<256x128xf32>
    %bitcast_convert_type3A_180 = tpu.bitcast %slice3A_179 : vector<256x128xf32> -> vector<256x128xi32>
    %and3A_181 = arith.constant -64 : i32
    %and3A_182 = vector.broadcast %and3A_181 : i32 to vector<256x128xi32>
    %and3A_183 = arith.andi %bitcast_convert_type3A_180, %and3A_182 : vector<256x128xi32>
    %or3A_184 = arith.constant 12 : i32
    %or3A_185 = vector.broadcast %or3A_184 : i32 to vector<256x128xi32>
    %or3A_186 = arith.ori %and3A_183, %or3A_185 : vector<256x128xi32>
    %slice3A_187 = vector.extract_strided_slice %sub3A {offsets = [0, 1664], sizes = [256, 128], strides = [1, 1]} : vector<256x8192xf32> to vector<256x128xf32>
    %bitcast_convert_type3A_188 = tpu.bitcast %slice3A_187 : vector<256x128xf32> -> vector<256x128xi32>
    %and3A_189 = arith.constant -64 : i32
    %and3A_190 = vector.broadcast %and3A_189 : i32 to vector<256x128xi32>
    %and3A_191 = arith.andi %bitcast_convert_type3A_188, %and3A_190 : vector<256x128xi32>
    %or3A_192 = arith.constant 13 : i32
    %or3A_193 = vector.broadcast %or3A_192 : i32 to vector<256x128xi32>
    %or3A_194 = arith.ori %and3A_191, %or3A_193 : vector<256x128xi32>
    %slice3A_195 = vector.extract_strided_slice %sub3A {offsets = [0, 1792], sizes = [256, 128], strides = [1, 1]} : vector<256x8192xf32> to vector<256x128xf32>
    %bitcast_convert_type3A_196 = tpu.bitcast %slice3A_195 : vector<256x128xf32> -> vector<256x128xi32>
    %and3A_197 = arith.constant -64 : i32
    %and3A_198 = vector.broadcast %and3A_197 : i32 to vector<256x128xi32>
    %and3A_199 = arith.andi %bitcast_convert_type3A_196, %and3A_198 : vector<256x128xi32>
    %or3A_200 = arith.constant 14 : i32
    %or3A_201 = vector.broadcast %or3A_200 : i32 to vector<256x128xi32>
    %or3A_202 = arith.ori %and3A_199, %or3A_201 : vector<256x128xi32>
    %slice3A_203 = vector.extract_strided_slice %sub3A {offsets = [0, 1920], sizes = [256, 128], strides = [1, 1]} : vector<256x8192xf32> to vector<256x128xf32>
    %bitcast_convert_type3A_204 = tpu.bitcast %slice3A_203 : vector<256x128xf32> -> vector<256x128xi32>
    %and3A_205 = arith.constant -64 : i32
    %and3A_206 = vector.broadcast %and3A_205 : i32 to vector<256x128xi32>
    %and3A_207 = arith.andi %bitcast_convert_type3A_204, %and3A_206 : vector<256x128xi32>
    %or3A_208 = arith.constant 15 : i32
    %or3A_209 = vector.broadcast %or3A_208 : i32 to vector<256x128xi32>
    %or3A_210 = arith.ori %and3A_207, %or3A_209 : vector<256x128xi32>
    %slice3A_211 = vector.extract_strided_slice %sub3A {offsets = [0, 2048], sizes = [256, 128], strides = [1, 1]} : vector<256x8192xf32> to vector<256x128xf32>
    %bitcast_convert_type3A_212 = tpu.bitcast %slice3A_211 : vector<256x128xf32> -> vector<256x128xi32>
    %and3A_213 = arith.constant -64 : i32
    %and3A_214 = vector.broadcast %and3A_213 : i32 to vector<256x128xi32>
    %and3A_215 = arith.andi %bitcast_convert_type3A_212, %and3A_214 : vector<256x128xi32>
    %or3A_216 = arith.constant 16 : i32
    %or3A_217 = vector.broadcast %or3A_216 : i32 to vector<256x128xi32>
    %or3A_218 = arith.ori %and3A_215, %or3A_217 : vector<256x128xi32>
    %slice3A_219 = vector.extract_strided_slice %sub3A {offsets = [0, 2176], sizes = [256, 128], strides = [1, 1]} : vector<256x8192xf32> to vector<256x128xf32>
    %bitcast_convert_type3A_220 = tpu.bitcast %slice3A_219 : vector<256x128xf32> -> vector<256x128xi32>
    %and3A_221 = arith.constant -64 : i32
    %and3A_222 = vector.broadcast %and3A_221 : i32 to vector<256x128xi32>
    %and3A_223 = arith.andi %bitcast_convert_type3A_220, %and3A_222 : vector<256x128xi32>
    %or3A_224 = arith.constant 17 : i32
    %or3A_225 = vector.broadcast %or3A_224 : i32 to vector<256x128xi32>
    %or3A_226 = arith.ori %and3A_223, %or3A_225 : vector<256x128xi32>
    %slice3A_227 = vector.extract_strided_slice %sub3A {offsets = [0, 2304], sizes = [256, 128], strides = [1, 1]} : vector<256x8192xf32> to vector<256x128xf32>
    %bitcast_convert_type3A_228 = tpu.bitcast %slice3A_227 : vector<256x128xf32> -> vector<256x128xi32>
    %and3A_229 = arith.constant -64 : i32
    %and3A_230 = vector.broadcast %and3A_229 : i32 to vector<256x128xi32>
    %and3A_231 = arith.andi %bitcast_convert_type3A_228, %and3A_230 : vector<256x128xi32>
    %or3A_232 = arith.constant 18 : i32
    %or3A_233 = vector.broadcast %or3A_232 : i32 to vector<256x128xi32>
    %or3A_234 = arith.ori %and3A_231, %or3A_233 : vector<256x128xi32>
    %slice3A_235 = vector.extract_strided_slice %sub3A {offsets = [0, 2432], sizes = [256, 128], strides = [1, 1]} : vector<256x8192xf32> to vector<256x128xf32>
    %bitcast_convert_type3A_236 = tpu.bitcast %slice3A_235 : vector<256x128xf32> -> vector<256x128xi32>
    %and3A_237 = arith.constant -64 : i32
    %and3A_238 = vector.broadcast %and3A_237 : i32 to vector<256x128xi32>
    %and3A_239 = arith.andi %bitcast_convert_type3A_236, %and3A_238 : vector<256x128xi32>
    %or3A_240 = arith.constant 19 : i32
    %or3A_241 = vector.broadcast %or3A_240 : i32 to vector<256x128xi32>
    %or3A_242 = arith.ori %and3A_239, %or3A_241 : vector<256x128xi32>
    %slice3A_243 = vector.extract_strided_slice %sub3A {offsets = [0, 2560], sizes = [256, 128], strides = [1, 1]} : vector<256x8192xf32> to vector<256x128xf32>
    %bitcast_convert_type3A_244 = tpu.bitcast %slice3A_243 : vector<256x128xf32> -> vector<256x128xi32>
    %and3A_245 = arith.constant -64 : i32
    %and3A_246 = vector.broadcast %and3A_245 : i32 to vector<256x128xi32>
    %and3A_247 = arith.andi %bitcast_convert_type3A_244, %and3A_246 : vector<256x128xi32>
    %or3A_248 = arith.constant 20 : i32
    %or3A_249 = vector.broadcast %or3A_248 : i32 to vector<256x128xi32>
    %or3A_250 = arith.ori %and3A_247, %or3A_249 : vector<256x128xi32>
    %slice3A_251 = vector.extract_strided_slice %sub3A {offsets = [0, 2688], sizes = [256, 128], strides = [1, 1]} : vector<256x8192xf32> to vector<256x128xf32>
    %bitcast_convert_type3A_252 = tpu.bitcast %slice3A_251 : vector<256x128xf32> -> vector<256x128xi32>
    %and3A_253 = arith.constant -64 : i32
    %and3A_254 = vector.broadcast %and3A_253 : i32 to vector<256x128xi32>
    %and3A_255 = arith.andi %bitcast_convert_type3A_252, %and3A_254 : vector<256x128xi32>
    %or3A_256 = arith.constant 21 : i32
    %or3A_257 = vector.broadcast %or3A_256 : i32 to vector<256x128xi32>
    %or3A_258 = arith.ori %and3A_255, %or3A_257 : vector<256x128xi32>
    %slice3A_259 = vector.extract_strided_slice %sub3A {offsets = [0, 2816], sizes = [256, 128], strides = [1, 1]} : vector<256x8192xf32> to vector<256x128xf32>
    %bitcast_convert_type3A_260 = tpu.bitcast %slice3A_259 : vector<256x128xf32> -> vector<256x128xi32>
    %and3A_261 = arith.constant -64 : i32
    %and3A_262 = vector.broadcast %and3A_261 : i32 to vector<256x128xi32>
    %and3A_263 = arith.andi %bitcast_convert_type3A_260, %and3A_262 : vector<256x128xi32>
    %or3A_264 = arith.constant 22 : i32
    %or3A_265 = vector.broadcast %or3A_264 : i32 to vector<256x128xi32>
    %or3A_266 = arith.ori %and3A_263, %or3A_265 : vector<256x128xi32>
    %slice3A_267 = vector.extract_strided_slice %sub3A {offsets = [0, 2944], sizes = [256, 128], strides = [1, 1]} : vector<256x8192xf32> to vector<256x128xf32>
    %bitcast_convert_type3A_268 = tpu.bitcast %slice3A_267 : vector<256x128xf32> -> vector<256x128xi32>
    %and3A_269 = arith.constant -64 : i32
    %and3A_270 = vector.broadcast %and3A_269 : i32 to vector<256x128xi32>
    %and3A_271 = arith.andi %bitcast_convert_type3A_268, %and3A_270 : vector<256x128xi32>
    %or3A_272 = arith.constant 23 : i32
    %or3A_273 = vector.broadcast %or3A_272 : i32 to vector<256x128xi32>
    %or3A_274 = arith.ori %and3A_271, %or3A_273 : vector<256x128xi32>
    %slice3A_275 = vector.extract_strided_slice %sub3A {offsets = [0, 3072], sizes = [256, 128], strides = [1, 1]} : vector<256x8192xf32> to vector<256x128xf32>
    %bitcast_convert_type3A_276 = tpu.bitcast %slice3A_275 : vector<256x128xf32> -> vector<256x128xi32>
    %and3A_277 = arith.constant -64 : i32
    %and3A_278 = vector.broadcast %and3A_277 : i32 to vector<256x128xi32>
    %and3A_279 = arith.andi %bitcast_convert_type3A_276, %and3A_278 : vector<256x128xi32>
    %or3A_280 = arith.constant 24 : i32
    %or3A_281 = vector.broadcast %or3A_280 : i32 to vector<256x128xi32>
    %or3A_282 = arith.ori %and3A_279, %or3A_281 : vector<256x128xi32>
    %slice3A_283 = vector.extract_strided_slice %sub3A {offsets = [0, 3200], sizes = [256, 128], strides = [1, 1]} : vector<256x8192xf32> to vector<256x128xf32>
    %bitcast_convert_type3A_284 = tpu.bitcast %slice3A_283 : vector<256x128xf32> -> vector<256x128xi32>
    %and3A_285 = arith.constant -64 : i32
    %and3A_286 = vector.broadcast %and3A_285 : i32 to vector<256x128xi32>
    %and3A_287 = arith.andi %bitcast_convert_type3A_284, %and3A_286 : vector<256x128xi32>
    %or3A_288 = arith.constant 25 : i32
    %or3A_289 = vector.broadcast %or3A_288 : i32 to vector<256x128xi32>
    %or3A_290 = arith.ori %and3A_287, %or3A_289 : vector<256x128xi32>
    %slice3A_291 = vector.extract_strided_slice %sub3A {offsets = [0, 3328], sizes = [256, 128], strides = [1, 1]} : vector<256x8192xf32> to vector<256x128xf32>
    %bitcast_convert_type3A_292 = tpu.bitcast %slice3A_291 : vector<256x128xf32> -> vector<256x128xi32>
    %and3A_293 = arith.constant -64 : i32
    %and3A_294 = vector.broadcast %and3A_293 : i32 to vector<256x128xi32>
    %and3A_295 = arith.andi %bitcast_convert_type3A_292, %and3A_294 : vector<256x128xi32>
    %or3A_296 = arith.constant 26 : i32
    %or3A_297 = vector.broadcast %or3A_296 : i32 to vector<256x128xi32>
    %or3A_298 = arith.ori %and3A_295, %or3A_297 : vector<256x128xi32>
    %slice3A_299 = vector.extract_strided_slice %sub3A {offsets = [0, 3456], sizes = [256, 128], strides = [1, 1]} : vector<256x8192xf32> to vector<256x128xf32>
    %bitcast_convert_type3A_300 = tpu.bitcast %slice3A_299 : vector<256x128xf32> -> vector<256x128xi32>
    %and3A_301 = arith.constant -64 : i32
    %and3A_302 = vector.broadcast %and3A_301 : i32 to vector<256x128xi32>
    %and3A_303 = arith.andi %bitcast_convert_type3A_300, %and3A_302 : vector<256x128xi32>
    %or3A_304 = arith.constant 27 : i32
    %or3A_305 = vector.broadcast %or3A_304 : i32 to vector<256x128xi32>
    %or3A_306 = arith.ori %and3A_303, %or3A_305 : vector<256x128xi32>
    %slice3A_307 = vector.extract_strided_slice %sub3A {offsets = [0, 3584], sizes = [256, 128], strides = [1, 1]} : vector<256x8192xf32> to vector<256x128xf32>
    %bitcast_convert_type3A_308 = tpu.bitcast %slice3A_307 : vector<256x128xf32> -> vector<256x128xi32>
    %and3A_309 = arith.constant -64 : i32
    %and3A_310 = vector.broadcast %and3A_309 : i32 to vector<256x128xi32>
    %and3A_311 = arith.andi %bitcast_convert_type3A_308, %and3A_310 : vector<256x128xi32>
    %or3A_312 = arith.constant 28 : i32
    %or3A_313 = vector.broadcast %or3A_312 : i32 to vector<256x128xi32>
    %or3A_314 = arith.ori %and3A_311, %or3A_313 : vector<256x128xi32>
    %slice3A_315 = vector.extract_strided_slice %sub3A {offsets = [0, 3712], sizes = [256, 128], strides = [1, 1]} : vector<256x8192xf32> to vector<256x128xf32>
    %bitcast_convert_type3A_316 = tpu.bitcast %slice3A_315 : vector<256x128xf32> -> vector<256x128xi32>
    %and3A_317 = arith.constant -64 : i32
    %and3A_318 = vector.broadcast %and3A_317 : i32 to vector<256x128xi32>
    %and3A_319 = arith.andi %bitcast_convert_type3A_316, %and3A_318 : vector<256x128xi32>
    %or3A_320 = arith.constant 29 : i32
    %or3A_321 = vector.broadcast %or3A_320 : i32 to vector<256x128xi32>
    %or3A_322 = arith.ori %and3A_319, %or3A_321 : vector<256x128xi32>
    %slice3A_323 = vector.extract_strided_slice %sub3A {offsets = [0, 3840], sizes = [256, 128], strides = [1, 1]} : vector<256x8192xf32> to vector<256x128xf32>
    %bitcast_convert_type3A_324 = tpu.bitcast %slice3A_323 : vector<256x128xf32> -> vector<256x128xi32>
    %and3A_325 = arith.constant -64 : i32
    %and3A_326 = vector.broadcast %and3A_325 : i32 to vector<256x128xi32>
    %and3A_327 = arith.andi %bitcast_convert_type3A_324, %and3A_326 : vector<256x128xi32>
    %or3A_328 = arith.constant 30 : i32
    %or3A_329 = vector.broadcast %or3A_328 : i32 to vector<256x128xi32>
    %or3A_330 = arith.ori %and3A_327, %or3A_329 : vector<256x128xi32>
    %slice3A_331 = vector.extract_strided_slice %sub3A {offsets = [0, 3968], sizes = [256, 128], strides = [1, 1]} : vector<256x8192xf32> to vector<256x128xf32>
    %bitcast_convert_type3A_332 = tpu.bitcast %slice3A_331 : vector<256x128xf32> -> vector<256x128xi32>
    %and3A_333 = arith.constant -64 : i32
    %and3A_334 = vector.broadcast %and3A_333 : i32 to vector<256x128xi32>
    %and3A_335 = arith.andi %bitcast_convert_type3A_332, %and3A_334 : vector<256x128xi32>
    %or3A_336 = arith.constant 31 : i32
    %or3A_337 = vector.broadcast %or3A_336 : i32 to vector<256x128xi32>
    %or3A_338 = arith.ori %and3A_335, %or3A_337 : vector<256x128xi32>
    %slice3A_339 = vector.extract_strided_slice %sub3A {offsets = [0, 4096], sizes = [256, 128], strides = [1, 1]} : vector<256x8192xf32> to vector<256x128xf32>
    %bitcast_convert_type3A_340 = tpu.bitcast %slice3A_339 : vector<256x128xf32> -> vector<256x128xi32>
    %and3A_341 = arith.constant -64 : i32
    %and3A_342 = vector.broadcast %and3A_341 : i32 to vector<256x128xi32>
    %and3A_343 = arith.andi %bitcast_convert_type3A_340, %and3A_342 : vector<256x128xi32>
    %or3A_344 = arith.constant 32 : i32
    %or3A_345 = vector.broadcast %or3A_344 : i32 to vector<256x128xi32>
    %or3A_346 = arith.ori %and3A_343, %or3A_345 : vector<256x128xi32>
    %slice3A_347 = vector.extract_strided_slice %sub3A {offsets = [0, 4224], sizes = [256, 128], strides = [1, 1]} : vector<256x8192xf32> to vector<256x128xf32>
    %bitcast_convert_type3A_348 = tpu.bitcast %slice3A_347 : vector<256x128xf32> -> vector<256x128xi32>
    %and3A_349 = arith.constant -64 : i32
    %and3A_350 = vector.broadcast %and3A_349 : i32 to vector<256x128xi32>
    %and3A_351 = arith.andi %bitcast_convert_type3A_348, %and3A_350 : vector<256x128xi32>
    %or3A_352 = arith.constant 33 : i32
    %or3A_353 = vector.broadcast %or3A_352 : i32 to vector<256x128xi32>
    %or3A_354 = arith.ori %and3A_351, %or3A_353 : vector<256x128xi32>
    %slice3A_355 = vector.extract_strided_slice %sub3A {offsets = [0, 4352], sizes = [256, 128], strides = [1, 1]} : vector<256x8192xf32> to vector<256x128xf32>
    %bitcast_convert_type3A_356 = tpu.bitcast %slice3A_355 : vector<256x128xf32> -> vector<256x128xi32>
    %and3A_357 = arith.constant -64 : i32
    %and3A_358 = vector.broadcast %and3A_357 : i32 to vector<256x128xi32>
    %and3A_359 = arith.andi %bitcast_convert_type3A_356, %and3A_358 : vector<256x128xi32>
    %or3A_360 = arith.constant 34 : i32
    %or3A_361 = vector.broadcast %or3A_360 : i32 to vector<256x128xi32>
    %or3A_362 = arith.ori %and3A_359, %or3A_361 : vector<256x128xi32>
    %slice3A_363 = vector.extract_strided_slice %sub3A {offsets = [0, 4480], sizes = [256, 128], strides = [1, 1]} : vector<256x8192xf32> to vector<256x128xf32>
    %bitcast_convert_type3A_364 = tpu.bitcast %slice3A_363 : vector<256x128xf32> -> vector<256x128xi32>
    %and3A_365 = arith.constant -64 : i32
    %and3A_366 = vector.broadcast %and3A_365 : i32 to vector<256x128xi32>
    %and3A_367 = arith.andi %bitcast_convert_type3A_364, %and3A_366 : vector<256x128xi32>
    %or3A_368 = arith.constant 35 : i32
    %or3A_369 = vector.broadcast %or3A_368 : i32 to vector<256x128xi32>
    %or3A_370 = arith.ori %and3A_367, %or3A_369 : vector<256x128xi32>
    %slice3A_371 = vector.extract_strided_slice %sub3A {offsets = [0, 4608], sizes = [256, 128], strides = [1, 1]} : vector<256x8192xf32> to vector<256x128xf32>
    %bitcast_convert_type3A_372 = tpu.bitcast %slice3A_371 : vector<256x128xf32> -> vector<256x128xi32>
    %and3A_373 = arith.constant -64 : i32
    %and3A_374 = vector.broadcast %and3A_373 : i32 to vector<256x128xi32>
    %and3A_375 = arith.andi %bitcast_convert_type3A_372, %and3A_374 : vector<256x128xi32>
    %or3A_376 = arith.constant 36 : i32
    %or3A_377 = vector.broadcast %or3A_376 : i32 to vector<256x128xi32>
    %or3A_378 = arith.ori %and3A_375, %or3A_377 : vector<256x128xi32>
    %slice3A_379 = vector.extract_strided_slice %sub3A {offsets = [0, 4736], sizes = [256, 128], strides = [1, 1]} : vector<256x8192xf32> to vector<256x128xf32>
    %bitcast_convert_type3A_380 = tpu.bitcast %slice3A_379 : vector<256x128xf32> -> vector<256x128xi32>
    %and3A_381 = arith.constant -64 : i32
    %and3A_382 = vector.broadcast %and3A_381 : i32 to vector<256x128xi32>
    %and3A_383 = arith.andi %bitcast_convert_type3A_380, %and3A_382 : vector<256x128xi32>
    %or3A_384 = arith.constant 37 : i32
    %or3A_385 = vector.broadcast %or3A_384 : i32 to vector<256x128xi32>
    %or3A_386 = arith.ori %and3A_383, %or3A_385 : vector<256x128xi32>
    %slice3A_387 = vector.extract_strided_slice %sub3A {offsets = [0, 4864], sizes = [256, 128], strides = [1, 1]} : vector<256x8192xf32> to vector<256x128xf32>
    %bitcast_convert_type3A_388 = tpu.bitcast %slice3A_387 : vector<256x128xf32> -> vector<256x128xi32>
    %and3A_389 = arith.constant -64 : i32
    %and3A_390 = vector.broadcast %and3A_389 : i32 to vector<256x128xi32>
    %and3A_391 = arith.andi %bitcast_convert_type3A_388, %and3A_390 : vector<256x128xi32>
    %or3A_392 = arith.constant 38 : i32
    %or3A_393 = vector.broadcast %or3A_392 : i32 to vector<256x128xi32>
    %or3A_394 = arith.ori %and3A_391, %or3A_393 : vector<256x128xi32>
    %slice3A_395 = vector.extract_strided_slice %sub3A {offsets = [0, 4992], sizes = [256, 128], strides = [1, 1]} : vector<256x8192xf32> to vector<256x128xf32>
    %bitcast_convert_type3A_396 = tpu.bitcast %slice3A_395 : vector<256x128xf32> -> vector<256x128xi32>
    %and3A_397 = arith.constant -64 : i32
    %and3A_398 = vector.broadcast %and3A_397 : i32 to vector<256x128xi32>
    %and3A_399 = arith.andi %bitcast_convert_type3A_396, %and3A_398 : vector<256x128xi32>
    %or3A_400 = arith.constant 39 : i32
    %or3A_401 = vector.broadcast %or3A_400 : i32 to vector<256x128xi32>
    %or3A_402 = arith.ori %and3A_399, %or3A_401 : vector<256x128xi32>
    %slice3A_403 = vector.extract_strided_slice %sub3A {offsets = [0, 5120], sizes = [256, 128], strides = [1, 1]} : vector<256x8192xf32> to vector<256x128xf32>
    %bitcast_convert_type3A_404 = tpu.bitcast %slice3A_403 : vector<256x128xf32> -> vector<256x128xi32>
    %and3A_405 = arith.constant -64 : i32
    %and3A_406 = vector.broadcast %and3A_405 : i32 to vector<256x128xi32>
    %and3A_407 = arith.andi %bitcast_convert_type3A_404, %and3A_406 : vector<256x128xi32>
    %or3A_408 = arith.constant 40 : i32
    %or3A_409 = vector.broadcast %or3A_408 : i32 to vector<256x128xi32>
    %or3A_410 = arith.ori %and3A_407, %or3A_409 : vector<256x128xi32>
    %slice3A_411 = vector.extract_strided_slice %sub3A {offsets = [0, 5248], sizes = [256, 128], strides = [1, 1]} : vector<256x8192xf32> to vector<256x128xf32>
    %bitcast_convert_type3A_412 = tpu.bitcast %slice3A_411 : vector<256x128xf32> -> vector<256x128xi32>
    %and3A_413 = arith.constant -64 : i32
    %and3A_414 = vector.broadcast %and3A_413 : i32 to vector<256x128xi32>
    %and3A_415 = arith.andi %bitcast_convert_type3A_412, %and3A_414 : vector<256x128xi32>
    %or3A_416 = arith.constant 41 : i32
    %or3A_417 = vector.broadcast %or3A_416 : i32 to vector<256x128xi32>
    %or3A_418 = arith.ori %and3A_415, %or3A_417 : vector<256x128xi32>
    %slice3A_419 = vector.extract_strided_slice %sub3A {offsets = [0, 5376], sizes = [256, 128], strides = [1, 1]} : vector<256x8192xf32> to vector<256x128xf32>
    %bitcast_convert_type3A_420 = tpu.bitcast %slice3A_419 : vector<256x128xf32> -> vector<256x128xi32>
    %and3A_421 = arith.constant -64 : i32
    %and3A_422 = vector.broadcast %and3A_421 : i32 to vector<256x128xi32>
    %and3A_423 = arith.andi %bitcast_convert_type3A_420, %and3A_422 : vector<256x128xi32>
    %or3A_424 = arith.constant 42 : i32
    %or3A_425 = vector.broadcast %or3A_424 : i32 to vector<256x128xi32>
    %or3A_426 = arith.ori %and3A_423, %or3A_425 : vector<256x128xi32>
    %slice3A_427 = vector.extract_strided_slice %sub3A {offsets = [0, 5504], sizes = [256, 128], strides = [1, 1]} : vector<256x8192xf32> to vector<256x128xf32>
    %bitcast_convert_type3A_428 = tpu.bitcast %slice3A_427 : vector<256x128xf32> -> vector<256x128xi32>
    %and3A_429 = arith.constant -64 : i32
    %and3A_430 = vector.broadcast %and3A_429 : i32 to vector<256x128xi32>
    %and3A_431 = arith.andi %bitcast_convert_type3A_428, %and3A_430 : vector<256x128xi32>
    %or3A_432 = arith.constant 43 : i32
    %or3A_433 = vector.broadcast %or3A_432 : i32 to vector<256x128xi32>
    %or3A_434 = arith.ori %and3A_431, %or3A_433 : vector<256x128xi32>
    %slice3A_435 = vector.extract_strided_slice %sub3A {offsets = [0, 5632], sizes = [256, 128], strides = [1, 1]} : vector<256x8192xf32> to vector<256x128xf32>
    %bitcast_convert_type3A_436 = tpu.bitcast %slice3A_435 : vector<256x128xf32> -> vector<256x128xi32>
    %and3A_437 = arith.constant -64 : i32
    %and3A_438 = vector.broadcast %and3A_437 : i32 to vector<256x128xi32>
    %and3A_439 = arith.andi %bitcast_convert_type3A_436, %and3A_438 : vector<256x128xi32>
    %or3A_440 = arith.constant 44 : i32
    %or3A_441 = vector.broadcast %or3A_440 : i32 to vector<256x128xi32>
    %or3A_442 = arith.ori %and3A_439, %or3A_441 : vector<256x128xi32>
    %slice3A_443 = vector.extract_strided_slice %sub3A {offsets = [0, 5760], sizes = [256, 128], strides = [1, 1]} : vector<256x8192xf32> to vector<256x128xf32>
    %bitcast_convert_type3A_444 = tpu.bitcast %slice3A_443 : vector<256x128xf32> -> vector<256x128xi32>
    %and3A_445 = arith.constant -64 : i32
    %and3A_446 = vector.broadcast %and3A_445 : i32 to vector<256x128xi32>
    %and3A_447 = arith.andi %bitcast_convert_type3A_444, %and3A_446 : vector<256x128xi32>
    %or3A_448 = arith.constant 45 : i32
    %or3A_449 = vector.broadcast %or3A_448 : i32 to vector<256x128xi32>
    %or3A_450 = arith.ori %and3A_447, %or3A_449 : vector<256x128xi32>
    %slice3A_451 = vector.extract_strided_slice %sub3A {offsets = [0, 5888], sizes = [256, 128], strides = [1, 1]} : vector<256x8192xf32> to vector<256x128xf32>
    %bitcast_convert_type3A_452 = tpu.bitcast %slice3A_451 : vector<256x128xf32> -> vector<256x128xi32>
    %and3A_453 = arith.constant -64 : i32
    %and3A_454 = vector.broadcast %and3A_453 : i32 to vector<256x128xi32>
    %and3A_455 = arith.andi %bitcast_convert_type3A_452, %and3A_454 : vector<256x128xi32>
    %or3A_456 = arith.constant 46 : i32
    %or3A_457 = vector.broadcast %or3A_456 : i32 to vector<256x128xi32>
    %or3A_458 = arith.ori %and3A_455, %or3A_457 : vector<256x128xi32>
    %slice3A_459 = vector.extract_strided_slice %sub3A {offsets = [0, 6016], sizes = [256, 128], strides = [1, 1]} : vector<256x8192xf32> to vector<256x128xf32>
    %bitcast_convert_type3A_460 = tpu.bitcast %slice3A_459 : vector<256x128xf32> -> vector<256x128xi32>
    %and3A_461 = arith.constant -64 : i32
    %and3A_462 = vector.broadcast %and3A_461 : i32 to vector<256x128xi32>
    %and3A_463 = arith.andi %bitcast_convert_type3A_460, %and3A_462 : vector<256x128xi32>
    %or3A_464 = arith.constant 47 : i32
    %or3A_465 = vector.broadcast %or3A_464 : i32 to vector<256x128xi32>
    %or3A_466 = arith.ori %and3A_463, %or3A_465 : vector<256x128xi32>
    %slice3A_467 = vector.extract_strided_slice %sub3A {offsets = [0, 6144], sizes = [256, 128], strides = [1, 1]} : vector<256x8192xf32> to vector<256x128xf32>
    %bitcast_convert_type3A_468 = tpu.bitcast %slice3A_467 : vector<256x128xf32> -> vector<256x128xi32>
    %and3A_469 = arith.constant -64 : i32
    %and3A_470 = vector.broadcast %and3A_469 : i32 to vector<256x128xi32>
    %and3A_471 = arith.andi %bitcast_convert_type3A_468, %and3A_470 : vector<256x128xi32>
    %or3A_472 = arith.constant 48 : i32
    %or3A_473 = vector.broadcast %or3A_472 : i32 to vector<256x128xi32>
    %or3A_474 = arith.ori %and3A_471, %or3A_473 : vector<256x128xi32>
    %slice3A_475 = vector.extract_strided_slice %sub3A {offsets = [0, 6272], sizes = [256, 128], strides = [1, 1]} : vector<256x8192xf32> to vector<256x128xf32>
    %bitcast_convert_type3A_476 = tpu.bitcast %slice3A_475 : vector<256x128xf32> -> vector<256x128xi32>
    %and3A_477 = arith.constant -64 : i32
    %and3A_478 = vector.broadcast %and3A_477 : i32 to vector<256x128xi32>
    %and3A_479 = arith.andi %bitcast_convert_type3A_476, %and3A_478 : vector<256x128xi32>
    %or3A_480 = arith.constant 49 : i32
    %or3A_481 = vector.broadcast %or3A_480 : i32 to vector<256x128xi32>
    %or3A_482 = arith.ori %and3A_479, %or3A_481 : vector<256x128xi32>
    %slice3A_483 = vector.extract_strided_slice %sub3A {offsets = [0, 6400], sizes = [256, 128], strides = [1, 1]} : vector<256x8192xf32> to vector<256x128xf32>
    %bitcast_convert_type3A_484 = tpu.bitcast %slice3A_483 : vector<256x128xf32> -> vector<256x128xi32>
    %and3A_485 = arith.constant -64 : i32
    %and3A_486 = vector.broadcast %and3A_485 : i32 to vector<256x128xi32>
    %and3A_487 = arith.andi %bitcast_convert_type3A_484, %and3A_486 : vector<256x128xi32>
    %or3A_488 = arith.constant 50 : i32
    %or3A_489 = vector.broadcast %or3A_488 : i32 to vector<256x128xi32>
    %or3A_490 = arith.ori %and3A_487, %or3A_489 : vector<256x128xi32>
    %slice3A_491 = vector.extract_strided_slice %sub3A {offsets = [0, 6528], sizes = [256, 128], strides = [1, 1]} : vector<256x8192xf32> to vector<256x128xf32>
    %bitcast_convert_type3A_492 = tpu.bitcast %slice3A_491 : vector<256x128xf32> -> vector<256x128xi32>
    %and3A_493 = arith.constant -64 : i32
    %and3A_494 = vector.broadcast %and3A_493 : i32 to vector<256x128xi32>
    %and3A_495 = arith.andi %bitcast_convert_type3A_492, %and3A_494 : vector<256x128xi32>
    %or3A_496 = arith.constant 51 : i32
    %or3A_497 = vector.broadcast %or3A_496 : i32 to vector<256x128xi32>
    %or3A_498 = arith.ori %and3A_495, %or3A_497 : vector<256x128xi32>
    %slice3A_499 = vector.extract_strided_slice %sub3A {offsets = [0, 6656], sizes = [256, 128], strides = [1, 1]} : vector<256x8192xf32> to vector<256x128xf32>
    %bitcast_convert_type3A_500 = tpu.bitcast %slice3A_499 : vector<256x128xf32> -> vector<256x128xi32>
    %and3A_501 = arith.constant -64 : i32
    %and3A_502 = vector.broadcast %and3A_501 : i32 to vector<256x128xi32>
    %and3A_503 = arith.andi %bitcast_convert_type3A_500, %and3A_502 : vector<256x128xi32>
    %or3A_504 = arith.constant 52 : i32
    %or3A_505 = vector.broadcast %or3A_504 : i32 to vector<256x128xi32>
    %or3A_506 = arith.ori %and3A_503, %or3A_505 : vector<256x128xi32>
    %slice3A_507 = vector.extract_strided_slice %sub3A {offsets = [0, 6784], sizes = [256, 128], strides = [1, 1]} : vector<256x8192xf32> to vector<256x128xf32>
    %bitcast_convert_type3A_508 = tpu.bitcast %slice3A_507 : vector<256x128xf32> -> vector<256x128xi32>
    %and3A_509 = arith.constant -64 : i32
    %and3A_510 = vector.broadcast %and3A_509 : i32 to vector<256x128xi32>
    %and3A_511 = arith.andi %bitcast_convert_type3A_508, %and3A_510 : vector<256x128xi32>
    %or3A_512 = arith.constant 53 : i32
    %or3A_513 = vector.broadcast %or3A_512 : i32 to vector<256x128xi32>
    %or3A_514 = arith.ori %and3A_511, %or3A_513 : vector<256x128xi32>
    %slice3A_515 = vector.extract_strided_slice %sub3A {offsets = [0, 6912], sizes = [256, 128], strides = [1, 1]} : vector<256x8192xf32> to vector<256x128xf32>
    %bitcast_convert_type3A_516 = tpu.bitcast %slice3A_515 : vector<256x128xf32> -> vector<256x128xi32>
    %and3A_517 = arith.constant -64 : i32
    %and3A_518 = vector.broadcast %and3A_517 : i32 to vector<256x128xi32>
    %and3A_519 = arith.andi %bitcast_convert_type3A_516, %and3A_518 : vector<256x128xi32>
    %or3A_520 = arith.constant 54 : i32
    %or3A_521 = vector.broadcast %or3A_520 : i32 to vector<256x128xi32>
    %or3A_522 = arith.ori %and3A_519, %or3A_521 : vector<256x128xi32>
    %slice3A_523 = vector.extract_strided_slice %sub3A {offsets = [0, 7040], sizes = [256, 128], strides = [1, 1]} : vector<256x8192xf32> to vector<256x128xf32>
    %bitcast_convert_type3A_524 = tpu.bitcast %slice3A_523 : vector<256x128xf32> -> vector<256x128xi32>
    %and3A_525 = arith.constant -64 : i32
    %and3A_526 = vector.broadcast %and3A_525 : i32 to vector<256x128xi32>
    %and3A_527 = arith.andi %bitcast_convert_type3A_524, %and3A_526 : vector<256x128xi32>
    %or3A_528 = arith.constant 55 : i32
    %or3A_529 = vector.broadcast %or3A_528 : i32 to vector<256x128xi32>
    %or3A_530 = arith.ori %and3A_527, %or3A_529 : vector<256x128xi32>
    %slice3A_531 = vector.extract_strided_slice %sub3A {offsets = [0, 7168], sizes = [256, 128], strides = [1, 1]} : vector<256x8192xf32> to vector<256x128xf32>
    %bitcast_convert_type3A_532 = tpu.bitcast %slice3A_531 : vector<256x128xf32> -> vector<256x128xi32>
    %and3A_533 = arith.constant -64 : i32
    %and3A_534 = vector.broadcast %and3A_533 : i32 to vector<256x128xi32>
    %and3A_535 = arith.andi %bitcast_convert_type3A_532, %and3A_534 : vector<256x128xi32>
    %or3A_536 = arith.constant 56 : i32
    %or3A_537 = vector.broadcast %or3A_536 : i32 to vector<256x128xi32>
    %or3A_538 = arith.ori %and3A_535, %or3A_537 : vector<256x128xi32>
    %slice3A_539 = vector.extract_strided_slice %sub3A {offsets = [0, 7296], sizes = [256, 128], strides = [1, 1]} : vector<256x8192xf32> to vector<256x128xf32>
    %bitcast_convert_type3A_540 = tpu.bitcast %slice3A_539 : vector<256x128xf32> -> vector<256x128xi32>
    %and3A_541 = arith.constant -64 : i32
    %and3A_542 = vector.broadcast %and3A_541 : i32 to vector<256x128xi32>
    %and3A_543 = arith.andi %bitcast_convert_type3A_540, %and3A_542 : vector<256x128xi32>
    %or3A_544 = arith.constant 57 : i32
    %or3A_545 = vector.broadcast %or3A_544 : i32 to vector<256x128xi32>
    %or3A_546 = arith.ori %and3A_543, %or3A_545 : vector<256x128xi32>
    %slice3A_547 = vector.extract_strided_slice %sub3A {offsets = [0, 7424], sizes = [256, 128], strides = [1, 1]} : vector<256x8192xf32> to vector<256x128xf32>
    %bitcast_convert_type3A_548 = tpu.bitcast %slice3A_547 : vector<256x128xf32> -> vector<256x128xi32>
    %and3A_549 = arith.constant -64 : i32
    %and3A_550 = vector.broadcast %and3A_549 : i32 to vector<256x128xi32>
    %and3A_551 = arith.andi %bitcast_convert_type3A_548, %and3A_550 : vector<256x128xi32>
    %or3A_552 = arith.constant 58 : i32
    %or3A_553 = vector.broadcast %or3A_552 : i32 to vector<256x128xi32>
    %or3A_554 = arith.ori %and3A_551, %or3A_553 : vector<256x128xi32>
    %slice3A_555 = vector.extract_strided_slice %sub3A {offsets = [0, 7552], sizes = [256, 128], strides = [1, 1]} : vector<256x8192xf32> to vector<256x128xf32>
    %bitcast_convert_type3A_556 = tpu.bitcast %slice3A_555 : vector<256x128xf32> -> vector<256x128xi32>
    %and3A_557 = arith.constant -64 : i32
    %and3A_558 = vector.broadcast %and3A_557 : i32 to vector<256x128xi32>
    %and3A_559 = arith.andi %bitcast_convert_type3A_556, %and3A_558 : vector<256x128xi32>
    %or3A_560 = arith.constant 59 : i32
    %or3A_561 = vector.broadcast %or3A_560 : i32 to vector<256x128xi32>
    %or3A_562 = arith.ori %and3A_559, %or3A_561 : vector<256x128xi32>
    %slice3A_563 = vector.extract_strided_slice %sub3A {offsets = [0, 7680], sizes = [256, 128], strides = [1, 1]} : vector<256x8192xf32> to vector<256x128xf32>
    %bitcast_convert_type3A_564 = tpu.bitcast %slice3A_563 : vector<256x128xf32> -> vector<256x128xi32>
    %and3A_565 = arith.constant -64 : i32
    %and3A_566 = vector.broadcast %and3A_565 : i32 to vector<256x128xi32>
    %and3A_567 = arith.andi %bitcast_convert_type3A_564, %and3A_566 : vector<256x128xi32>
    %or3A_568 = arith.constant 60 : i32
    %or3A_569 = vector.broadcast %or3A_568 : i32 to vector<256x128xi32>
    %or3A_570 = arith.ori %and3A_567, %or3A_569 : vector<256x128xi32>
    %slice3A_571 = vector.extract_strided_slice %sub3A {offsets = [0, 7808], sizes = [256, 128], strides = [1, 1]} : vector<256x8192xf32> to vector<256x128xf32>
    %bitcast_convert_type3A_572 = tpu.bitcast %slice3A_571 : vector<256x128xf32> -> vector<256x128xi32>
    %and3A_573 = arith.constant -64 : i32
    %and3A_574 = vector.broadcast %and3A_573 : i32 to vector<256x128xi32>
    %and3A_575 = arith.andi %bitcast_convert_type3A_572, %and3A_574 : vector<256x128xi32>
    %or3A_576 = arith.constant 61 : i32
    %or3A_577 = vector.broadcast %or3A_576 : i32 to vector<256x128xi32>
    %or3A_578 = arith.ori %and3A_575, %or3A_577 : vector<256x128xi32>
    %slice3A_579 = vector.extract_strided_slice %sub3A {offsets = [0, 7936], sizes = [256, 128], strides = [1, 1]} : vector<256x8192xf32> to vector<256x128xf32>
    %bitcast_convert_type3A_580 = tpu.bitcast %slice3A_579 : vector<256x128xf32> -> vector<256x128xi32>
    %and3A_581 = arith.constant -64 : i32
    %and3A_582 = vector.broadcast %and3A_581 : i32 to vector<256x128xi32>
    %and3A_583 = arith.andi %bitcast_convert_type3A_580, %and3A_582 : vector<256x128xi32>
    %or3A_584 = arith.constant 62 : i32
    %or3A_585 = vector.broadcast %or3A_584 : i32 to vector<256x128xi32>
    %or3A_586 = arith.ori %and3A_583, %or3A_585 : vector<256x128xi32>
    %slice3A_587 = vector.extract_strided_slice %sub3A {offsets = [0, 8064], sizes = [256, 128], strides = [1, 1]} : vector<256x8192xf32> to vector<256x128xf32>
    %bitcast_convert_type3A_588 = tpu.bitcast %slice3A_587 : vector<256x128xf32> -> vector<256x128xi32>
    %and3A_589 = arith.constant -64 : i32
    %and3A_590 = vector.broadcast %and3A_589 : i32 to vector<256x128xi32>
    %and3A_591 = arith.andi %bitcast_convert_type3A_588, %and3A_590 : vector<256x128xi32>
    %or3A_592 = arith.constant 63 : i32
    %or3A_593 = vector.broadcast %or3A_592 : i32 to vector<256x128xi32>
    %or3A_594 = arith.ori %and3A_591, %or3A_593 : vector<256x128xi32>
    %min3A = arith.minsi %or3A_90, %or3A_98 : vector<256x128xi32>
    %min3A_595 = arith.minsi %min3A, %or3A_106 : vector<256x128xi32>
    %min3A_596 = arith.minsi %min3A_595, %or3A_114 : vector<256x128xi32>
    %min3A_597 = arith.minsi %min3A_596, %or3A_122 : vector<256x128xi32>
    %min3A_598 = arith.minsi %min3A_597, %or3A_130 : vector<256x128xi32>
    %min3A_599 = arith.minsi %min3A_598, %or3A_138 : vector<256x128xi32>
    %min3A_600 = arith.minsi %min3A_599, %or3A_146 : vector<256x128xi32>
    %min3A_601 = arith.minsi %min3A_600, %or3A_154 : vector<256x128xi32>
    %min3A_602 = arith.minsi %min3A_601, %or3A_162 : vector<256x128xi32>
    %min3A_603 = arith.minsi %min3A_602, %or3A_170 : vector<256x128xi32>
    %min3A_604 = arith.minsi %min3A_603, %or3A_178 : vector<256x128xi32>
    %min3A_605 = arith.minsi %min3A_604, %or3A_186 : vector<256x128xi32>
    %min3A_606 = arith.minsi %min3A_605, %or3A_194 : vector<256x128xi32>
    %min3A_607 = arith.minsi %min3A_606, %or3A_202 : vector<256x128xi32>
    %min3A_608 = arith.minsi %min3A_607, %or3A_210 : vector<256x128xi32>
    %min3A_609 = arith.minsi %min3A_608, %or3A_218 : vector<256x128xi32>
    %min3A_610 = arith.minsi %min3A_609, %or3A_226 : vector<256x128xi32>
    %min3A_611 = arith.minsi %min3A_610, %or3A_234 : vector<256x128xi32>
    %min3A_612 = arith.minsi %min3A_611, %or3A_242 : vector<256x128xi32>
    %min3A_613 = arith.minsi %min3A_612, %or3A_250 : vector<256x128xi32>
    %min3A_614 = arith.minsi %min3A_613, %or3A_258 : vector<256x128xi32>
    %min3A_615 = arith.minsi %min3A_614, %or3A_266 : vector<256x128xi32>
    %min3A_616 = arith.minsi %min3A_615, %or3A_274 : vector<256x128xi32>
    %min3A_617 = arith.minsi %min3A_616, %or3A_282 : vector<256x128xi32>
    %min3A_618 = arith.minsi %min3A_617, %or3A_290 : vector<256x128xi32>
    %min3A_619 = arith.minsi %min3A_618, %or3A_298 : vector<256x128xi32>
    %min3A_620 = arith.minsi %min3A_619, %or3A_306 : vector<256x128xi32>
    %min3A_621 = arith.minsi %min3A_620, %or3A_314 : vector<256x128xi32>
    %min3A_622 = arith.minsi %min3A_621, %or3A_322 : vector<256x128xi32>
    %min3A_623 = arith.minsi %min3A_622, %or3A_330 : vector<256x128xi32>
    %min3A_624 = arith.minsi %min3A_623, %or3A_338 : vector<256x128xi32>
    %min3A_625 = arith.minsi %min3A_624, %or3A_346 : vector<256x128xi32>
    %min3A_626 = arith.minsi %min3A_625, %or3A_354 : vector<256x128xi32>
    %min3A_627 = arith.minsi %min3A_626, %or3A_362 : vector<256x128xi32>
    %min3A_628 = arith.minsi %min3A_627, %or3A_370 : vector<256x128xi32>
    %min3A_629 = arith.minsi %min3A_628, %or3A_378 : vector<256x128xi32>
    %min3A_630 = arith.minsi %min3A_629, %or3A_386 : vector<256x128xi32>
    %min3A_631 = arith.minsi %min3A_630, %or3A_394 : vector<256x128xi32>
    %min3A_632 = arith.minsi %min3A_631, %or3A_402 : vector<256x128xi32>
    %min3A_633 = arith.minsi %min3A_632, %or3A_410 : vector<256x128xi32>
    %min3A_634 = arith.minsi %min3A_633, %or3A_418 : vector<256x128xi32>
    %min3A_635 = arith.minsi %min3A_634, %or3A_426 : vector<256x128xi32>
    %min3A_636 = arith.minsi %min3A_635, %or3A_434 : vector<256x128xi32>
    %min3A_637 = arith.minsi %min3A_636, %or3A_442 : vector<256x128xi32>
    %min3A_638 = arith.minsi %min3A_637, %or3A_450 : vector<256x128xi32>
    %min3A_639 = arith.minsi %min3A_638, %or3A_458 : vector<256x128xi32>
    %min3A_640 = arith.minsi %min3A_639, %or3A_466 : vector<256x128xi32>
    %min3A_641 = arith.minsi %min3A_640, %or3A_474 : vector<256x128xi32>
    %min3A_642 = arith.minsi %min3A_641, %or3A_482 : vector<256x128xi32>
    %min3A_643 = arith.minsi %min3A_642, %or3A_490 : vector<256x128xi32>
    %min3A_644 = arith.minsi %min3A_643, %or3A_498 : vector<256x128xi32>
    %min3A_645 = arith.minsi %min3A_644, %or3A_506 : vector<256x128xi32>
    %min3A_646 = arith.minsi %min3A_645, %or3A_514 : vector<256x128xi32>
    %min3A_647 = arith.minsi %min3A_646, %or3A_522 : vector<256x128xi32>
    %min3A_648 = arith.minsi %min3A_647, %or3A_530 : vector<256x128xi32>
    %min3A_649 = arith.minsi %min3A_648, %or3A_538 : vector<256x128xi32>
    %min3A_650 = arith.minsi %min3A_649, %or3A_546 : vector<256x128xi32>
    %min3A_651 = arith.minsi %min3A_650, %or3A_554 : vector<256x128xi32>
    %min3A_652 = arith.minsi %min3A_651, %or3A_562 : vector<256x128xi32>
    %min3A_653 = arith.minsi %min3A_652, %or3A_570 : vector<256x128xi32>
    %min3A_654 = arith.minsi %min3A_653, %or3A_578 : vector<256x128xi32>
    %min3A_655 = arith.minsi %min3A_654, %or3A_586 : vector<256x128xi32>
    %min3A_656 = arith.minsi %min3A_655, %or3A_594 : vector<256x128xi32>
    %gt3A = arith.cmpi sgt, %or3A_90, %min3A_656 : vector<256x128xi32>
    %jit3A = arith.constant 2147483647 : i32
    %broadcast_in_dim3A_657 = vector.broadcast %jit3A : i32 to vector<256x128xi32>
    %select_n3A = arith.select %gt3A, %or3A_90, %broadcast_in_dim3A_657 : vector<256x128xi1>, vector<256x128xi32>
    %gt3A_658 = arith.cmpi sgt, %or3A_98, %min3A_656 : vector<256x128xi32>
    %jit3A_659 = arith.constant 2147483647 : i32
    %broadcast_in_dim3A_660 = vector.broadcast %jit3A_659 : i32 to vector<256x128xi32>
    %select_n3A_661 = arith.select %gt3A_658, %or3A_98, %broadcast_in_dim3A_660 : vector<256x128xi1>, vector<256x128xi32>
    %min3A_662 = arith.minsi %select_n3A, %select_n3A_661 : vector<256x128xi32>
    %gt3A_663 = arith.cmpi sgt, %or3A_106, %min3A_656 : vector<256x128xi32>
    %jit3A_664 = arith.constant 2147483647 : i32
    %broadcast_in_dim3A_665 = vector.broadcast %jit3A_664 : i32 to vector<256x128xi32>
    %select_n3A_666 = arith.select %gt3A_663, %or3A_106, %broadcast_in_dim3A_665 : vector<256x128xi1>, vector<256x128xi32>
    %min3A_667 = arith.minsi %min3A_662, %select_n3A_666 : vector<256x128xi32>
    %gt3A_668 = arith.cmpi sgt, %or3A_114, %min3A_656 : vector<256x128xi32>
    %jit3A_669 = arith.constant 2147483647 : i32
    %broadcast_in_dim3A_670 = vector.broadcast %jit3A_669 : i32 to vector<256x128xi32>
    %select_n3A_671 = arith.select %gt3A_668, %or3A_114, %broadcast_in_dim3A_670 : vector<256x128xi1>, vector<256x128xi32>
    %min3A_672 = arith.minsi %min3A_667, %select_n3A_671 : vector<256x128xi32>
    %gt3A_673 = arith.cmpi sgt, %or3A_122, %min3A_656 : vector<256x128xi32>
    %jit3A_674 = arith.constant 2147483647 : i32
    %broadcast_in_dim3A_675 = vector.broadcast %jit3A_674 : i32 to vector<256x128xi32>
    %select_n3A_676 = arith.select %gt3A_673, %or3A_122, %broadcast_in_dim3A_675 : vector<256x128xi1>, vector<256x128xi32>
    %min3A_677 = arith.minsi %min3A_672, %select_n3A_676 : vector<256x128xi32>
    %gt3A_678 = arith.cmpi sgt, %or3A_130, %min3A_656 : vector<256x128xi32>
    %jit3A_679 = arith.constant 2147483647 : i32
    %broadcast_in_dim3A_680 = vector.broadcast %jit3A_679 : i32 to vector<256x128xi32>
    %select_n3A_681 = arith.select %gt3A_678, %or3A_130, %broadcast_in_dim3A_680 : vector<256x128xi1>, vector<256x128xi32>
    %min3A_682 = arith.minsi %min3A_677, %select_n3A_681 : vector<256x128xi32>
    %gt3A_683 = arith.cmpi sgt, %or3A_138, %min3A_656 : vector<256x128xi32>
    %jit3A_684 = arith.constant 2147483647 : i32
    %broadcast_in_dim3A_685 = vector.broadcast %jit3A_684 : i32 to vector<256x128xi32>
    %select_n3A_686 = arith.select %gt3A_683, %or3A_138, %broadcast_in_dim3A_685 : vector<256x128xi1>, vector<256x128xi32>
    %min3A_687 = arith.minsi %min3A_682, %select_n3A_686 : vector<256x128xi32>
    %gt3A_688 = arith.cmpi sgt, %or3A_146, %min3A_656 : vector<256x128xi32>
    %jit3A_689 = arith.constant 2147483647 : i32
    %broadcast_in_dim3A_690 = vector.broadcast %jit3A_689 : i32 to vector<256x128xi32>
    %select_n3A_691 = arith.select %gt3A_688, %or3A_146, %broadcast_in_dim3A_690 : vector<256x128xi1>, vector<256x128xi32>
    %min3A_692 = arith.minsi %min3A_687, %select_n3A_691 : vector<256x128xi32>
    %gt3A_693 = arith.cmpi sgt, %or3A_154, %min3A_656 : vector<256x128xi32>
    %jit3A_694 = arith.constant 2147483647 : i32
    %broadcast_in_dim3A_695 = vector.broadcast %jit3A_694 : i32 to vector<256x128xi32>
    %select_n3A_696 = arith.select %gt3A_693, %or3A_154, %broadcast_in_dim3A_695 : vector<256x128xi1>, vector<256x128xi32>
    %min3A_697 = arith.minsi %min3A_692, %select_n3A_696 : vector<256x128xi32>
    %gt3A_698 = arith.cmpi sgt, %or3A_162, %min3A_656 : vector<256x128xi32>
    %jit3A_699 = arith.constant 2147483647 : i32
    %broadcast_in_dim3A_700 = vector.broadcast %jit3A_699 : i32 to vector<256x128xi32>
    %select_n3A_701 = arith.select %gt3A_698, %or3A_162, %broadcast_in_dim3A_700 : vector<256x128xi1>, vector<256x128xi32>
    %min3A_702 = arith.minsi %min3A_697, %select_n3A_701 : vector<256x128xi32>
    %gt3A_703 = arith.cmpi sgt, %or3A_170, %min3A_656 : vector<256x128xi32>
    %jit3A_704 = arith.constant 2147483647 : i32
    %broadcast_in_dim3A_705 = vector.broadcast %jit3A_704 : i32 to vector<256x128xi32>
    %select_n3A_706 = arith.select %gt3A_703, %or3A_170, %broadcast_in_dim3A_705 : vector<256x128xi1>, vector<256x128xi32>
    %min3A_707 = arith.minsi %min3A_702, %select_n3A_706 : vector<256x128xi32>
    %gt3A_708 = arith.cmpi sgt, %or3A_178, %min3A_656 : vector<256x128xi32>
    %jit3A_709 = arith.constant 2147483647 : i32
    %broadcast_in_dim3A_710 = vector.broadcast %jit3A_709 : i32 to vector<256x128xi32>
    %select_n3A_711 = arith.select %gt3A_708, %or3A_178, %broadcast_in_dim3A_710 : vector<256x128xi1>, vector<256x128xi32>
    %min3A_712 = arith.minsi %min3A_707, %select_n3A_711 : vector<256x128xi32>
    %gt3A_713 = arith.cmpi sgt, %or3A_186, %min3A_656 : vector<256x128xi32>
    %jit3A_714 = arith.constant 2147483647 : i32
    %broadcast_in_dim3A_715 = vector.broadcast %jit3A_714 : i32 to vector<256x128xi32>
    %select_n3A_716 = arith.select %gt3A_713, %or3A_186, %broadcast_in_dim3A_715 : vector<256x128xi1>, vector<256x128xi32>
    %min3A_717 = arith.minsi %min3A_712, %select_n3A_716 : vector<256x128xi32>
    %gt3A_718 = arith.cmpi sgt, %or3A_194, %min3A_656 : vector<256x128xi32>
    %jit3A_719 = arith.constant 2147483647 : i32
    %broadcast_in_dim3A_720 = vector.broadcast %jit3A_719 : i32 to vector<256x128xi32>
    %select_n3A_721 = arith.select %gt3A_718, %or3A_194, %broadcast_in_dim3A_720 : vector<256x128xi1>, vector<256x128xi32>
    %min3A_722 = arith.minsi %min3A_717, %select_n3A_721 : vector<256x128xi32>
    %gt3A_723 = arith.cmpi sgt, %or3A_202, %min3A_656 : vector<256x128xi32>
    %jit3A_724 = arith.constant 2147483647 : i32
    %broadcast_in_dim3A_725 = vector.broadcast %jit3A_724 : i32 to vector<256x128xi32>
    %select_n3A_726 = arith.select %gt3A_723, %or3A_202, %broadcast_in_dim3A_725 : vector<256x128xi1>, vector<256x128xi32>
    %min3A_727 = arith.minsi %min3A_722, %select_n3A_726 : vector<256x128xi32>
    %gt3A_728 = arith.cmpi sgt, %or3A_210, %min3A_656 : vector<256x128xi32>
    %jit3A_729 = arith.constant 2147483647 : i32
    %broadcast_in_dim3A_730 = vector.broadcast %jit3A_729 : i32 to vector<256x128xi32>
    %select_n3A_731 = arith.select %gt3A_728, %or3A_210, %broadcast_in_dim3A_730 : vector<256x128xi1>, vector<256x128xi32>
    %min3A_732 = arith.minsi %min3A_727, %select_n3A_731 : vector<256x128xi32>
    %gt3A_733 = arith.cmpi sgt, %or3A_218, %min3A_656 : vector<256x128xi32>
    %jit3A_734 = arith.constant 2147483647 : i32
    %broadcast_in_dim3A_735 = vector.broadcast %jit3A_734 : i32 to vector<256x128xi32>
    %select_n3A_736 = arith.select %gt3A_733, %or3A_218, %broadcast_in_dim3A_735 : vector<256x128xi1>, vector<256x128xi32>
    %min3A_737 = arith.minsi %min3A_732, %select_n3A_736 : vector<256x128xi32>
    %gt3A_738 = arith.cmpi sgt, %or3A_226, %min3A_656 : vector<256x128xi32>
    %jit3A_739 = arith.constant 2147483647 : i32
    %broadcast_in_dim3A_740 = vector.broadcast %jit3A_739 : i32 to vector<256x128xi32>
    %select_n3A_741 = arith.select %gt3A_738, %or3A_226, %broadcast_in_dim3A_740 : vector<256x128xi1>, vector<256x128xi32>
    %min3A_742 = arith.minsi %min3A_737, %select_n3A_741 : vector<256x128xi32>
    %gt3A_743 = arith.cmpi sgt, %or3A_234, %min3A_656 : vector<256x128xi32>
    %jit3A_744 = arith.constant 2147483647 : i32
    %broadcast_in_dim3A_745 = vector.broadcast %jit3A_744 : i32 to vector<256x128xi32>
    %select_n3A_746 = arith.select %gt3A_743, %or3A_234, %broadcast_in_dim3A_745 : vector<256x128xi1>, vector<256x128xi32>
    %min3A_747 = arith.minsi %min3A_742, %select_n3A_746 : vector<256x128xi32>
    %gt3A_748 = arith.cmpi sgt, %or3A_242, %min3A_656 : vector<256x128xi32>
    %jit3A_749 = arith.constant 2147483647 : i32
    %broadcast_in_dim3A_750 = vector.broadcast %jit3A_749 : i32 to vector<256x128xi32>
    %select_n3A_751 = arith.select %gt3A_748, %or3A_242, %broadcast_in_dim3A_750 : vector<256x128xi1>, vector<256x128xi32>
    %min3A_752 = arith.minsi %min3A_747, %select_n3A_751 : vector<256x128xi32>
    %gt3A_753 = arith.cmpi sgt, %or3A_250, %min3A_656 : vector<256x128xi32>
    %jit3A_754 = arith.constant 2147483647 : i32
    %broadcast_in_dim3A_755 = vector.broadcast %jit3A_754 : i32 to vector<256x128xi32>
    %select_n3A_756 = arith.select %gt3A_753, %or3A_250, %broadcast_in_dim3A_755 : vector<256x128xi1>, vector<256x128xi32>
    %min3A_757 = arith.minsi %min3A_752, %select_n3A_756 : vector<256x128xi32>
    %gt3A_758 = arith.cmpi sgt, %or3A_258, %min3A_656 : vector<256x128xi32>
    %jit3A_759 = arith.constant 2147483647 : i32
    %broadcast_in_dim3A_760 = vector.broadcast %jit3A_759 : i32 to vector<256x128xi32>
    %select_n3A_761 = arith.select %gt3A_758, %or3A_258, %broadcast_in_dim3A_760 : vector<256x128xi1>, vector<256x128xi32>
    %min3A_762 = arith.minsi %min3A_757, %select_n3A_761 : vector<256x128xi32>
    %gt3A_763 = arith.cmpi sgt, %or3A_266, %min3A_656 : vector<256x128xi32>
    %jit3A_764 = arith.constant 2147483647 : i32
    %broadcast_in_dim3A_765 = vector.broadcast %jit3A_764 : i32 to vector<256x128xi32>
    %select_n3A_766 = arith.select %gt3A_763, %or3A_266, %broadcast_in_dim3A_765 : vector<256x128xi1>, vector<256x128xi32>
    %min3A_767 = arith.minsi %min3A_762, %select_n3A_766 : vector<256x128xi32>
    %gt3A_768 = arith.cmpi sgt, %or3A_274, %min3A_656 : vector<256x128xi32>
    %jit3A_769 = arith.constant 2147483647 : i32
    %broadcast_in_dim3A_770 = vector.broadcast %jit3A_769 : i32 to vector<256x128xi32>
    %select_n3A_771 = arith.select %gt3A_768, %or3A_274, %broadcast_in_dim3A_770 : vector<256x128xi1>, vector<256x128xi32>
    %min3A_772 = arith.minsi %min3A_767, %select_n3A_771 : vector<256x128xi32>
    %gt3A_773 = arith.cmpi sgt, %or3A_282, %min3A_656 : vector<256x128xi32>
    %jit3A_774 = arith.constant 2147483647 : i32
    %broadcast_in_dim3A_775 = vector.broadcast %jit3A_774 : i32 to vector<256x128xi32>
    %select_n3A_776 = arith.select %gt3A_773, %or3A_282, %broadcast_in_dim3A_775 : vector<256x128xi1>, vector<256x128xi32>
    %min3A_777 = arith.minsi %min3A_772, %select_n3A_776 : vector<256x128xi32>
    %gt3A_778 = arith.cmpi sgt, %or3A_290, %min3A_656 : vector<256x128xi32>
    %jit3A_779 = arith.constant 2147483647 : i32
    %broadcast_in_dim3A_780 = vector.broadcast %jit3A_779 : i32 to vector<256x128xi32>
    %select_n3A_781 = arith.select %gt3A_778, %or3A_290, %broadcast_in_dim3A_780 : vector<256x128xi1>, vector<256x128xi32>
    %min3A_782 = arith.minsi %min3A_777, %select_n3A_781 : vector<256x128xi32>
    %gt3A_783 = arith.cmpi sgt, %or3A_298, %min3A_656 : vector<256x128xi32>
    %jit3A_784 = arith.constant 2147483647 : i32
    %broadcast_in_dim3A_785 = vector.broadcast %jit3A_784 : i32 to vector<256x128xi32>
    %select_n3A_786 = arith.select %gt3A_783, %or3A_298, %broadcast_in_dim3A_785 : vector<256x128xi1>, vector<256x128xi32>
    %min3A_787 = arith.minsi %min3A_782, %select_n3A_786 : vector<256x128xi32>
    %gt3A_788 = arith.cmpi sgt, %or3A_306, %min3A_656 : vector<256x128xi32>
    %jit3A_789 = arith.constant 2147483647 : i32
    %broadcast_in_dim3A_790 = vector.broadcast %jit3A_789 : i32 to vector<256x128xi32>
    %select_n3A_791 = arith.select %gt3A_788, %or3A_306, %broadcast_in_dim3A_790 : vector<256x128xi1>, vector<256x128xi32>
    %min3A_792 = arith.minsi %min3A_787, %select_n3A_791 : vector<256x128xi32>
    %gt3A_793 = arith.cmpi sgt, %or3A_314, %min3A_656 : vector<256x128xi32>
    %jit3A_794 = arith.constant 2147483647 : i32
    %broadcast_in_dim3A_795 = vector.broadcast %jit3A_794 : i32 to vector<256x128xi32>
    %select_n3A_796 = arith.select %gt3A_793, %or3A_314, %broadcast_in_dim3A_795 : vector<256x128xi1>, vector<256x128xi32>
    %min3A_797 = arith.minsi %min3A_792, %select_n3A_796 : vector<256x128xi32>
    %gt3A_798 = arith.cmpi sgt, %or3A_322, %min3A_656 : vector<256x128xi32>
    %jit3A_799 = arith.constant 2147483647 : i32
    %broadcast_in_dim3A_800 = vector.broadcast %jit3A_799 : i32 to vector<256x128xi32>
    %select_n3A_801 = arith.select %gt3A_798, %or3A_322, %broadcast_in_dim3A_800 : vector<256x128xi1>, vector<256x128xi32>
    %min3A_802 = arith.minsi %min3A_797, %select_n3A_801 : vector<256x128xi32>
    %gt3A_803 = arith.cmpi sgt, %or3A_330, %min3A_656 : vector<256x128xi32>
    %jit3A_804 = arith.constant 2147483647 : i32
    %broadcast_in_dim3A_805 = vector.broadcast %jit3A_804 : i32 to vector<256x128xi32>
    %select_n3A_806 = arith.select %gt3A_803, %or3A_330, %broadcast_in_dim3A_805 : vector<256x128xi1>, vector<256x128xi32>
    %min3A_807 = arith.minsi %min3A_802, %select_n3A_806 : vector<256x128xi32>
    %gt3A_808 = arith.cmpi sgt, %or3A_338, %min3A_656 : vector<256x128xi32>
    %jit3A_809 = arith.constant 2147483647 : i32
    %broadcast_in_dim3A_810 = vector.broadcast %jit3A_809 : i32 to vector<256x128xi32>
    %select_n3A_811 = arith.select %gt3A_808, %or3A_338, %broadcast_in_dim3A_810 : vector<256x128xi1>, vector<256x128xi32>
    %min3A_812 = arith.minsi %min3A_807, %select_n3A_811 : vector<256x128xi32>
    %gt3A_813 = arith.cmpi sgt, %or3A_346, %min3A_656 : vector<256x128xi32>
    %jit3A_814 = arith.constant 2147483647 : i32
    %broadcast_in_dim3A_815 = vector.broadcast %jit3A_814 : i32 to vector<256x128xi32>
    %select_n3A_816 = arith.select %gt3A_813, %or3A_346, %broadcast_in_dim3A_815 : vector<256x128xi1>, vector<256x128xi32>
    %min3A_817 = arith.minsi %min3A_812, %select_n3A_816 : vector<256x128xi32>
    %gt3A_818 = arith.cmpi sgt, %or3A_354, %min3A_656 : vector<256x128xi32>
    %jit3A_819 = arith.constant 2147483647 : i32
    %broadcast_in_dim3A_820 = vector.broadcast %jit3A_819 : i32 to vector<256x128xi32>
    %select_n3A_821 = arith.select %gt3A_818, %or3A_354, %broadcast_in_dim3A_820 : vector<256x128xi1>, vector<256x128xi32>
    %min3A_822 = arith.minsi %min3A_817, %select_n3A_821 : vector<256x128xi32>
    %gt3A_823 = arith.cmpi sgt, %or3A_362, %min3A_656 : vector<256x128xi32>
    %jit3A_824 = arith.constant 2147483647 : i32
    %broadcast_in_dim3A_825 = vector.broadcast %jit3A_824 : i32 to vector<256x128xi32>
    %select_n3A_826 = arith.select %gt3A_823, %or3A_362, %broadcast_in_dim3A_825 : vector<256x128xi1>, vector<256x128xi32>
    %min3A_827 = arith.minsi %min3A_822, %select_n3A_826 : vector<256x128xi32>
    %gt3A_828 = arith.cmpi sgt, %or3A_370, %min3A_656 : vector<256x128xi32>
    %jit3A_829 = arith.constant 2147483647 : i32
    %broadcast_in_dim3A_830 = vector.broadcast %jit3A_829 : i32 to vector<256x128xi32>
    %select_n3A_831 = arith.select %gt3A_828, %or3A_370, %broadcast_in_dim3A_830 : vector<256x128xi1>, vector<256x128xi32>
    %min3A_832 = arith.minsi %min3A_827, %select_n3A_831 : vector<256x128xi32>
    %gt3A_833 = arith.cmpi sgt, %or3A_378, %min3A_656 : vector<256x128xi32>
    %jit3A_834 = arith.constant 2147483647 : i32
    %broadcast_in_dim3A_835 = vector.broadcast %jit3A_834 : i32 to vector<256x128xi32>
    %select_n3A_836 = arith.select %gt3A_833, %or3A_378, %broadcast_in_dim3A_835 : vector<256x128xi1>, vector<256x128xi32>
    %min3A_837 = arith.minsi %min3A_832, %select_n3A_836 : vector<256x128xi32>
    %gt3A_838 = arith.cmpi sgt, %or3A_386, %min3A_656 : vector<256x128xi32>
    %jit3A_839 = arith.constant 2147483647 : i32
    %broadcast_in_dim3A_840 = vector.broadcast %jit3A_839 : i32 to vector<256x128xi32>
    %select_n3A_841 = arith.select %gt3A_838, %or3A_386, %broadcast_in_dim3A_840 : vector<256x128xi1>, vector<256x128xi32>
    %min3A_842 = arith.minsi %min3A_837, %select_n3A_841 : vector<256x128xi32>
    %gt3A_843 = arith.cmpi sgt, %or3A_394, %min3A_656 : vector<256x128xi32>
    %jit3A_844 = arith.constant 2147483647 : i32
    %broadcast_in_dim3A_845 = vector.broadcast %jit3A_844 : i32 to vector<256x128xi32>
    %select_n3A_846 = arith.select %gt3A_843, %or3A_394, %broadcast_in_dim3A_845 : vector<256x128xi1>, vector<256x128xi32>
    %min3A_847 = arith.minsi %min3A_842, %select_n3A_846 : vector<256x128xi32>
    %gt3A_848 = arith.cmpi sgt, %or3A_402, %min3A_656 : vector<256x128xi32>
    %jit3A_849 = arith.constant 2147483647 : i32
    %broadcast_in_dim3A_850 = vector.broadcast %jit3A_849 : i32 to vector<256x128xi32>
    %select_n3A_851 = arith.select %gt3A_848, %or3A_402, %broadcast_in_dim3A_850 : vector<256x128xi1>, vector<256x128xi32>
    %min3A_852 = arith.minsi %min3A_847, %select_n3A_851 : vector<256x128xi32>
    %gt3A_853 = arith.cmpi sgt, %or3A_410, %min3A_656 : vector<256x128xi32>
    %jit3A_854 = arith.constant 2147483647 : i32
    %broadcast_in_dim3A_855 = vector.broadcast %jit3A_854 : i32 to vector<256x128xi32>
    %select_n3A_856 = arith.select %gt3A_853, %or3A_410, %broadcast_in_dim3A_855 : vector<256x128xi1>, vector<256x128xi32>
    %min3A_857 = arith.minsi %min3A_852, %select_n3A_856 : vector<256x128xi32>
    %gt3A_858 = arith.cmpi sgt, %or3A_418, %min3A_656 : vector<256x128xi32>
    %jit3A_859 = arith.constant 2147483647 : i32
    %broadcast_in_dim3A_860 = vector.broadcast %jit3A_859 : i32 to vector<256x128xi32>
    %select_n3A_861 = arith.select %gt3A_858, %or3A_418, %broadcast_in_dim3A_860 : vector<256x128xi1>, vector<256x128xi32>
    %min3A_862 = arith.minsi %min3A_857, %select_n3A_861 : vector<256x128xi32>
    %gt3A_863 = arith.cmpi sgt, %or3A_426, %min3A_656 : vector<256x128xi32>
    %jit3A_864 = arith.constant 2147483647 : i32
    %broadcast_in_dim3A_865 = vector.broadcast %jit3A_864 : i32 to vector<256x128xi32>
    %select_n3A_866 = arith.select %gt3A_863, %or3A_426, %broadcast_in_dim3A_865 : vector<256x128xi1>, vector<256x128xi32>
    %min3A_867 = arith.minsi %min3A_862, %select_n3A_866 : vector<256x128xi32>
    %gt3A_868 = arith.cmpi sgt, %or3A_434, %min3A_656 : vector<256x128xi32>
    %jit3A_869 = arith.constant 2147483647 : i32
    %broadcast_in_dim3A_870 = vector.broadcast %jit3A_869 : i32 to vector<256x128xi32>
    %select_n3A_871 = arith.select %gt3A_868, %or3A_434, %broadcast_in_dim3A_870 : vector<256x128xi1>, vector<256x128xi32>
    %min3A_872 = arith.minsi %min3A_867, %select_n3A_871 : vector<256x128xi32>
    %gt3A_873 = arith.cmpi sgt, %or3A_442, %min3A_656 : vector<256x128xi32>
    %jit3A_874 = arith.constant 2147483647 : i32
    %broadcast_in_dim3A_875 = vector.broadcast %jit3A_874 : i32 to vector<256x128xi32>
    %select_n3A_876 = arith.select %gt3A_873, %or3A_442, %broadcast_in_dim3A_875 : vector<256x128xi1>, vector<256x128xi32>
    %min3A_877 = arith.minsi %min3A_872, %select_n3A_876 : vector<256x128xi32>
    %gt3A_878 = arith.cmpi sgt, %or3A_450, %min3A_656 : vector<256x128xi32>
    %jit3A_879 = arith.constant 2147483647 : i32
    %broadcast_in_dim3A_880 = vector.broadcast %jit3A_879 : i32 to vector<256x128xi32>
    %select_n3A_881 = arith.select %gt3A_878, %or3A_450, %broadcast_in_dim3A_880 : vector<256x128xi1>, vector<256x128xi32>
    %min3A_882 = arith.minsi %min3A_877, %select_n3A_881 : vector<256x128xi32>
    %gt3A_883 = arith.cmpi sgt, %or3A_458, %min3A_656 : vector<256x128xi32>
    %jit3A_884 = arith.constant 2147483647 : i32
    %broadcast_in_dim3A_885 = vector.broadcast %jit3A_884 : i32 to vector<256x128xi32>
    %select_n3A_886 = arith.select %gt3A_883, %or3A_458, %broadcast_in_dim3A_885 : vector<256x128xi1>, vector<256x128xi32>
    %min3A_887 = arith.minsi %min3A_882, %select_n3A_886 : vector<256x128xi32>
    %gt3A_888 = arith.cmpi sgt, %or3A_466, %min3A_656 : vector<256x128xi32>
    %jit3A_889 = arith.constant 2147483647 : i32
    %broadcast_in_dim3A_890 = vector.broadcast %jit3A_889 : i32 to vector<256x128xi32>
    %select_n3A_891 = arith.select %gt3A_888, %or3A_466, %broadcast_in_dim3A_890 : vector<256x128xi1>, vector<256x128xi32>
    %min3A_892 = arith.minsi %min3A_887, %select_n3A_891 : vector<256x128xi32>
    %gt3A_893 = arith.cmpi sgt, %or3A_474, %min3A_656 : vector<256x128xi32>
    %jit3A_894 = arith.constant 2147483647 : i32
    %broadcast_in_dim3A_895 = vector.broadcast %jit3A_894 : i32 to vector<256x128xi32>
    %select_n3A_896 = arith.select %gt3A_893, %or3A_474, %broadcast_in_dim3A_895 : vector<256x128xi1>, vector<256x128xi32>
    %min3A_897 = arith.minsi %min3A_892, %select_n3A_896 : vector<256x128xi32>
    %gt3A_898 = arith.cmpi sgt, %or3A_482, %min3A_656 : vector<256x128xi32>
    %jit3A_899 = arith.constant 2147483647 : i32
    %broadcast_in_dim3A_900 = vector.broadcast %jit3A_899 : i32 to vector<256x128xi32>
    %select_n3A_901 = arith.select %gt3A_898, %or3A_482, %broadcast_in_dim3A_900 : vector<256x128xi1>, vector<256x128xi32>
    %min3A_902 = arith.minsi %min3A_897, %select_n3A_901 : vector<256x128xi32>
    %gt3A_903 = arith.cmpi sgt, %or3A_490, %min3A_656 : vector<256x128xi32>
    %jit3A_904 = arith.constant 2147483647 : i32
    %broadcast_in_dim3A_905 = vector.broadcast %jit3A_904 : i32 to vector<256x128xi32>
    %select_n3A_906 = arith.select %gt3A_903, %or3A_490, %broadcast_in_dim3A_905 : vector<256x128xi1>, vector<256x128xi32>
    %min3A_907 = arith.minsi %min3A_902, %select_n3A_906 : vector<256x128xi32>
    %gt3A_908 = arith.cmpi sgt, %or3A_498, %min3A_656 : vector<256x128xi32>
    %jit3A_909 = arith.constant 2147483647 : i32
    %broadcast_in_dim3A_910 = vector.broadcast %jit3A_909 : i32 to vector<256x128xi32>
    %select_n3A_911 = arith.select %gt3A_908, %or3A_498, %broadcast_in_dim3A_910 : vector<256x128xi1>, vector<256x128xi32>
    %min3A_912 = arith.minsi %min3A_907, %select_n3A_911 : vector<256x128xi32>
    %gt3A_913 = arith.cmpi sgt, %or3A_506, %min3A_656 : vector<256x128xi32>
    %jit3A_914 = arith.constant 2147483647 : i32
    %broadcast_in_dim3A_915 = vector.broadcast %jit3A_914 : i32 to vector<256x128xi32>
    %select_n3A_916 = arith.select %gt3A_913, %or3A_506, %broadcast_in_dim3A_915 : vector<256x128xi1>, vector<256x128xi32>
    %min3A_917 = arith.minsi %min3A_912, %select_n3A_916 : vector<256x128xi32>
    %gt3A_918 = arith.cmpi sgt, %or3A_514, %min3A_656 : vector<256x128xi32>
    %jit3A_919 = arith.constant 2147483647 : i32
    %broadcast_in_dim3A_920 = vector.broadcast %jit3A_919 : i32 to vector<256x128xi32>
    %select_n3A_921 = arith.select %gt3A_918, %or3A_514, %broadcast_in_dim3A_920 : vector<256x128xi1>, vector<256x128xi32>
    %min3A_922 = arith.minsi %min3A_917, %select_n3A_921 : vector<256x128xi32>
    %gt3A_923 = arith.cmpi sgt, %or3A_522, %min3A_656 : vector<256x128xi32>
    %jit3A_924 = arith.constant 2147483647 : i32
    %broadcast_in_dim3A_925 = vector.broadcast %jit3A_924 : i32 to vector<256x128xi32>
    %select_n3A_926 = arith.select %gt3A_923, %or3A_522, %broadcast_in_dim3A_925 : vector<256x128xi1>, vector<256x128xi32>
    %min3A_927 = arith.minsi %min3A_922, %select_n3A_926 : vector<256x128xi32>
    %gt3A_928 = arith.cmpi sgt, %or3A_530, %min3A_656 : vector<256x128xi32>
    %jit3A_929 = arith.constant 2147483647 : i32
    %broadcast_in_dim3A_930 = vector.broadcast %jit3A_929 : i32 to vector<256x128xi32>
    %select_n3A_931 = arith.select %gt3A_928, %or3A_530, %broadcast_in_dim3A_930 : vector<256x128xi1>, vector<256x128xi32>
    %min3A_932 = arith.minsi %min3A_927, %select_n3A_931 : vector<256x128xi32>
    %gt3A_933 = arith.cmpi sgt, %or3A_538, %min3A_656 : vector<256x128xi32>
    %jit3A_934 = arith.constant 2147483647 : i32
    %broadcast_in_dim3A_935 = vector.broadcast %jit3A_934 : i32 to vector<256x128xi32>
    %select_n3A_936 = arith.select %gt3A_933, %or3A_538, %broadcast_in_dim3A_935 : vector<256x128xi1>, vector<256x128xi32>
    %min3A_937 = arith.minsi %min3A_932, %select_n3A_936 : vector<256x128xi32>
    %gt3A_938 = arith.cmpi sgt, %or3A_546, %min3A_656 : vector<256x128xi32>
    %jit3A_939 = arith.constant 2147483647 : i32
    %broadcast_in_dim3A_940 = vector.broadcast %jit3A_939 : i32 to vector<256x128xi32>
    %select_n3A_941 = arith.select %gt3A_938, %or3A_546, %broadcast_in_dim3A_940 : vector<256x128xi1>, vector<256x128xi32>
    %min3A_942 = arith.minsi %min3A_937, %select_n3A_941 : vector<256x128xi32>
    %gt3A_943 = arith.cmpi sgt, %or3A_554, %min3A_656 : vector<256x128xi32>
    %jit3A_944 = arith.constant 2147483647 : i32
    %broadcast_in_dim3A_945 = vector.broadcast %jit3A_944 : i32 to vector<256x128xi32>
    %select_n3A_946 = arith.select %gt3A_943, %or3A_554, %broadcast_in_dim3A_945 : vector<256x128xi1>, vector<256x128xi32>
    %min3A_947 = arith.minsi %min3A_942, %select_n3A_946 : vector<256x128xi32>
    %gt3A_948 = arith.cmpi sgt, %or3A_562, %min3A_656 : vector<256x128xi32>
    %jit3A_949 = arith.constant 2147483647 : i32
    %broadcast_in_dim3A_950 = vector.broadcast %jit3A_949 : i32 to vector<256x128xi32>
    %select_n3A_951 = arith.select %gt3A_948, %or3A_562, %broadcast_in_dim3A_950 : vector<256x128xi1>, vector<256x128xi32>
    %min3A_952 = arith.minsi %min3A_947, %select_n3A_951 : vector<256x128xi32>
    %gt3A_953 = arith.cmpi sgt, %or3A_570, %min3A_656 : vector<256x128xi32>
    %jit3A_954 = arith.constant 2147483647 : i32
    %broadcast_in_dim3A_955 = vector.broadcast %jit3A_954 : i32 to vector<256x128xi32>
    %select_n3A_956 = arith.select %gt3A_953, %or3A_570, %broadcast_in_dim3A_955 : vector<256x128xi1>, vector<256x128xi32>
    %min3A_957 = arith.minsi %min3A_952, %select_n3A_956 : vector<256x128xi32>
    %gt3A_958 = arith.cmpi sgt, %or3A_578, %min3A_656 : vector<256x128xi32>
    %jit3A_959 = arith.constant 2147483647 : i32
    %broadcast_in_dim3A_960 = vector.broadcast %jit3A_959 : i32 to vector<256x128xi32>
    %select_n3A_961 = arith.select %gt3A_958, %or3A_578, %broadcast_in_dim3A_960 : vector<256x128xi1>, vector<256x128xi32>
    %min3A_962 = arith.minsi %min3A_957, %select_n3A_961 : vector<256x128xi32>
    %gt3A_963 = arith.cmpi sgt, %or3A_586, %min3A_656 : vector<256x128xi32>
    %jit3A_964 = arith.constant 2147483647 : i32
    %broadcast_in_dim3A_965 = vector.broadcast %jit3A_964 : i32 to vector<256x128xi32>
    %select_n3A_966 = arith.select %gt3A_963, %or3A_586, %broadcast_in_dim3A_965 : vector<256x128xi1>, vector<256x128xi32>
    %min3A_967 = arith.minsi %min3A_962, %select_n3A_966 : vector<256x128xi32>
    %gt3A_968 = arith.cmpi sgt, %or3A_594, %min3A_656 : vector<256x128xi32>
    %jit3A_969 = arith.constant 2147483647 : i32
    %broadcast_in_dim3A_970 = vector.broadcast %jit3A_969 : i32 to vector<256x128xi32>
    %select_n3A_971 = arith.select %gt3A_968, %or3A_594, %broadcast_in_dim3A_970 : vector<256x128xi1>, vector<256x128xi32>
    %min3A_972 = arith.minsi %min3A_967, %select_n3A_971 : vector<256x128xi32>
    %gt3A_973 = arith.cmpi sgt, %or3A_90, %min3A_972 : vector<256x128xi32>
    %jit3A_974 = arith.constant 2147483647 : i32
    %broadcast_in_dim3A_975 = vector.broadcast %jit3A_974 : i32 to vector<256x128xi32>
    %select_n3A_976 = arith.select %gt3A_973, %or3A_90, %broadcast_in_dim3A_975 : vector<256x128xi1>, vector<256x128xi32>
    %gt3A_977 = arith.cmpi sgt, %or3A_98, %min3A_972 : vector<256x128xi32>
    %jit3A_978 = arith.constant 2147483647 : i32
    %broadcast_in_dim3A_979 = vector.broadcast %jit3A_978 : i32 to vector<256x128xi32>
    %select_n3A_980 = arith.select %gt3A_977, %or3A_98, %broadcast_in_dim3A_979 : vector<256x128xi1>, vector<256x128xi32>
    %min3A_981 = arith.minsi %select_n3A_976, %select_n3A_980 : vector<256x128xi32>
    %gt3A_982 = arith.cmpi sgt, %or3A_106, %min3A_972 : vector<256x128xi32>
    %jit3A_983 = arith.constant 2147483647 : i32
    %broadcast_in_dim3A_984 = vector.broadcast %jit3A_983 : i32 to vector<256x128xi32>
    %select_n3A_985 = arith.select %gt3A_982, %or3A_106, %broadcast_in_dim3A_984 : vector<256x128xi1>, vector<256x128xi32>
    %min3A_986 = arith.minsi %min3A_981, %select_n3A_985 : vector<256x128xi32>
    %gt3A_987 = arith.cmpi sgt, %or3A_114, %min3A_972 : vector<256x128xi32>
    %jit3A_988 = arith.constant 2147483647 : i32
    %broadcast_in_dim3A_989 = vector.broadcast %jit3A_988 : i32 to vector<256x128xi32>
    %select_n3A_990 = arith.select %gt3A_987, %or3A_114, %broadcast_in_dim3A_989 : vector<256x128xi1>, vector<256x128xi32>
    %min3A_991 = arith.minsi %min3A_986, %select_n3A_990 : vector<256x128xi32>
    %gt3A_992 = arith.cmpi sgt, %or3A_122, %min3A_972 : vector<256x128xi32>
    %jit3A_993 = arith.constant 2147483647 : i32
    %broadcast_in_dim3A_994 = vector.broadcast %jit3A_993 : i32 to vector<256x128xi32>
    %select_n3A_995 = arith.select %gt3A_992, %or3A_122, %broadcast_in_dim3A_994 : vector<256x128xi1>, vector<256x128xi32>
    %min3A_996 = arith.minsi %min3A_991, %select_n3A_995 : vector<256x128xi32>
    %gt3A_997 = arith.cmpi sgt, %or3A_130, %min3A_972 : vector<256x128xi32>
    %jit3A_998 = arith.constant 2147483647 : i32
    %broadcast_in_dim3A_999 = vector.broadcast %jit3A_998 : i32 to vector<256x128xi32>
    %select_n3A_1000 = arith.select %gt3A_997, %or3A_130, %broadcast_in_dim3A_999 : vector<256x128xi1>, vector<256x128xi32>
    %min3A_1001 = arith.minsi %min3A_996, %select_n3A_1000 : vector<256x128xi32>
    %gt3A_1002 = arith.cmpi sgt, %or3A_138, %min3A_972 : vector<256x128xi32>
    %jit3A_1003 = arith.constant 2147483647 : i32
    %broadcast_in_dim3A_1004 = vector.broadcast %jit3A_1003 : i32 to vector<256x128xi32>
    %select_n3A_1005 = arith.select %gt3A_1002, %or3A_138, %broadcast_in_dim3A_1004 : vector<256x128xi1>, vector<256x128xi32>
    %min3A_1006 = arith.minsi %min3A_1001, %select_n3A_1005 : vector<256x128xi32>
    %gt3A_1007 = arith.cmpi sgt, %or3A_146, %min3A_972 : vector<256x128xi32>
    %jit3A_1008 = arith.constant 2147483647 : i32
    %broadcast_in_dim3A_1009 = vector.broadcast %jit3A_1008 : i32 to vector<256x128xi32>
    %select_n3A_1010 = arith.select %gt3A_1007, %or3A_146, %broadcast_in_dim3A_1009 : vector<256x128xi1>, vector<256x128xi32>
    %min3A_1011 = arith.minsi %min3A_1006, %select_n3A_1010 : vector<256x128xi32>
    %gt3A_1012 = arith.cmpi sgt, %or3A_154, %min3A_972 : vector<256x128xi32>
    %jit3A_1013 = arith.constant 2147483647 : i32
    %broadcast_in_dim3A_1014 = vector.broadcast %jit3A_1013 : i32 to vector<256x128xi32>
    %select_n3A_1015 = arith.select %gt3A_1012, %or3A_154, %broadcast_in_dim3A_1014 : vector<256x128xi1>, vector<256x128xi32>
    %min3A_1016 = arith.minsi %min3A_1011, %select_n3A_1015 : vector<256x128xi32>
    %gt3A_1017 = arith.cmpi sgt, %or3A_162, %min3A_972 : vector<256x128xi32>
    %jit3A_1018 = arith.constant 2147483647 : i32
    %broadcast_in_dim3A_1019 = vector.broadcast %jit3A_1018 : i32 to vector<256x128xi32>
    %select_n3A_1020 = arith.select %gt3A_1017, %or3A_162, %broadcast_in_dim3A_1019 : vector<256x128xi1>, vector<256x128xi32>
    %min3A_1021 = arith.minsi %min3A_1016, %select_n3A_1020 : vector<256x128xi32>
    %gt3A_1022 = arith.cmpi sgt, %or3A_170, %min3A_972 : vector<256x128xi32>
    %jit3A_1023 = arith.constant 2147483647 : i32
    %broadcast_in_dim3A_1024 = vector.broadcast %jit3A_1023 : i32 to vector<256x128xi32>
    %select_n3A_1025 = arith.select %gt3A_1022, %or3A_170, %broadcast_in_dim3A_1024 : vector<256x128xi1>, vector<256x128xi32>
    %min3A_1026 = arith.minsi %min3A_1021, %select_n3A_1025 : vector<256x128xi32>
    %gt3A_1027 = arith.cmpi sgt, %or3A_178, %min3A_972 : vector<256x128xi32>
    %jit3A_1028 = arith.constant 2147483647 : i32
    %broadcast_in_dim3A_1029 = vector.broadcast %jit3A_1028 : i32 to vector<256x128xi32>
    %select_n3A_1030 = arith.select %gt3A_1027, %or3A_178, %broadcast_in_dim3A_1029 : vector<256x128xi1>, vector<256x128xi32>
    %min3A_1031 = arith.minsi %min3A_1026, %select_n3A_1030 : vector<256x128xi32>
    %gt3A_1032 = arith.cmpi sgt, %or3A_186, %min3A_972 : vector<256x128xi32>
    %jit3A_1033 = arith.constant 2147483647 : i32
    %broadcast_in_dim3A_1034 = vector.broadcast %jit3A_1033 : i32 to vector<256x128xi32>
    %select_n3A_1035 = arith.select %gt3A_1032, %or3A_186, %broadcast_in_dim3A_1034 : vector<256x128xi1>, vector<256x128xi32>
    %min3A_1036 = arith.minsi %min3A_1031, %select_n3A_1035 : vector<256x128xi32>
    %gt3A_1037 = arith.cmpi sgt, %or3A_194, %min3A_972 : vector<256x128xi32>
    %jit3A_1038 = arith.constant 2147483647 : i32
    %broadcast_in_dim3A_1039 = vector.broadcast %jit3A_1038 : i32 to vector<256x128xi32>
    %select_n3A_1040 = arith.select %gt3A_1037, %or3A_194, %broadcast_in_dim3A_1039 : vector<256x128xi1>, vector<256x128xi32>
    %min3A_1041 = arith.minsi %min3A_1036, %select_n3A_1040 : vector<256x128xi32>
    %gt3A_1042 = arith.cmpi sgt, %or3A_202, %min3A_972 : vector<256x128xi32>
    %jit3A_1043 = arith.constant 2147483647 : i32
    %broadcast_in_dim3A_1044 = vector.broadcast %jit3A_1043 : i32 to vector<256x128xi32>
    %select_n3A_1045 = arith.select %gt3A_1042, %or3A_202, %broadcast_in_dim3A_1044 : vector<256x128xi1>, vector<256x128xi32>
    %min3A_1046 = arith.minsi %min3A_1041, %select_n3A_1045 : vector<256x128xi32>
    %gt3A_1047 = arith.cmpi sgt, %or3A_210, %min3A_972 : vector<256x128xi32>
    %jit3A_1048 = arith.constant 2147483647 : i32
    %broadcast_in_dim3A_1049 = vector.broadcast %jit3A_1048 : i32 to vector<256x128xi32>
    %select_n3A_1050 = arith.select %gt3A_1047, %or3A_210, %broadcast_in_dim3A_1049 : vector<256x128xi1>, vector<256x128xi32>
    %min3A_1051 = arith.minsi %min3A_1046, %select_n3A_1050 : vector<256x128xi32>
    %gt3A_1052 = arith.cmpi sgt, %or3A_218, %min3A_972 : vector<256x128xi32>
    %jit3A_1053 = arith.constant 2147483647 : i32
    %broadcast_in_dim3A_1054 = vector.broadcast %jit3A_1053 : i32 to vector<256x128xi32>
    %select_n3A_1055 = arith.select %gt3A_1052, %or3A_218, %broadcast_in_dim3A_1054 : vector<256x128xi1>, vector<256x128xi32>
    %min3A_1056 = arith.minsi %min3A_1051, %select_n3A_1055 : vector<256x128xi32>
    %gt3A_1057 = arith.cmpi sgt, %or3A_226, %min3A_972 : vector<256x128xi32>
    %jit3A_1058 = arith.constant 2147483647 : i32
    %broadcast_in_dim3A_1059 = vector.broadcast %jit3A_1058 : i32 to vector<256x128xi32>
    %select_n3A_1060 = arith.select %gt3A_1057, %or3A_226, %broadcast_in_dim3A_1059 : vector<256x128xi1>, vector<256x128xi32>
    %min3A_1061 = arith.minsi %min3A_1056, %select_n3A_1060 : vector<256x128xi32>
    %gt3A_1062 = arith.cmpi sgt, %or3A_234, %min3A_972 : vector<256x128xi32>
    %jit3A_1063 = arith.constant 2147483647 : i32
    %broadcast_in_dim3A_1064 = vector.broadcast %jit3A_1063 : i32 to vector<256x128xi32>
    %select_n3A_1065 = arith.select %gt3A_1062, %or3A_234, %broadcast_in_dim3A_1064 : vector<256x128xi1>, vector<256x128xi32>
    %min3A_1066 = arith.minsi %min3A_1061, %select_n3A_1065 : vector<256x128xi32>
    %gt3A_1067 = arith.cmpi sgt, %or3A_242, %min3A_972 : vector<256x128xi32>
    %jit3A_1068 = arith.constant 2147483647 : i32
    %broadcast_in_dim3A_1069 = vector.broadcast %jit3A_1068 : i32 to vector<256x128xi32>
    %select_n3A_1070 = arith.select %gt3A_1067, %or3A_242, %broadcast_in_dim3A_1069 : vector<256x128xi1>, vector<256x128xi32>
    %min3A_1071 = arith.minsi %min3A_1066, %select_n3A_1070 : vector<256x128xi32>
    %gt3A_1072 = arith.cmpi sgt, %or3A_250, %min3A_972 : vector<256x128xi32>
    %jit3A_1073 = arith.constant 2147483647 : i32
    %broadcast_in_dim3A_1074 = vector.broadcast %jit3A_1073 : i32 to vector<256x128xi32>
    %select_n3A_1075 = arith.select %gt3A_1072, %or3A_250, %broadcast_in_dim3A_1074 : vector<256x128xi1>, vector<256x128xi32>
    %min3A_1076 = arith.minsi %min3A_1071, %select_n3A_1075 : vector<256x128xi32>
    %gt3A_1077 = arith.cmpi sgt, %or3A_258, %min3A_972 : vector<256x128xi32>
    %jit3A_1078 = arith.constant 2147483647 : i32
    %broadcast_in_dim3A_1079 = vector.broadcast %jit3A_1078 : i32 to vector<256x128xi32>
    %select_n3A_1080 = arith.select %gt3A_1077, %or3A_258, %broadcast_in_dim3A_1079 : vector<256x128xi1>, vector<256x128xi32>
    %min3A_1081 = arith.minsi %min3A_1076, %select_n3A_1080 : vector<256x128xi32>
    %gt3A_1082 = arith.cmpi sgt, %or3A_266, %min3A_972 : vector<256x128xi32>
    %jit3A_1083 = arith.constant 2147483647 : i32
    %broadcast_in_dim3A_1084 = vector.broadcast %jit3A_1083 : i32 to vector<256x128xi32>
    %select_n3A_1085 = arith.select %gt3A_1082, %or3A_266, %broadcast_in_dim3A_1084 : vector<256x128xi1>, vector<256x128xi32>
    %min3A_1086 = arith.minsi %min3A_1081, %select_n3A_1085 : vector<256x128xi32>
    %gt3A_1087 = arith.cmpi sgt, %or3A_274, %min3A_972 : vector<256x128xi32>
    %jit3A_1088 = arith.constant 2147483647 : i32
    %broadcast_in_dim3A_1089 = vector.broadcast %jit3A_1088 : i32 to vector<256x128xi32>
    %select_n3A_1090 = arith.select %gt3A_1087, %or3A_274, %broadcast_in_dim3A_1089 : vector<256x128xi1>, vector<256x128xi32>
    %min3A_1091 = arith.minsi %min3A_1086, %select_n3A_1090 : vector<256x128xi32>
    %gt3A_1092 = arith.cmpi sgt, %or3A_282, %min3A_972 : vector<256x128xi32>
    %jit3A_1093 = arith.constant 2147483647 : i32
    %broadcast_in_dim3A_1094 = vector.broadcast %jit3A_1093 : i32 to vector<256x128xi32>
    %select_n3A_1095 = arith.select %gt3A_1092, %or3A_282, %broadcast_in_dim3A_1094 : vector<256x128xi1>, vector<256x128xi32>
    %min3A_1096 = arith.minsi %min3A_1091, %select_n3A_1095 : vector<256x128xi32>
    %gt3A_1097 = arith.cmpi sgt, %or3A_290, %min3A_972 : vector<256x128xi32>
    %jit3A_1098 = arith.constant 2147483647 : i32
    %broadcast_in_dim3A_1099 = vector.broadcast %jit3A_1098 : i32 to vector<256x128xi32>
    %select_n3A_1100 = arith.select %gt3A_1097, %or3A_290, %broadcast_in_dim3A_1099 : vector<256x128xi1>, vector<256x128xi32>
    %min3A_1101 = arith.minsi %min3A_1096, %select_n3A_1100 : vector<256x128xi32>
    %gt3A_1102 = arith.cmpi sgt, %or3A_298, %min3A_972 : vector<256x128xi32>
    %jit3A_1103 = arith.constant 2147483647 : i32
    %broadcast_in_dim3A_1104 = vector.broadcast %jit3A_1103 : i32 to vector<256x128xi32>
    %select_n3A_1105 = arith.select %gt3A_1102, %or3A_298, %broadcast_in_dim3A_1104 : vector<256x128xi1>, vector<256x128xi32>
    %min3A_1106 = arith.minsi %min3A_1101, %select_n3A_1105 : vector<256x128xi32>
    %gt3A_1107 = arith.cmpi sgt, %or3A_306, %min3A_972 : vector<256x128xi32>
    %jit3A_1108 = arith.constant 2147483647 : i32
    %broadcast_in_dim3A_1109 = vector.broadcast %jit3A_1108 : i32 to vector<256x128xi32>
    %select_n3A_1110 = arith.select %gt3A_1107, %or3A_306, %broadcast_in_dim3A_1109 : vector<256x128xi1>, vector<256x128xi32>
    %min3A_1111 = arith.minsi %min3A_1106, %select_n3A_1110 : vector<256x128xi32>
    %gt3A_1112 = arith.cmpi sgt, %or3A_314, %min3A_972 : vector<256x128xi32>
    %jit3A_1113 = arith.constant 2147483647 : i32
    %broadcast_in_dim3A_1114 = vector.broadcast %jit3A_1113 : i32 to vector<256x128xi32>
    %select_n3A_1115 = arith.select %gt3A_1112, %or3A_314, %broadcast_in_dim3A_1114 : vector<256x128xi1>, vector<256x128xi32>
    %min3A_1116 = arith.minsi %min3A_1111, %select_n3A_1115 : vector<256x128xi32>
    %gt3A_1117 = arith.cmpi sgt, %or3A_322, %min3A_972 : vector<256x128xi32>
    %jit3A_1118 = arith.constant 2147483647 : i32
    %broadcast_in_dim3A_1119 = vector.broadcast %jit3A_1118 : i32 to vector<256x128xi32>
    %select_n3A_1120 = arith.select %gt3A_1117, %or3A_322, %broadcast_in_dim3A_1119 : vector<256x128xi1>, vector<256x128xi32>
    %min3A_1121 = arith.minsi %min3A_1116, %select_n3A_1120 : vector<256x128xi32>
    %gt3A_1122 = arith.cmpi sgt, %or3A_330, %min3A_972 : vector<256x128xi32>
    %jit3A_1123 = arith.constant 2147483647 : i32
    %broadcast_in_dim3A_1124 = vector.broadcast %jit3A_1123 : i32 to vector<256x128xi32>
    %select_n3A_1125 = arith.select %gt3A_1122, %or3A_330, %broadcast_in_dim3A_1124 : vector<256x128xi1>, vector<256x128xi32>
    %min3A_1126 = arith.minsi %min3A_1121, %select_n3A_1125 : vector<256x128xi32>
    %gt3A_1127 = arith.cmpi sgt, %or3A_338, %min3A_972 : vector<256x128xi32>
    %jit3A_1128 = arith.constant 2147483647 : i32
    %broadcast_in_dim3A_1129 = vector.broadcast %jit3A_1128 : i32 to vector<256x128xi32>
    %select_n3A_1130 = arith.select %gt3A_1127, %or3A_338, %broadcast_in_dim3A_1129 : vector<256x128xi1>, vector<256x128xi32>
    %min3A_1131 = arith.minsi %min3A_1126, %select_n3A_1130 : vector<256x128xi32>
    %gt3A_1132 = arith.cmpi sgt, %or3A_346, %min3A_972 : vector<256x128xi32>
    %jit3A_1133 = arith.constant 2147483647 : i32
    %broadcast_in_dim3A_1134 = vector.broadcast %jit3A_1133 : i32 to vector<256x128xi32>
    %select_n3A_1135 = arith.select %gt3A_1132, %or3A_346, %broadcast_in_dim3A_1134 : vector<256x128xi1>, vector<256x128xi32>
    %min3A_1136 = arith.minsi %min3A_1131, %select_n3A_1135 : vector<256x128xi32>
    %gt3A_1137 = arith.cmpi sgt, %or3A_354, %min3A_972 : vector<256x128xi32>
    %jit3A_1138 = arith.constant 2147483647 : i32
    %broadcast_in_dim3A_1139 = vector.broadcast %jit3A_1138 : i32 to vector<256x128xi32>
    %select_n3A_1140 = arith.select %gt3A_1137, %or3A_354, %broadcast_in_dim3A_1139 : vector<256x128xi1>, vector<256x128xi32>
    %min3A_1141 = arith.minsi %min3A_1136, %select_n3A_1140 : vector<256x128xi32>
    %gt3A_1142 = arith.cmpi sgt, %or3A_362, %min3A_972 : vector<256x128xi32>
    %jit3A_1143 = arith.constant 2147483647 : i32
    %broadcast_in_dim3A_1144 = vector.broadcast %jit3A_1143 : i32 to vector<256x128xi32>
    %select_n3A_1145 = arith.select %gt3A_1142, %or3A_362, %broadcast_in_dim3A_1144 : vector<256x128xi1>, vector<256x128xi32>
    %min3A_1146 = arith.minsi %min3A_1141, %select_n3A_1145 : vector<256x128xi32>
    %gt3A_1147 = arith.cmpi sgt, %or3A_370, %min3A_972 : vector<256x128xi32>
    %jit3A_1148 = arith.constant 2147483647 : i32
    %broadcast_in_dim3A_1149 = vector.broadcast %jit3A_1148 : i32 to vector<256x128xi32>
    %select_n3A_1150 = arith.select %gt3A_1147, %or3A_370, %broadcast_in_dim3A_1149 : vector<256x128xi1>, vector<256x128xi32>
    %min3A_1151 = arith.minsi %min3A_1146, %select_n3A_1150 : vector<256x128xi32>
    %gt3A_1152 = arith.cmpi sgt, %or3A_378, %min3A_972 : vector<256x128xi32>
    %jit3A_1153 = arith.constant 2147483647 : i32
    %broadcast_in_dim3A_1154 = vector.broadcast %jit3A_1153 : i32 to vector<256x128xi32>
    %select_n3A_1155 = arith.select %gt3A_1152, %or3A_378, %broadcast_in_dim3A_1154 : vector<256x128xi1>, vector<256x128xi32>
    %min3A_1156 = arith.minsi %min3A_1151, %select_n3A_1155 : vector<256x128xi32>
    %gt3A_1157 = arith.cmpi sgt, %or3A_386, %min3A_972 : vector<256x128xi32>
    %jit3A_1158 = arith.constant 2147483647 : i32
    %broadcast_in_dim3A_1159 = vector.broadcast %jit3A_1158 : i32 to vector<256x128xi32>
    %select_n3A_1160 = arith.select %gt3A_1157, %or3A_386, %broadcast_in_dim3A_1159 : vector<256x128xi1>, vector<256x128xi32>
    %min3A_1161 = arith.minsi %min3A_1156, %select_n3A_1160 : vector<256x128xi32>
    %gt3A_1162 = arith.cmpi sgt, %or3A_394, %min3A_972 : vector<256x128xi32>
    %jit3A_1163 = arith.constant 2147483647 : i32
    %broadcast_in_dim3A_1164 = vector.broadcast %jit3A_1163 : i32 to vector<256x128xi32>
    %select_n3A_1165 = arith.select %gt3A_1162, %or3A_394, %broadcast_in_dim3A_1164 : vector<256x128xi1>, vector<256x128xi32>
    %min3A_1166 = arith.minsi %min3A_1161, %select_n3A_1165 : vector<256x128xi32>
    %gt3A_1167 = arith.cmpi sgt, %or3A_402, %min3A_972 : vector<256x128xi32>
    %jit3A_1168 = arith.constant 2147483647 : i32
    %broadcast_in_dim3A_1169 = vector.broadcast %jit3A_1168 : i32 to vector<256x128xi32>
    %select_n3A_1170 = arith.select %gt3A_1167, %or3A_402, %broadcast_in_dim3A_1169 : vector<256x128xi1>, vector<256x128xi32>
    %min3A_1171 = arith.minsi %min3A_1166, %select_n3A_1170 : vector<256x128xi32>
    %gt3A_1172 = arith.cmpi sgt, %or3A_410, %min3A_972 : vector<256x128xi32>
    %jit3A_1173 = arith.constant 2147483647 : i32
    %broadcast_in_dim3A_1174 = vector.broadcast %jit3A_1173 : i32 to vector<256x128xi32>
    %select_n3A_1175 = arith.select %gt3A_1172, %or3A_410, %broadcast_in_dim3A_1174 : vector<256x128xi1>, vector<256x128xi32>
    %min3A_1176 = arith.minsi %min3A_1171, %select_n3A_1175 : vector<256x128xi32>
    %gt3A_1177 = arith.cmpi sgt, %or3A_418, %min3A_972 : vector<256x128xi32>
    %jit3A_1178 = arith.constant 2147483647 : i32
    %broadcast_in_dim3A_1179 = vector.broadcast %jit3A_1178 : i32 to vector<256x128xi32>
    %select_n3A_1180 = arith.select %gt3A_1177, %or3A_418, %broadcast_in_dim3A_1179 : vector<256x128xi1>, vector<256x128xi32>
    %min3A_1181 = arith.minsi %min3A_1176, %select_n3A_1180 : vector<256x128xi32>
    %gt3A_1182 = arith.cmpi sgt, %or3A_426, %min3A_972 : vector<256x128xi32>
    %jit3A_1183 = arith.constant 2147483647 : i32
    %broadcast_in_dim3A_1184 = vector.broadcast %jit3A_1183 : i32 to vector<256x128xi32>
    %select_n3A_1185 = arith.select %gt3A_1182, %or3A_426, %broadcast_in_dim3A_1184 : vector<256x128xi1>, vector<256x128xi32>
    %min3A_1186 = arith.minsi %min3A_1181, %select_n3A_1185 : vector<256x128xi32>
    %gt3A_1187 = arith.cmpi sgt, %or3A_434, %min3A_972 : vector<256x128xi32>
    %jit3A_1188 = arith.constant 2147483647 : i32
    %broadcast_in_dim3A_1189 = vector.broadcast %jit3A_1188 : i32 to vector<256x128xi32>
    %select_n3A_1190 = arith.select %gt3A_1187, %or3A_434, %broadcast_in_dim3A_1189 : vector<256x128xi1>, vector<256x128xi32>
    %min3A_1191 = arith.minsi %min3A_1186, %select_n3A_1190 : vector<256x128xi32>
    %gt3A_1192 = arith.cmpi sgt, %or3A_442, %min3A_972 : vector<256x128xi32>
    %jit3A_1193 = arith.constant 2147483647 : i32
    %broadcast_in_dim3A_1194 = vector.broadcast %jit3A_1193 : i32 to vector<256x128xi32>
    %select_n3A_1195 = arith.select %gt3A_1192, %or3A_442, %broadcast_in_dim3A_1194 : vector<256x128xi1>, vector<256x128xi32>
    %min3A_1196 = arith.minsi %min3A_1191, %select_n3A_1195 : vector<256x128xi32>
    %gt3A_1197 = arith.cmpi sgt, %or3A_450, %min3A_972 : vector<256x128xi32>
    %jit3A_1198 = arith.constant 2147483647 : i32
    %broadcast_in_dim3A_1199 = vector.broadcast %jit3A_1198 : i32 to vector<256x128xi32>
    %select_n3A_1200 = arith.select %gt3A_1197, %or3A_450, %broadcast_in_dim3A_1199 : vector<256x128xi1>, vector<256x128xi32>
    %min3A_1201 = arith.minsi %min3A_1196, %select_n3A_1200 : vector<256x128xi32>
    %gt3A_1202 = arith.cmpi sgt, %or3A_458, %min3A_972 : vector<256x128xi32>
    %jit3A_1203 = arith.constant 2147483647 : i32
    %broadcast_in_dim3A_1204 = vector.broadcast %jit3A_1203 : i32 to vector<256x128xi32>
    %select_n3A_1205 = arith.select %gt3A_1202, %or3A_458, %broadcast_in_dim3A_1204 : vector<256x128xi1>, vector<256x128xi32>
    %min3A_1206 = arith.minsi %min3A_1201, %select_n3A_1205 : vector<256x128xi32>
    %gt3A_1207 = arith.cmpi sgt, %or3A_466, %min3A_972 : vector<256x128xi32>
    %jit3A_1208 = arith.constant 2147483647 : i32
    %broadcast_in_dim3A_1209 = vector.broadcast %jit3A_1208 : i32 to vector<256x128xi32>
    %select_n3A_1210 = arith.select %gt3A_1207, %or3A_466, %broadcast_in_dim3A_1209 : vector<256x128xi1>, vector<256x128xi32>
    %min3A_1211 = arith.minsi %min3A_1206, %select_n3A_1210 : vector<256x128xi32>
    %gt3A_1212 = arith.cmpi sgt, %or3A_474, %min3A_972 : vector<256x128xi32>
    %jit3A_1213 = arith.constant 2147483647 : i32
    %broadcast_in_dim3A_1214 = vector.broadcast %jit3A_1213 : i32 to vector<256x128xi32>
    %select_n3A_1215 = arith.select %gt3A_1212, %or3A_474, %broadcast_in_dim3A_1214 : vector<256x128xi1>, vector<256x128xi32>
    %min3A_1216 = arith.minsi %min3A_1211, %select_n3A_1215 : vector<256x128xi32>
    %gt3A_1217 = arith.cmpi sgt, %or3A_482, %min3A_972 : vector<256x128xi32>
    %jit3A_1218 = arith.constant 2147483647 : i32
    %broadcast_in_dim3A_1219 = vector.broadcast %jit3A_1218 : i32 to vector<256x128xi32>
    %select_n3A_1220 = arith.select %gt3A_1217, %or3A_482, %broadcast_in_dim3A_1219 : vector<256x128xi1>, vector<256x128xi32>
    %min3A_1221 = arith.minsi %min3A_1216, %select_n3A_1220 : vector<256x128xi32>
    %gt3A_1222 = arith.cmpi sgt, %or3A_490, %min3A_972 : vector<256x128xi32>
    %jit3A_1223 = arith.constant 2147483647 : i32
    %broadcast_in_dim3A_1224 = vector.broadcast %jit3A_1223 : i32 to vector<256x128xi32>
    %select_n3A_1225 = arith.select %gt3A_1222, %or3A_490, %broadcast_in_dim3A_1224 : vector<256x128xi1>, vector<256x128xi32>
    %min3A_1226 = arith.minsi %min3A_1221, %select_n3A_1225 : vector<256x128xi32>
    %gt3A_1227 = arith.cmpi sgt, %or3A_498, %min3A_972 : vector<256x128xi32>
    %jit3A_1228 = arith.constant 2147483647 : i32
    %broadcast_in_dim3A_1229 = vector.broadcast %jit3A_1228 : i32 to vector<256x128xi32>
    %select_n3A_1230 = arith.select %gt3A_1227, %or3A_498, %broadcast_in_dim3A_1229 : vector<256x128xi1>, vector<256x128xi32>
    %min3A_1231 = arith.minsi %min3A_1226, %select_n3A_1230 : vector<256x128xi32>
    %gt3A_1232 = arith.cmpi sgt, %or3A_506, %min3A_972 : vector<256x128xi32>
    %jit3A_1233 = arith.constant 2147483647 : i32
    %broadcast_in_dim3A_1234 = vector.broadcast %jit3A_1233 : i32 to vector<256x128xi32>
    %select_n3A_1235 = arith.select %gt3A_1232, %or3A_506, %broadcast_in_dim3A_1234 : vector<256x128xi1>, vector<256x128xi32>
    %min3A_1236 = arith.minsi %min3A_1231, %select_n3A_1235 : vector<256x128xi32>
    %gt3A_1237 = arith.cmpi sgt, %or3A_514, %min3A_972 : vector<256x128xi32>
    %jit3A_1238 = arith.constant 2147483647 : i32
    %broadcast_in_dim3A_1239 = vector.broadcast %jit3A_1238 : i32 to vector<256x128xi32>
    %select_n3A_1240 = arith.select %gt3A_1237, %or3A_514, %broadcast_in_dim3A_1239 : vector<256x128xi1>, vector<256x128xi32>
    %min3A_1241 = arith.minsi %min3A_1236, %select_n3A_1240 : vector<256x128xi32>
    %gt3A_1242 = arith.cmpi sgt, %or3A_522, %min3A_972 : vector<256x128xi32>
    %jit3A_1243 = arith.constant 2147483647 : i32
    %broadcast_in_dim3A_1244 = vector.broadcast %jit3A_1243 : i32 to vector<256x128xi32>
    %select_n3A_1245 = arith.select %gt3A_1242, %or3A_522, %broadcast_in_dim3A_1244 : vector<256x128xi1>, vector<256x128xi32>
    %min3A_1246 = arith.minsi %min3A_1241, %select_n3A_1245 : vector<256x128xi32>
    %gt3A_1247 = arith.cmpi sgt, %or3A_530, %min3A_972 : vector<256x128xi32>
    %jit3A_1248 = arith.constant 2147483647 : i32
    %broadcast_in_dim3A_1249 = vector.broadcast %jit3A_1248 : i32 to vector<256x128xi32>
    %select_n3A_1250 = arith.select %gt3A_1247, %or3A_530, %broadcast_in_dim3A_1249 : vector<256x128xi1>, vector<256x128xi32>
    %min3A_1251 = arith.minsi %min3A_1246, %select_n3A_1250 : vector<256x128xi32>
    %gt3A_1252 = arith.cmpi sgt, %or3A_538, %min3A_972 : vector<256x128xi32>
    %jit3A_1253 = arith.constant 2147483647 : i32
    %broadcast_in_dim3A_1254 = vector.broadcast %jit3A_1253 : i32 to vector<256x128xi32>
    %select_n3A_1255 = arith.select %gt3A_1252, %or3A_538, %broadcast_in_dim3A_1254 : vector<256x128xi1>, vector<256x128xi32>
    %min3A_1256 = arith.minsi %min3A_1251, %select_n3A_1255 : vector<256x128xi32>
    %gt3A_1257 = arith.cmpi sgt, %or3A_546, %min3A_972 : vector<256x128xi32>
    %jit3A_1258 = arith.constant 2147483647 : i32
    %broadcast_in_dim3A_1259 = vector.broadcast %jit3A_1258 : i32 to vector<256x128xi32>
    %select_n3A_1260 = arith.select %gt3A_1257, %or3A_546, %broadcast_in_dim3A_1259 : vector<256x128xi1>, vector<256x128xi32>
    %min3A_1261 = arith.minsi %min3A_1256, %select_n3A_1260 : vector<256x128xi32>
    %gt3A_1262 = arith.cmpi sgt, %or3A_554, %min3A_972 : vector<256x128xi32>
    %jit3A_1263 = arith.constant 2147483647 : i32
    %broadcast_in_dim3A_1264 = vector.broadcast %jit3A_1263 : i32 to vector<256x128xi32>
    %select_n3A_1265 = arith.select %gt3A_1262, %or3A_554, %broadcast_in_dim3A_1264 : vector<256x128xi1>, vector<256x128xi32>
    %min3A_1266 = arith.minsi %min3A_1261, %select_n3A_1265 : vector<256x128xi32>
    %gt3A_1267 = arith.cmpi sgt, %or3A_562, %min3A_972 : vector<256x128xi32>
    %jit3A_1268 = arith.constant 2147483647 : i32
    %broadcast_in_dim3A_1269 = vector.broadcast %jit3A_1268 : i32 to vector<256x128xi32>
    %select_n3A_1270 = arith.select %gt3A_1267, %or3A_562, %broadcast_in_dim3A_1269 : vector<256x128xi1>, vector<256x128xi32>
    %min3A_1271 = arith.minsi %min3A_1266, %select_n3A_1270 : vector<256x128xi32>
    %gt3A_1272 = arith.cmpi sgt, %or3A_570, %min3A_972 : vector<256x128xi32>
    %jit3A_1273 = arith.constant 2147483647 : i32
    %broadcast_in_dim3A_1274 = vector.broadcast %jit3A_1273 : i32 to vector<256x128xi32>
    %select_n3A_1275 = arith.select %gt3A_1272, %or3A_570, %broadcast_in_dim3A_1274 : vector<256x128xi1>, vector<256x128xi32>
    %min3A_1276 = arith.minsi %min3A_1271, %select_n3A_1275 : vector<256x128xi32>
    %gt3A_1277 = arith.cmpi sgt, %or3A_578, %min3A_972 : vector<256x128xi32>
    %jit3A_1278 = arith.constant 2147483647 : i32
    %broadcast_in_dim3A_1279 = vector.broadcast %jit3A_1278 : i32 to vector<256x128xi32>
    %select_n3A_1280 = arith.select %gt3A_1277, %or3A_578, %broadcast_in_dim3A_1279 : vector<256x128xi1>, vector<256x128xi32>
    %min3A_1281 = arith.minsi %min3A_1276, %select_n3A_1280 : vector<256x128xi32>
    %gt3A_1282 = arith.cmpi sgt, %or3A_586, %min3A_972 : vector<256x128xi32>
    %jit3A_1283 = arith.constant 2147483647 : i32
    %broadcast_in_dim3A_1284 = vector.broadcast %jit3A_1283 : i32 to vector<256x128xi32>
    %select_n3A_1285 = arith.select %gt3A_1282, %or3A_586, %broadcast_in_dim3A_1284 : vector<256x128xi1>, vector<256x128xi32>
    %min3A_1286 = arith.minsi %min3A_1281, %select_n3A_1285 : vector<256x128xi32>
    %gt3A_1287 = arith.cmpi sgt, %or3A_594, %min3A_972 : vector<256x128xi32>
    %jit3A_1288 = arith.constant 2147483647 : i32
    %broadcast_in_dim3A_1289 = vector.broadcast %jit3A_1288 : i32 to vector<256x128xi32>
    %select_n3A_1290 = arith.select %gt3A_1287, %or3A_594, %broadcast_in_dim3A_1289 : vector<256x128xi1>, vector<256x128xi32>
    %min3A_1291 = arith.minsi %min3A_1286, %select_n3A_1290 : vector<256x128xi32>
    %gt3A_1292 = arith.cmpi sgt, %or3A_90, %min3A_1291 : vector<256x128xi32>
    %jit3A_1293 = arith.constant 2147483647 : i32
    %broadcast_in_dim3A_1294 = vector.broadcast %jit3A_1293 : i32 to vector<256x128xi32>
    %select_n3A_1295 = arith.select %gt3A_1292, %or3A_90, %broadcast_in_dim3A_1294 : vector<256x128xi1>, vector<256x128xi32>
    %gt3A_1296 = arith.cmpi sgt, %or3A_98, %min3A_1291 : vector<256x128xi32>
    %jit3A_1297 = arith.constant 2147483647 : i32
    %broadcast_in_dim3A_1298 = vector.broadcast %jit3A_1297 : i32 to vector<256x128xi32>
    %select_n3A_1299 = arith.select %gt3A_1296, %or3A_98, %broadcast_in_dim3A_1298 : vector<256x128xi1>, vector<256x128xi32>
    %min3A_1300 = arith.minsi %select_n3A_1295, %select_n3A_1299 : vector<256x128xi32>
    %gt3A_1301 = arith.cmpi sgt, %or3A_106, %min3A_1291 : vector<256x128xi32>
    %jit3A_1302 = arith.constant 2147483647 : i32
    %broadcast_in_dim3A_1303 = vector.broadcast %jit3A_1302 : i32 to vector<256x128xi32>
    %select_n3A_1304 = arith.select %gt3A_1301, %or3A_106, %broadcast_in_dim3A_1303 : vector<256x128xi1>, vector<256x128xi32>
    %min3A_1305 = arith.minsi %min3A_1300, %select_n3A_1304 : vector<256x128xi32>
    %gt3A_1306 = arith.cmpi sgt, %or3A_114, %min3A_1291 : vector<256x128xi32>
    %jit3A_1307 = arith.constant 2147483647 : i32
    %broadcast_in_dim3A_1308 = vector.broadcast %jit3A_1307 : i32 to vector<256x128xi32>
    %select_n3A_1309 = arith.select %gt3A_1306, %or3A_114, %broadcast_in_dim3A_1308 : vector<256x128xi1>, vector<256x128xi32>
    %min3A_1310 = arith.minsi %min3A_1305, %select_n3A_1309 : vector<256x128xi32>
    %gt3A_1311 = arith.cmpi sgt, %or3A_122, %min3A_1291 : vector<256x128xi32>
    %jit3A_1312 = arith.constant 2147483647 : i32
    %broadcast_in_dim3A_1313 = vector.broadcast %jit3A_1312 : i32 to vector<256x128xi32>
    %select_n3A_1314 = arith.select %gt3A_1311, %or3A_122, %broadcast_in_dim3A_1313 : vector<256x128xi1>, vector<256x128xi32>
    %min3A_1315 = arith.minsi %min3A_1310, %select_n3A_1314 : vector<256x128xi32>
    %gt3A_1316 = arith.cmpi sgt, %or3A_130, %min3A_1291 : vector<256x128xi32>
    %jit3A_1317 = arith.constant 2147483647 : i32
    %broadcast_in_dim3A_1318 = vector.broadcast %jit3A_1317 : i32 to vector<256x128xi32>
    %select_n3A_1319 = arith.select %gt3A_1316, %or3A_130, %broadcast_in_dim3A_1318 : vector<256x128xi1>, vector<256x128xi32>
    %min3A_1320 = arith.minsi %min3A_1315, %select_n3A_1319 : vector<256x128xi32>
    %gt3A_1321 = arith.cmpi sgt, %or3A_138, %min3A_1291 : vector<256x128xi32>
    %jit3A_1322 = arith.constant 2147483647 : i32
    %broadcast_in_dim3A_1323 = vector.broadcast %jit3A_1322 : i32 to vector<256x128xi32>
    %select_n3A_1324 = arith.select %gt3A_1321, %or3A_138, %broadcast_in_dim3A_1323 : vector<256x128xi1>, vector<256x128xi32>
    %min3A_1325 = arith.minsi %min3A_1320, %select_n3A_1324 : vector<256x128xi32>
    %gt3A_1326 = arith.cmpi sgt, %or3A_146, %min3A_1291 : vector<256x128xi32>
    %jit3A_1327 = arith.constant 2147483647 : i32
    %broadcast_in_dim3A_1328 = vector.broadcast %jit3A_1327 : i32 to vector<256x128xi32>
    %select_n3A_1329 = arith.select %gt3A_1326, %or3A_146, %broadcast_in_dim3A_1328 : vector<256x128xi1>, vector<256x128xi32>
    %min3A_1330 = arith.minsi %min3A_1325, %select_n3A_1329 : vector<256x128xi32>
    %gt3A_1331 = arith.cmpi sgt, %or3A_154, %min3A_1291 : vector<256x128xi32>
    %jit3A_1332 = arith.constant 2147483647 : i32
    %broadcast_in_dim3A_1333 = vector.broadcast %jit3A_1332 : i32 to vector<256x128xi32>
    %select_n3A_1334 = arith.select %gt3A_1331, %or3A_154, %broadcast_in_dim3A_1333 : vector<256x128xi1>, vector<256x128xi32>
    %min3A_1335 = arith.minsi %min3A_1330, %select_n3A_1334 : vector<256x128xi32>
    %gt3A_1336 = arith.cmpi sgt, %or3A_162, %min3A_1291 : vector<256x128xi32>
    %jit3A_1337 = arith.constant 2147483647 : i32
    %broadcast_in_dim3A_1338 = vector.broadcast %jit3A_1337 : i32 to vector<256x128xi32>
    %select_n3A_1339 = arith.select %gt3A_1336, %or3A_162, %broadcast_in_dim3A_1338 : vector<256x128xi1>, vector<256x128xi32>
    %min3A_1340 = arith.minsi %min3A_1335, %select_n3A_1339 : vector<256x128xi32>
    %gt3A_1341 = arith.cmpi sgt, %or3A_170, %min3A_1291 : vector<256x128xi32>
    %jit3A_1342 = arith.constant 2147483647 : i32
    %broadcast_in_dim3A_1343 = vector.broadcast %jit3A_1342 : i32 to vector<256x128xi32>
    %select_n3A_1344 = arith.select %gt3A_1341, %or3A_170, %broadcast_in_dim3A_1343 : vector<256x128xi1>, vector<256x128xi32>
    %min3A_1345 = arith.minsi %min3A_1340, %select_n3A_1344 : vector<256x128xi32>
    %gt3A_1346 = arith.cmpi sgt, %or3A_178, %min3A_1291 : vector<256x128xi32>
    %jit3A_1347 = arith.constant 2147483647 : i32
    %broadcast_in_dim3A_1348 = vector.broadcast %jit3A_1347 : i32 to vector<256x128xi32>
    %select_n3A_1349 = arith.select %gt3A_1346, %or3A_178, %broadcast_in_dim3A_1348 : vector<256x128xi1>, vector<256x128xi32>
    %min3A_1350 = arith.minsi %min3A_1345, %select_n3A_1349 : vector<256x128xi32>
    %gt3A_1351 = arith.cmpi sgt, %or3A_186, %min3A_1291 : vector<256x128xi32>
    %jit3A_1352 = arith.constant 2147483647 : i32
    %broadcast_in_dim3A_1353 = vector.broadcast %jit3A_1352 : i32 to vector<256x128xi32>
    %select_n3A_1354 = arith.select %gt3A_1351, %or3A_186, %broadcast_in_dim3A_1353 : vector<256x128xi1>, vector<256x128xi32>
    %min3A_1355 = arith.minsi %min3A_1350, %select_n3A_1354 : vector<256x128xi32>
    %gt3A_1356 = arith.cmpi sgt, %or3A_194, %min3A_1291 : vector<256x128xi32>
    %jit3A_1357 = arith.constant 2147483647 : i32
    %broadcast_in_dim3A_1358 = vector.broadcast %jit3A_1357 : i32 to vector<256x128xi32>
    %select_n3A_1359 = arith.select %gt3A_1356, %or3A_194, %broadcast_in_dim3A_1358 : vector<256x128xi1>, vector<256x128xi32>
    %min3A_1360 = arith.minsi %min3A_1355, %select_n3A_1359 : vector<256x128xi32>
    %gt3A_1361 = arith.cmpi sgt, %or3A_202, %min3A_1291 : vector<256x128xi32>
    %jit3A_1362 = arith.constant 2147483647 : i32
    %broadcast_in_dim3A_1363 = vector.broadcast %jit3A_1362 : i32 to vector<256x128xi32>
    %select_n3A_1364 = arith.select %gt3A_1361, %or3A_202, %broadcast_in_dim3A_1363 : vector<256x128xi1>, vector<256x128xi32>
    %min3A_1365 = arith.minsi %min3A_1360, %select_n3A_1364 : vector<256x128xi32>
    %gt3A_1366 = arith.cmpi sgt, %or3A_210, %min3A_1291 : vector<256x128xi32>
    %jit3A_1367 = arith.constant 2147483647 : i32
    %broadcast_in_dim3A_1368 = vector.broadcast %jit3A_1367 : i32 to vector<256x128xi32>
    %select_n3A_1369 = arith.select %gt3A_1366, %or3A_210, %broadcast_in_dim3A_1368 : vector<256x128xi1>, vector<256x128xi32>
    %min3A_1370 = arith.minsi %min3A_1365, %select_n3A_1369 : vector<256x128xi32>
    %gt3A_1371 = arith.cmpi sgt, %or3A_218, %min3A_1291 : vector<256x128xi32>
    %jit3A_1372 = arith.constant 2147483647 : i32
    %broadcast_in_dim3A_1373 = vector.broadcast %jit3A_1372 : i32 to vector<256x128xi32>
    %select_n3A_1374 = arith.select %gt3A_1371, %or3A_218, %broadcast_in_dim3A_1373 : vector<256x128xi1>, vector<256x128xi32>
    %min3A_1375 = arith.minsi %min3A_1370, %select_n3A_1374 : vector<256x128xi32>
    %gt3A_1376 = arith.cmpi sgt, %or3A_226, %min3A_1291 : vector<256x128xi32>
    %jit3A_1377 = arith.constant 2147483647 : i32
    %broadcast_in_dim3A_1378 = vector.broadcast %jit3A_1377 : i32 to vector<256x128xi32>
    %select_n3A_1379 = arith.select %gt3A_1376, %or3A_226, %broadcast_in_dim3A_1378 : vector<256x128xi1>, vector<256x128xi32>
    %min3A_1380 = arith.minsi %min3A_1375, %select_n3A_1379 : vector<256x128xi32>
    %gt3A_1381 = arith.cmpi sgt, %or3A_234, %min3A_1291 : vector<256x128xi32>
    %jit3A_1382 = arith.constant 2147483647 : i32
    %broadcast_in_dim3A_1383 = vector.broadcast %jit3A_1382 : i32 to vector<256x128xi32>
    %select_n3A_1384 = arith.select %gt3A_1381, %or3A_234, %broadcast_in_dim3A_1383 : vector<256x128xi1>, vector<256x128xi32>
    %min3A_1385 = arith.minsi %min3A_1380, %select_n3A_1384 : vector<256x128xi32>
    %gt3A_1386 = arith.cmpi sgt, %or3A_242, %min3A_1291 : vector<256x128xi32>
    %jit3A_1387 = arith.constant 2147483647 : i32
    %broadcast_in_dim3A_1388 = vector.broadcast %jit3A_1387 : i32 to vector<256x128xi32>
    %select_n3A_1389 = arith.select %gt3A_1386, %or3A_242, %broadcast_in_dim3A_1388 : vector<256x128xi1>, vector<256x128xi32>
    %min3A_1390 = arith.minsi %min3A_1385, %select_n3A_1389 : vector<256x128xi32>
    %gt3A_1391 = arith.cmpi sgt, %or3A_250, %min3A_1291 : vector<256x128xi32>
    %jit3A_1392 = arith.constant 2147483647 : i32
    %broadcast_in_dim3A_1393 = vector.broadcast %jit3A_1392 : i32 to vector<256x128xi32>
    %select_n3A_1394 = arith.select %gt3A_1391, %or3A_250, %broadcast_in_dim3A_1393 : vector<256x128xi1>, vector<256x128xi32>
    %min3A_1395 = arith.minsi %min3A_1390, %select_n3A_1394 : vector<256x128xi32>
    %gt3A_1396 = arith.cmpi sgt, %or3A_258, %min3A_1291 : vector<256x128xi32>
    %jit3A_1397 = arith.constant 2147483647 : i32
    %broadcast_in_dim3A_1398 = vector.broadcast %jit3A_1397 : i32 to vector<256x128xi32>
    %select_n3A_1399 = arith.select %gt3A_1396, %or3A_258, %broadcast_in_dim3A_1398 : vector<256x128xi1>, vector<256x128xi32>
    %min3A_1400 = arith.minsi %min3A_1395, %select_n3A_1399 : vector<256x128xi32>
    %gt3A_1401 = arith.cmpi sgt, %or3A_266, %min3A_1291 : vector<256x128xi32>
    %jit3A_1402 = arith.constant 2147483647 : i32
    %broadcast_in_dim3A_1403 = vector.broadcast %jit3A_1402 : i32 to vector<256x128xi32>
    %select_n3A_1404 = arith.select %gt3A_1401, %or3A_266, %broadcast_in_dim3A_1403 : vector<256x128xi1>, vector<256x128xi32>
    %min3A_1405 = arith.minsi %min3A_1400, %select_n3A_1404 : vector<256x128xi32>
    %gt3A_1406 = arith.cmpi sgt, %or3A_274, %min3A_1291 : vector<256x128xi32>
    %jit3A_1407 = arith.constant 2147483647 : i32
    %broadcast_in_dim3A_1408 = vector.broadcast %jit3A_1407 : i32 to vector<256x128xi32>
    %select_n3A_1409 = arith.select %gt3A_1406, %or3A_274, %broadcast_in_dim3A_1408 : vector<256x128xi1>, vector<256x128xi32>
    %min3A_1410 = arith.minsi %min3A_1405, %select_n3A_1409 : vector<256x128xi32>
    %gt3A_1411 = arith.cmpi sgt, %or3A_282, %min3A_1291 : vector<256x128xi32>
    %jit3A_1412 = arith.constant 2147483647 : i32
    %broadcast_in_dim3A_1413 = vector.broadcast %jit3A_1412 : i32 to vector<256x128xi32>
    %select_n3A_1414 = arith.select %gt3A_1411, %or3A_282, %broadcast_in_dim3A_1413 : vector<256x128xi1>, vector<256x128xi32>
    %min3A_1415 = arith.minsi %min3A_1410, %select_n3A_1414 : vector<256x128xi32>
    %gt3A_1416 = arith.cmpi sgt, %or3A_290, %min3A_1291 : vector<256x128xi32>
    %jit3A_1417 = arith.constant 2147483647 : i32
    %broadcast_in_dim3A_1418 = vector.broadcast %jit3A_1417 : i32 to vector<256x128xi32>
    %select_n3A_1419 = arith.select %gt3A_1416, %or3A_290, %broadcast_in_dim3A_1418 : vector<256x128xi1>, vector<256x128xi32>
    %min3A_1420 = arith.minsi %min3A_1415, %select_n3A_1419 : vector<256x128xi32>
    %gt3A_1421 = arith.cmpi sgt, %or3A_298, %min3A_1291 : vector<256x128xi32>
    %jit3A_1422 = arith.constant 2147483647 : i32
    %broadcast_in_dim3A_1423 = vector.broadcast %jit3A_1422 : i32 to vector<256x128xi32>
    %select_n3A_1424 = arith.select %gt3A_1421, %or3A_298, %broadcast_in_dim3A_1423 : vector<256x128xi1>, vector<256x128xi32>
    %min3A_1425 = arith.minsi %min3A_1420, %select_n3A_1424 : vector<256x128xi32>
    %gt3A_1426 = arith.cmpi sgt, %or3A_306, %min3A_1291 : vector<256x128xi32>
    %jit3A_1427 = arith.constant 2147483647 : i32
    %broadcast_in_dim3A_1428 = vector.broadcast %jit3A_1427 : i32 to vector<256x128xi32>
    %select_n3A_1429 = arith.select %gt3A_1426, %or3A_306, %broadcast_in_dim3A_1428 : vector<256x128xi1>, vector<256x128xi32>
    %min3A_1430 = arith.minsi %min3A_1425, %select_n3A_1429 : vector<256x128xi32>
    %gt3A_1431 = arith.cmpi sgt, %or3A_314, %min3A_1291 : vector<256x128xi32>
    %jit3A_1432 = arith.constant 2147483647 : i32
    %broadcast_in_dim3A_1433 = vector.broadcast %jit3A_1432 : i32 to vector<256x128xi32>
    %select_n3A_1434 = arith.select %gt3A_1431, %or3A_314, %broadcast_in_dim3A_1433 : vector<256x128xi1>, vector<256x128xi32>
    %min3A_1435 = arith.minsi %min3A_1430, %select_n3A_1434 : vector<256x128xi32>
    %gt3A_1436 = arith.cmpi sgt, %or3A_322, %min3A_1291 : vector<256x128xi32>
    %jit3A_1437 = arith.constant 2147483647 : i32
    %broadcast_in_dim3A_1438 = vector.broadcast %jit3A_1437 : i32 to vector<256x128xi32>
    %select_n3A_1439 = arith.select %gt3A_1436, %or3A_322, %broadcast_in_dim3A_1438 : vector<256x128xi1>, vector<256x128xi32>
    %min3A_1440 = arith.minsi %min3A_1435, %select_n3A_1439 : vector<256x128xi32>
    %gt3A_1441 = arith.cmpi sgt, %or3A_330, %min3A_1291 : vector<256x128xi32>
    %jit3A_1442 = arith.constant 2147483647 : i32
    %broadcast_in_dim3A_1443 = vector.broadcast %jit3A_1442 : i32 to vector<256x128xi32>
    %select_n3A_1444 = arith.select %gt3A_1441, %or3A_330, %broadcast_in_dim3A_1443 : vector<256x128xi1>, vector<256x128xi32>
    %min3A_1445 = arith.minsi %min3A_1440, %select_n3A_1444 : vector<256x128xi32>
    %gt3A_1446 = arith.cmpi sgt, %or3A_338, %min3A_1291 : vector<256x128xi32>
    %jit3A_1447 = arith.constant 2147483647 : i32
    %broadcast_in_dim3A_1448 = vector.broadcast %jit3A_1447 : i32 to vector<256x128xi32>
    %select_n3A_1449 = arith.select %gt3A_1446, %or3A_338, %broadcast_in_dim3A_1448 : vector<256x128xi1>, vector<256x128xi32>
    %min3A_1450 = arith.minsi %min3A_1445, %select_n3A_1449 : vector<256x128xi32>
    %gt3A_1451 = arith.cmpi sgt, %or3A_346, %min3A_1291 : vector<256x128xi32>
    %jit3A_1452 = arith.constant 2147483647 : i32
    %broadcast_in_dim3A_1453 = vector.broadcast %jit3A_1452 : i32 to vector<256x128xi32>
    %select_n3A_1454 = arith.select %gt3A_1451, %or3A_346, %broadcast_in_dim3A_1453 : vector<256x128xi1>, vector<256x128xi32>
    %min3A_1455 = arith.minsi %min3A_1450, %select_n3A_1454 : vector<256x128xi32>
    %gt3A_1456 = arith.cmpi sgt, %or3A_354, %min3A_1291 : vector<256x128xi32>
    %jit3A_1457 = arith.constant 2147483647 : i32
    %broadcast_in_dim3A_1458 = vector.broadcast %jit3A_1457 : i32 to vector<256x128xi32>
    %select_n3A_1459 = arith.select %gt3A_1456, %or3A_354, %broadcast_in_dim3A_1458 : vector<256x128xi1>, vector<256x128xi32>
    %min3A_1460 = arith.minsi %min3A_1455, %select_n3A_1459 : vector<256x128xi32>
    %gt3A_1461 = arith.cmpi sgt, %or3A_362, %min3A_1291 : vector<256x128xi32>
    %jit3A_1462 = arith.constant 2147483647 : i32
    %broadcast_in_dim3A_1463 = vector.broadcast %jit3A_1462 : i32 to vector<256x128xi32>
    %select_n3A_1464 = arith.select %gt3A_1461, %or3A_362, %broadcast_in_dim3A_1463 : vector<256x128xi1>, vector<256x128xi32>
    %min3A_1465 = arith.minsi %min3A_1460, %select_n3A_1464 : vector<256x128xi32>
    %gt3A_1466 = arith.cmpi sgt, %or3A_370, %min3A_1291 : vector<256x128xi32>
    %jit3A_1467 = arith.constant 2147483647 : i32
    %broadcast_in_dim3A_1468 = vector.broadcast %jit3A_1467 : i32 to vector<256x128xi32>
    %select_n3A_1469 = arith.select %gt3A_1466, %or3A_370, %broadcast_in_dim3A_1468 : vector<256x128xi1>, vector<256x128xi32>
    %min3A_1470 = arith.minsi %min3A_1465, %select_n3A_1469 : vector<256x128xi32>
    %gt3A_1471 = arith.cmpi sgt, %or3A_378, %min3A_1291 : vector<256x128xi32>
    %jit3A_1472 = arith.constant 2147483647 : i32
    %broadcast_in_dim3A_1473 = vector.broadcast %jit3A_1472 : i32 to vector<256x128xi32>
    %select_n3A_1474 = arith.select %gt3A_1471, %or3A_378, %broadcast_in_dim3A_1473 : vector<256x128xi1>, vector<256x128xi32>
    %min3A_1475 = arith.minsi %min3A_1470, %select_n3A_1474 : vector<256x128xi32>
    %gt3A_1476 = arith.cmpi sgt, %or3A_386, %min3A_1291 : vector<256x128xi32>
    %jit3A_1477 = arith.constant 2147483647 : i32
    %broadcast_in_dim3A_1478 = vector.broadcast %jit3A_1477 : i32 to vector<256x128xi32>
    %select_n3A_1479 = arith.select %gt3A_1476, %or3A_386, %broadcast_in_dim3A_1478 : vector<256x128xi1>, vector<256x128xi32>
    %min3A_1480 = arith.minsi %min3A_1475, %select_n3A_1479 : vector<256x128xi32>
    %gt3A_1481 = arith.cmpi sgt, %or3A_394, %min3A_1291 : vector<256x128xi32>
    %jit3A_1482 = arith.constant 2147483647 : i32
    %broadcast_in_dim3A_1483 = vector.broadcast %jit3A_1482 : i32 to vector<256x128xi32>
    %select_n3A_1484 = arith.select %gt3A_1481, %or3A_394, %broadcast_in_dim3A_1483 : vector<256x128xi1>, vector<256x128xi32>
    %min3A_1485 = arith.minsi %min3A_1480, %select_n3A_1484 : vector<256x128xi32>
    %gt3A_1486 = arith.cmpi sgt, %or3A_402, %min3A_1291 : vector<256x128xi32>
    %jit3A_1487 = arith.constant 2147483647 : i32
    %broadcast_in_dim3A_1488 = vector.broadcast %jit3A_1487 : i32 to vector<256x128xi32>
    %select_n3A_1489 = arith.select %gt3A_1486, %or3A_402, %broadcast_in_dim3A_1488 : vector<256x128xi1>, vector<256x128xi32>
    %min3A_1490 = arith.minsi %min3A_1485, %select_n3A_1489 : vector<256x128xi32>
    %gt3A_1491 = arith.cmpi sgt, %or3A_410, %min3A_1291 : vector<256x128xi32>
    %jit3A_1492 = arith.constant 2147483647 : i32
    %broadcast_in_dim3A_1493 = vector.broadcast %jit3A_1492 : i32 to vector<256x128xi32>
    %select_n3A_1494 = arith.select %gt3A_1491, %or3A_410, %broadcast_in_dim3A_1493 : vector<256x128xi1>, vector<256x128xi32>
    %min3A_1495 = arith.minsi %min3A_1490, %select_n3A_1494 : vector<256x128xi32>
    %gt3A_1496 = arith.cmpi sgt, %or3A_418, %min3A_1291 : vector<256x128xi32>
    %jit3A_1497 = arith.constant 2147483647 : i32
    %broadcast_in_dim3A_1498 = vector.broadcast %jit3A_1497 : i32 to vector<256x128xi32>
    %select_n3A_1499 = arith.select %gt3A_1496, %or3A_418, %broadcast_in_dim3A_1498 : vector<256x128xi1>, vector<256x128xi32>
    %min3A_1500 = arith.minsi %min3A_1495, %select_n3A_1499 : vector<256x128xi32>
    %gt3A_1501 = arith.cmpi sgt, %or3A_426, %min3A_1291 : vector<256x128xi32>
    %jit3A_1502 = arith.constant 2147483647 : i32
    %broadcast_in_dim3A_1503 = vector.broadcast %jit3A_1502 : i32 to vector<256x128xi32>
    %select_n3A_1504 = arith.select %gt3A_1501, %or3A_426, %broadcast_in_dim3A_1503 : vector<256x128xi1>, vector<256x128xi32>
    %min3A_1505 = arith.minsi %min3A_1500, %select_n3A_1504 : vector<256x128xi32>
    %gt3A_1506 = arith.cmpi sgt, %or3A_434, %min3A_1291 : vector<256x128xi32>
    %jit3A_1507 = arith.constant 2147483647 : i32
    %broadcast_in_dim3A_1508 = vector.broadcast %jit3A_1507 : i32 to vector<256x128xi32>
    %select_n3A_1509 = arith.select %gt3A_1506, %or3A_434, %broadcast_in_dim3A_1508 : vector<256x128xi1>, vector<256x128xi32>
    %min3A_1510 = arith.minsi %min3A_1505, %select_n3A_1509 : vector<256x128xi32>
    %gt3A_1511 = arith.cmpi sgt, %or3A_442, %min3A_1291 : vector<256x128xi32>
    %jit3A_1512 = arith.constant 2147483647 : i32
    %broadcast_in_dim3A_1513 = vector.broadcast %jit3A_1512 : i32 to vector<256x128xi32>
    %select_n3A_1514 = arith.select %gt3A_1511, %or3A_442, %broadcast_in_dim3A_1513 : vector<256x128xi1>, vector<256x128xi32>
    %min3A_1515 = arith.minsi %min3A_1510, %select_n3A_1514 : vector<256x128xi32>
    %gt3A_1516 = arith.cmpi sgt, %or3A_450, %min3A_1291 : vector<256x128xi32>
    %jit3A_1517 = arith.constant 2147483647 : i32
    %broadcast_in_dim3A_1518 = vector.broadcast %jit3A_1517 : i32 to vector<256x128xi32>
    %select_n3A_1519 = arith.select %gt3A_1516, %or3A_450, %broadcast_in_dim3A_1518 : vector<256x128xi1>, vector<256x128xi32>
    %min3A_1520 = arith.minsi %min3A_1515, %select_n3A_1519 : vector<256x128xi32>
    %gt3A_1521 = arith.cmpi sgt, %or3A_458, %min3A_1291 : vector<256x128xi32>
    %jit3A_1522 = arith.constant 2147483647 : i32
    %broadcast_in_dim3A_1523 = vector.broadcast %jit3A_1522 : i32 to vector<256x128xi32>
    %select_n3A_1524 = arith.select %gt3A_1521, %or3A_458, %broadcast_in_dim3A_1523 : vector<256x128xi1>, vector<256x128xi32>
    %min3A_1525 = arith.minsi %min3A_1520, %select_n3A_1524 : vector<256x128xi32>
    %gt3A_1526 = arith.cmpi sgt, %or3A_466, %min3A_1291 : vector<256x128xi32>
    %jit3A_1527 = arith.constant 2147483647 : i32
    %broadcast_in_dim3A_1528 = vector.broadcast %jit3A_1527 : i32 to vector<256x128xi32>
    %select_n3A_1529 = arith.select %gt3A_1526, %or3A_466, %broadcast_in_dim3A_1528 : vector<256x128xi1>, vector<256x128xi32>
    %min3A_1530 = arith.minsi %min3A_1525, %select_n3A_1529 : vector<256x128xi32>
    %gt3A_1531 = arith.cmpi sgt, %or3A_474, %min3A_1291 : vector<256x128xi32>
    %jit3A_1532 = arith.constant 2147483647 : i32
    %broadcast_in_dim3A_1533 = vector.broadcast %jit3A_1532 : i32 to vector<256x128xi32>
    %select_n3A_1534 = arith.select %gt3A_1531, %or3A_474, %broadcast_in_dim3A_1533 : vector<256x128xi1>, vector<256x128xi32>
    %min3A_1535 = arith.minsi %min3A_1530, %select_n3A_1534 : vector<256x128xi32>
    %gt3A_1536 = arith.cmpi sgt, %or3A_482, %min3A_1291 : vector<256x128xi32>
    %jit3A_1537 = arith.constant 2147483647 : i32
    %broadcast_in_dim3A_1538 = vector.broadcast %jit3A_1537 : i32 to vector<256x128xi32>
    %select_n3A_1539 = arith.select %gt3A_1536, %or3A_482, %broadcast_in_dim3A_1538 : vector<256x128xi1>, vector<256x128xi32>
    %min3A_1540 = arith.minsi %min3A_1535, %select_n3A_1539 : vector<256x128xi32>
    %gt3A_1541 = arith.cmpi sgt, %or3A_490, %min3A_1291 : vector<256x128xi32>
    %jit3A_1542 = arith.constant 2147483647 : i32
    %broadcast_in_dim3A_1543 = vector.broadcast %jit3A_1542 : i32 to vector<256x128xi32>
    %select_n3A_1544 = arith.select %gt3A_1541, %or3A_490, %broadcast_in_dim3A_1543 : vector<256x128xi1>, vector<256x128xi32>
    %min3A_1545 = arith.minsi %min3A_1540, %select_n3A_1544 : vector<256x128xi32>
    %gt3A_1546 = arith.cmpi sgt, %or3A_498, %min3A_1291 : vector<256x128xi32>
    %jit3A_1547 = arith.constant 2147483647 : i32
    %broadcast_in_dim3A_1548 = vector.broadcast %jit3A_1547 : i32 to vector<256x128xi32>
    %select_n3A_1549 = arith.select %gt3A_1546, %or3A_498, %broadcast_in_dim3A_1548 : vector<256x128xi1>, vector<256x128xi32>
    %min3A_1550 = arith.minsi %min3A_1545, %select_n3A_1549 : vector<256x128xi32>
    %gt3A_1551 = arith.cmpi sgt, %or3A_506, %min3A_1291 : vector<256x128xi32>
    %jit3A_1552 = arith.constant 2147483647 : i32
    %broadcast_in_dim3A_1553 = vector.broadcast %jit3A_1552 : i32 to vector<256x128xi32>
    %select_n3A_1554 = arith.select %gt3A_1551, %or3A_506, %broadcast_in_dim3A_1553 : vector<256x128xi1>, vector<256x128xi32>
    %min3A_1555 = arith.minsi %min3A_1550, %select_n3A_1554 : vector<256x128xi32>
    %gt3A_1556 = arith.cmpi sgt, %or3A_514, %min3A_1291 : vector<256x128xi32>
    %jit3A_1557 = arith.constant 2147483647 : i32
    %broadcast_in_dim3A_1558 = vector.broadcast %jit3A_1557 : i32 to vector<256x128xi32>
    %select_n3A_1559 = arith.select %gt3A_1556, %or3A_514, %broadcast_in_dim3A_1558 : vector<256x128xi1>, vector<256x128xi32>
    %min3A_1560 = arith.minsi %min3A_1555, %select_n3A_1559 : vector<256x128xi32>
    %gt3A_1561 = arith.cmpi sgt, %or3A_522, %min3A_1291 : vector<256x128xi32>
    %jit3A_1562 = arith.constant 2147483647 : i32
    %broadcast_in_dim3A_1563 = vector.broadcast %jit3A_1562 : i32 to vector<256x128xi32>
    %select_n3A_1564 = arith.select %gt3A_1561, %or3A_522, %broadcast_in_dim3A_1563 : vector<256x128xi1>, vector<256x128xi32>
    %min3A_1565 = arith.minsi %min3A_1560, %select_n3A_1564 : vector<256x128xi32>
    %gt3A_1566 = arith.cmpi sgt, %or3A_530, %min3A_1291 : vector<256x128xi32>
    %jit3A_1567 = arith.constant 2147483647 : i32
    %broadcast_in_dim3A_1568 = vector.broadcast %jit3A_1567 : i32 to vector<256x128xi32>
    %select_n3A_1569 = arith.select %gt3A_1566, %or3A_530, %broadcast_in_dim3A_1568 : vector<256x128xi1>, vector<256x128xi32>
    %min3A_1570 = arith.minsi %min3A_1565, %select_n3A_1569 : vector<256x128xi32>
    %gt3A_1571 = arith.cmpi sgt, %or3A_538, %min3A_1291 : vector<256x128xi32>
    %jit3A_1572 = arith.constant 2147483647 : i32
    %broadcast_in_dim3A_1573 = vector.broadcast %jit3A_1572 : i32 to vector<256x128xi32>
    %select_n3A_1574 = arith.select %gt3A_1571, %or3A_538, %broadcast_in_dim3A_1573 : vector<256x128xi1>, vector<256x128xi32>
    %min3A_1575 = arith.minsi %min3A_1570, %select_n3A_1574 : vector<256x128xi32>
    %gt3A_1576 = arith.cmpi sgt, %or3A_546, %min3A_1291 : vector<256x128xi32>
    %jit3A_1577 = arith.constant 2147483647 : i32
    %broadcast_in_dim3A_1578 = vector.broadcast %jit3A_1577 : i32 to vector<256x128xi32>
    %select_n3A_1579 = arith.select %gt3A_1576, %or3A_546, %broadcast_in_dim3A_1578 : vector<256x128xi1>, vector<256x128xi32>
    %min3A_1580 = arith.minsi %min3A_1575, %select_n3A_1579 : vector<256x128xi32>
    %gt3A_1581 = arith.cmpi sgt, %or3A_554, %min3A_1291 : vector<256x128xi32>
    %jit3A_1582 = arith.constant 2147483647 : i32
    %broadcast_in_dim3A_1583 = vector.broadcast %jit3A_1582 : i32 to vector<256x128xi32>
    %select_n3A_1584 = arith.select %gt3A_1581, %or3A_554, %broadcast_in_dim3A_1583 : vector<256x128xi1>, vector<256x128xi32>
    %min3A_1585 = arith.minsi %min3A_1580, %select_n3A_1584 : vector<256x128xi32>
    %gt3A_1586 = arith.cmpi sgt, %or3A_562, %min3A_1291 : vector<256x128xi32>
    %jit3A_1587 = arith.constant 2147483647 : i32
    %broadcast_in_dim3A_1588 = vector.broadcast %jit3A_1587 : i32 to vector<256x128xi32>
    %select_n3A_1589 = arith.select %gt3A_1586, %or3A_562, %broadcast_in_dim3A_1588 : vector<256x128xi1>, vector<256x128xi32>
    %min3A_1590 = arith.minsi %min3A_1585, %select_n3A_1589 : vector<256x128xi32>
    %gt3A_1591 = arith.cmpi sgt, %or3A_570, %min3A_1291 : vector<256x128xi32>
    %jit3A_1592 = arith.constant 2147483647 : i32
    %broadcast_in_dim3A_1593 = vector.broadcast %jit3A_1592 : i32 to vector<256x128xi32>
    %select_n3A_1594 = arith.select %gt3A_1591, %or3A_570, %broadcast_in_dim3A_1593 : vector<256x128xi1>, vector<256x128xi32>
    %min3A_1595 = arith.minsi %min3A_1590, %select_n3A_1594 : vector<256x128xi32>
    %gt3A_1596 = arith.cmpi sgt, %or3A_578, %min3A_1291 : vector<256x128xi32>
    %jit3A_1597 = arith.constant 2147483647 : i32
    %broadcast_in_dim3A_1598 = vector.broadcast %jit3A_1597 : i32 to vector<256x128xi32>
    %select_n3A_1599 = arith.select %gt3A_1596, %or3A_578, %broadcast_in_dim3A_1598 : vector<256x128xi1>, vector<256x128xi32>
    %min3A_1600 = arith.minsi %min3A_1595, %select_n3A_1599 : vector<256x128xi32>
    %gt3A_1601 = arith.cmpi sgt, %or3A_586, %min3A_1291 : vector<256x128xi32>
    %jit3A_1602 = arith.constant 2147483647 : i32
    %broadcast_in_dim3A_1603 = vector.broadcast %jit3A_1602 : i32 to vector<256x128xi32>
    %select_n3A_1604 = arith.select %gt3A_1601, %or3A_586, %broadcast_in_dim3A_1603 : vector<256x128xi1>, vector<256x128xi32>
    %min3A_1605 = arith.minsi %min3A_1600, %select_n3A_1604 : vector<256x128xi32>
    %gt3A_1606 = arith.cmpi sgt, %or3A_594, %min3A_1291 : vector<256x128xi32>
    %jit3A_1607 = arith.constant 2147483647 : i32
    %broadcast_in_dim3A_1608 = vector.broadcast %jit3A_1607 : i32 to vector<256x128xi32>
    %select_n3A_1609 = arith.select %gt3A_1606, %or3A_594, %broadcast_in_dim3A_1608 : vector<256x128xi1>, vector<256x128xi32>
    %min3A_1610 = arith.minsi %min3A_1605, %select_n3A_1609 : vector<256x128xi32>
    %and3A_1611 = arith.constant 63 : i32
    %and3A_1612 = vector.broadcast %and3A_1611 : i32 to vector<256x128xi32>
    %and3A_1613 = arith.andi %min3A_656, %and3A_1612 : vector<256x128xi32>
    %shift_left3A = arith.constant 7 : i32
    %shift_left3A_1614 = vector.broadcast %shift_left3A : i32 to vector<256x128xi32>
    %shift_left3A_1615 = arith.shli %and3A_1613, %shift_left3A_1614 : vector<256x128xi32>
    %or3A_1616 = arith.ori %shift_left3A_1615, %iota3A : vector<256x128xi32>
    %and3A_1617 = arith.constant 63 : i32
    %and3A_1618 = vector.broadcast %and3A_1617 : i32 to vector<256x128xi32>
    %and3A_1619 = arith.andi %min3A_972, %and3A_1618 : vector<256x128xi32>
    %shift_left3A_1620 = arith.constant 7 : i32
    %shift_left3A_1621 = vector.broadcast %shift_left3A_1620 : i32 to vector<256x128xi32>
    %shift_left3A_1622 = arith.shli %and3A_1619, %shift_left3A_1621 : vector<256x128xi32>
    %or3A_1623 = arith.ori %shift_left3A_1622, %iota3A : vector<256x128xi32>
    %and3A_1624 = arith.constant 63 : i32
    %and3A_1625 = vector.broadcast %and3A_1624 : i32 to vector<256x128xi32>
    %and3A_1626 = arith.andi %min3A_1291, %and3A_1625 : vector<256x128xi32>
    %shift_left3A_1627 = arith.constant 7 : i32
    %shift_left3A_1628 = vector.broadcast %shift_left3A_1627 : i32 to vector<256x128xi32>
    %shift_left3A_1629 = arith.shli %and3A_1626, %shift_left3A_1628 : vector<256x128xi32>
    %or3A_1630 = arith.ori %shift_left3A_1629, %iota3A : vector<256x128xi32>
    %and3A_1631 = arith.constant 63 : i32
    %and3A_1632 = vector.broadcast %and3A_1631 : i32 to vector<256x128xi32>
    %and3A_1633 = arith.andi %min3A_1610, %and3A_1632 : vector<256x128xi32>
    %shift_left3A_1634 = arith.constant 7 : i32
    %shift_left3A_1635 = vector.broadcast %shift_left3A_1634 : i32 to vector<256x128xi32>
    %shift_left3A_1636 = arith.shli %and3A_1633, %shift_left3A_1635 : vector<256x128xi32>
    %or3A_1637 = arith.ori %shift_left3A_1636, %iota3A : vector<256x128xi32>
    %reduce_min3A = arith.constant dense<2147483647> : vector<256xi32>
    %reduce_min3A_1638 = vector.multi_reduction <minsi>, %min3A_656, %reduce_min3A [1] : vector<256x128xi32> to vector<256xi32>
    %broadcast_in_dim3A_1639 = vector.shape_cast %reduce_min3A_1638 : vector<256xi32> to vector<256x1xi32>
    %eq3A = vector.broadcast %broadcast_in_dim3A_1639 : vector<256x1xi32> to vector<256x128xi32>
    %eq3A_1640 = arith.cmpi eq, %min3A_656, %eq3A : vector<256x128xi32>
    %jit3A_1641 = arith.constant 8192 : i32
    %broadcast_in_dim3A_1642 = vector.broadcast %jit3A_1641 : i32 to vector<256x128xi32>
    %select_n3A_1643 = arith.select %eq3A_1640, %or3A_1616, %broadcast_in_dim3A_1642 : vector<256x128xi1>, vector<256x128xi32>
    %reduce_min3A_1644 = arith.constant dense<2147483647> : vector<256xi32>
    %reduce_min3A_1645 = vector.multi_reduction <minsi>, %select_n3A_1643, %reduce_min3A_1644 [1] : vector<256x128xi32> to vector<256xi32>
    %broadcast_in_dim3A_1646 = vector.shape_cast %reduce_min3A_1645 : vector<256xi32> to vector<256x1xi32>
    %swap3A_1647 = arith.constant 0 : index
    %swap3A_1648 = arith.constant 0 : index
    %swap3A_1649 = vector.load %arg16[%swap3A_1647, %swap3A_1648] : memref<256x16xi32, #tpu.memory_space<vmem>>, vector<256x1xi32>
    tpu.vector_store %arg16[%swap3A_1647, %swap3A_1648], %broadcast_in_dim3A_1646 {strides = array<i32>} : memref<256x16xi32, #tpu.memory_space<vmem>>, vector<256x1xi32>,
    %select_n3A_1650 = arith.select %eq3A_1640, %min3A_972, %min3A_656 : vector<256x128xi1>, vector<256x128xi32>
    %select_n3A_1651 = arith.select %eq3A_1640, %or3A_1623, %or3A_1616 : vector<256x128xi1>, vector<256x128xi32>
    %select_n3A_1652 = arith.select %eq3A_1640, %min3A_1291, %min3A_972 : vector<256x128xi1>, vector<256x128xi32>
    %select_n3A_1653 = arith.select %eq3A_1640, %or3A_1630, %or3A_1623 : vector<256x128xi1>, vector<256x128xi32>
    %select_n3A_1654 = arith.select %eq3A_1640, %min3A_1610, %min3A_1291 : vector<256x128xi1>, vector<256x128xi32>
    %select_n3A_1655 = arith.select %eq3A_1640, %or3A_1637, %or3A_1630 : vector<256x128xi1>, vector<256x128xi32>
    %jit3A_1656 = arith.constant 2147483647 : i32
    %broadcast_in_dim3A_1657 = vector.broadcast %jit3A_1656 : i32 to vector<256x128xi32>
    %select_n3A_1658 = arith.select %eq3A_1640, %broadcast_in_dim3A_1657, %min3A_1610 : vector<256x128xi1>, vector<256x128xi32>
    %reduce_min3A_1659 = arith.constant dense<2147483647> : vector<256xi32>
    %reduce_min3A_1660 = vector.multi_reduction <minsi>, %select_n3A_1650, %reduce_min3A_1659 [1] : vector<256x128xi32> to vector<256xi32>
    %broadcast_in_dim3A_1661 = vector.shape_cast %reduce_min3A_1660 : vector<256xi32> to vector<256x1xi32>
    %eq3A_1662 = vector.broadcast %broadcast_in_dim3A_1661 : vector<256x1xi32> to vector<256x128xi32>
    %eq3A_1663 = arith.cmpi eq, %select_n3A_1650, %eq3A_1662 : vector<256x128xi32>
    %jit3A_1664 = arith.constant 8192 : i32
    %broadcast_in_dim3A_1665 = vector.broadcast %jit3A_1664 : i32 to vector<256x128xi32>
    %select_n3A_1666 = arith.select %eq3A_1663, %select_n3A_1651, %broadcast_in_dim3A_1665 : vector<256x128xi1>, vector<256x128xi32>
    %reduce_min3A_1667 = arith.constant dense<2147483647> : vector<256xi32>
    %reduce_min3A_1668 = vector.multi_reduction <minsi>, %select_n3A_1666, %reduce_min3A_1667 [1] : vector<256x128xi32> to vector<256xi32>
    %broadcast_in_dim3A_1669 = vector.shape_cast %reduce_min3A_1668 : vector<256xi32> to vector<256x1xi32>
    %swap3A_1670 = arith.constant 0 : index
    %swap3A_1671 = arith.constant 1 : index
    %swap3A_1672 = vector.load %arg16[%swap3A_1670, %swap3A_1671] : memref<256x16xi32, #tpu.memory_space<vmem>>, vector<256x1xi32>
    tpu.vector_store %arg16[%swap3A_1670, %swap3A_1671], %broadcast_in_dim3A_1669 {strides = array<i32>} : memref<256x16xi32, #tpu.memory_space<vmem>>, vector<256x1xi32>,
    %select_n3A_1673 = arith.select %eq3A_1663, %select_n3A_1652, %select_n3A_1650 : vector<256x128xi1>, vector<256x128xi32>
    %select_n3A_1674 = arith.select %eq3A_1663, %select_n3A_1653, %select_n3A_1651 : vector<256x128xi1>, vector<256x128xi32>
    %select_n3A_1675 = arith.select %eq3A_1663, %select_n3A_1654, %select_n3A_1652 : vector<256x128xi1>, vector<256x128xi32>
    %select_n3A_1676 = arith.select %eq3A_1663, %select_n3A_1655, %select_n3A_1653 : vector<256x128xi1>, vector<256x128xi32>
    %select_n3A_1677 = arith.select %eq3A_1663, %select_n3A_1658, %select_n3A_1654 : vector<256x128xi1>, vector<256x128xi32>
    %select_n3A_1678 = arith.select %eq3A_1663, %or3A_1637, %select_n3A_1655 : vector<256x128xi1>, vector<256x128xi32>
    %jit3A_1679 = arith.constant 2147483647 : i32
    %broadcast_in_dim3A_1680 = vector.broadcast %jit3A_1679 : i32 to vector<256x128xi32>
    %select_n3A_1681 = arith.select %eq3A_1663, %broadcast_in_dim3A_1680, %select_n3A_1658 : vector<256x128xi1>, vector<256x128xi32>
    %reduce_min3A_1682 = arith.constant dense<2147483647> : vector<256xi32>
    %reduce_min3A_1683 = vector.multi_reduction <minsi>, %select_n3A_1673, %reduce_min3A_1682 [1] : vector<256x128xi32> to vector<256xi32>
    %broadcast_in_dim3A_1684 = vector.shape_cast %reduce_min3A_1683 : vector<256xi32> to vector<256x1xi32>
    %eq3A_1685 = vector.broadcast %broadcast_in_dim3A_1684 : vector<256x1xi32> to vector<256x128xi32>
    %eq3A_1686 = arith.cmpi eq, %select_n3A_1673, %eq3A_1685 : vector<256x128xi32>
    %jit3A_1687 = arith.constant 8192 : i32
    %broadcast_in_dim3A_1688 = vector.broadcast %jit3A_1687 : i32 to vector<256x128xi32>
    %select_n3A_1689 = arith.select %eq3A_1686, %select_n3A_1674, %broadcast_in_dim3A_1688 : vector<256x128xi1>, vector<256x128xi32>
    %reduce_min3A_1690 = arith.constant dense<2147483647> : vector<256xi32>
    %reduce_min3A_1691 = vector.multi_reduction <minsi>, %select_n3A_1689, %reduce_min3A_1690 [1] : vector<256x128xi32> to vector<256xi32>
    %broadcast_in_dim3A_1692 = vector.shape_cast %reduce_min3A_1691 : vector<256xi32> to vector<256x1xi32>
    %swap3A_1693 = arith.constant 0 : index
    %swap3A_1694 = arith.constant 2 : index
    %swap3A_1695 = vector.load %arg16[%swap3A_1693, %swap3A_1694] : memref<256x16xi32, #tpu.memory_space<vmem>>, vector<256x1xi32>
    tpu.vector_store %arg16[%swap3A_1693, %swap3A_1694], %broadcast_in_dim3A_1692 {strides = array<i32>} : memref<256x16xi32, #tpu.memory_space<vmem>>, vector<256x1xi32>,
    %select_n3A_1696 = arith.select %eq3A_1686, %select_n3A_1675, %select_n3A_1673 : vector<256x128xi1>, vector<256x128xi32>
    %select_n3A_1697 = arith.select %eq3A_1686, %select_n3A_1676, %select_n3A_1674 : vector<256x128xi1>, vector<256x128xi32>
    %select_n3A_1698 = arith.select %eq3A_1686, %select_n3A_1677, %select_n3A_1675 : vector<256x128xi1>, vector<256x128xi32>
    %select_n3A_1699 = arith.select %eq3A_1686, %select_n3A_1678, %select_n3A_1676 : vector<256x128xi1>, vector<256x128xi32>
    %select_n3A_1700 = arith.select %eq3A_1686, %select_n3A_1681, %select_n3A_1677 : vector<256x128xi1>, vector<256x128xi32>
    %select_n3A_1701 = arith.select %eq3A_1686, %or3A_1637, %select_n3A_1678 : vector<256x128xi1>, vector<256x128xi32>
    %jit3A_1702 = arith.constant 2147483647 : i32
    %broadcast_in_dim3A_1703 = vector.broadcast %jit3A_1702 : i32 to vector<256x128xi32>
    %select_n3A_1704 = arith.select %eq3A_1686, %broadcast_in_dim3A_1703, %select_n3A_1681 : vector<256x128xi1>, vector<256x128xi32>
    %reduce_min3A_1705 = arith.constant dense<2147483647> : vector<256xi32>
    %reduce_min3A_1706 = vector.multi_reduction <minsi>, %select_n3A_1696, %reduce_min3A_1705 [1] : vector<256x128xi32> to vector<256xi32>
    %broadcast_in_dim3A_1707 = vector.shape_cast %reduce_min3A_1706 : vector<256xi32> to vector<256x1xi32>
    %eq3A_1708 = vector.broadcast %broadcast_in_dim3A_1707 : vector<256x1xi32> to vector<256x128xi32>
    %eq3A_1709 = arith.cmpi eq, %select_n3A_1696, %eq3A_1708 : vector<256x128xi32>
    %jit3A_1710 = arith.constant 8192 : i32
    %broadcast_in_dim3A_1711 = vector.broadcast %jit3A_1710 : i32 to vector<256x128xi32>
    %select_n3A_1712 = arith.select %eq3A_1709, %select_n3A_1697, %broadcast_in_dim3A_1711 : vector<256x128xi1>, vector<256x128xi32>
    %reduce_min3A_1713 = arith.constant dense<2147483647> : vector<256xi32>
    %reduce_min3A_1714 = vector.multi_reduction <minsi>, %select_n3A_1712, %reduce_min3A_1713 [1] : vector<256x128xi32> to vector<256xi32>
    %broadcast_in_dim3A_1715 = vector.shape_cast %reduce_min3A_1714 : vector<256xi32> to vector<256x1xi32>
    %swap3A_1716 = arith.constant 0 : index
    %swap3A_1717 = arith.constant 3 : index
    %swap3A_1718 = vector.load %arg16[%swap3A_1716, %swap3A_1717] : memref<256x16xi32, #tpu.memory_space<vmem>>, vector<256x1xi32>
    tpu.vector_store %arg16[%swap3A_1716, %swap3A_1717], %broadcast_in_dim3A_1715 {strides = array<i32>} : memref<256x16xi32, #tpu.memory_space<vmem>>, vector<256x1xi32>,
    %select_n3A_1719 = arith.select %eq3A_1709, %select_n3A_1698, %select_n3A_1696 : vector<256x128xi1>, vector<256x128xi32>
    %select_n3A_1720 = arith.select %eq3A_1709, %select_n3A_1699, %select_n3A_1697 : vector<256x128xi1>, vector<256x128xi32>
    %select_n3A_1721 = arith.select %eq3A_1709, %select_n3A_1700, %select_n3A_1698 : vector<256x128xi1>, vector<256x128xi32>
    %select_n3A_1722 = arith.select %eq3A_1709, %select_n3A_1701, %select_n3A_1699 : vector<256x128xi1>, vector<256x128xi32>
    %select_n3A_1723 = arith.select %eq3A_1709, %select_n3A_1704, %select_n3A_1700 : vector<256x128xi1>, vector<256x128xi32>
    %select_n3A_1724 = arith.select %eq3A_1709, %or3A_1637, %select_n3A_1701 : vector<256x128xi1>, vector<256x128xi32>
    %jit3A_1725 = arith.constant 2147483647 : i32
    %broadcast_in_dim3A_1726 = vector.broadcast %jit3A_1725 : i32 to vector<256x128xi32>
    %select_n3A_1727 = arith.select %eq3A_1709, %broadcast_in_dim3A_1726, %select_n3A_1704 : vector<256x128xi1>, vector<256x128xi32>
    %reduce_min3A_1728 = arith.constant dense<2147483647> : vector<256xi32>
    %reduce_min3A_1729 = vector.multi_reduction <minsi>, %select_n3A_1719, %reduce_min3A_1728 [1] : vector<256x128xi32> to vector<256xi32>
    %broadcast_in_dim3A_1730 = vector.shape_cast %reduce_min3A_1729 : vector<256xi32> to vector<256x1xi32>
    %eq3A_1731 = vector.broadcast %broadcast_in_dim3A_1730 : vector<256x1xi32> to vector<256x128xi32>
    %eq3A_1732 = arith.cmpi eq, %select_n3A_1719, %eq3A_1731 : vector<256x128xi32>
    %jit3A_1733 = arith.constant 8192 : i32
    %broadcast_in_dim3A_1734 = vector.broadcast %jit3A_1733 : i32 to vector<256x128xi32>
    %select_n3A_1735 = arith.select %eq3A_1732, %select_n3A_1720, %broadcast_in_dim3A_1734 : vector<256x128xi1>, vector<256x128xi32>
    %reduce_min3A_1736 = arith.constant dense<2147483647> : vector<256xi32>
    %reduce_min3A_1737 = vector.multi_reduction <minsi>, %select_n3A_1735, %reduce_min3A_1736 [1] : vector<256x128xi32> to vector<256xi32>
    %broadcast_in_dim3A_1738 = vector.shape_cast %reduce_min3A_1737 : vector<256xi32> to vector<256x1xi32>
    %swap3A_1739 = arith.constant 0 : index
    %swap3A_1740 = arith.constant 4 : index
    %swap3A_1741 = vector.load %arg16[%swap3A_1739, %swap3A_1740] : memref<256x16xi32, #tpu.memory_space<vmem>>, vector<256x1xi32>
    tpu.vector_store %arg16[%swap3A_1739, %swap3A_1740], %broadcast_in_dim3A_1738 {strides = array<i32>} : memref<256x16xi32, #tpu.memory_space<vmem>>, vector<256x1xi32>,
    %select_n3A_1742 = arith.select %eq3A_1732, %select_n3A_1721, %select_n3A_1719 : vector<256x128xi1>, vector<256x128xi32>
    %select_n3A_1743 = arith.select %eq3A_1732, %select_n3A_1722, %select_n3A_1720 : vector<256x128xi1>, vector<256x128xi32>
    %select_n3A_1744 = arith.select %eq3A_1732, %select_n3A_1723, %select_n3A_1721 : vector<256x128xi1>, vector<256x128xi32>
    %select_n3A_1745 = arith.select %eq3A_1732, %select_n3A_1724, %select_n3A_1722 : vector<256x128xi1>, vector<256x128xi32>
    %select_n3A_1746 = arith.select %eq3A_1732, %select_n3A_1727, %select_n3A_1723 : vector<256x128xi1>, vector<256x128xi32>
    %select_n3A_1747 = arith.select %eq3A_1732, %or3A_1637, %select_n3A_1724 : vector<256x128xi1>, vector<256x128xi32>
    %jit3A_1748 = arith.constant 2147483647 : i32
    %broadcast_in_dim3A_1749 = vector.broadcast %jit3A_1748 : i32 to vector<256x128xi32>
    %select_n3A_1750 = arith.select %eq3A_1732, %broadcast_in_dim3A_1749, %select_n3A_1727 : vector<256x128xi1>, vector<256x128xi32>
    %reduce_min3A_1751 = arith.constant dense<2147483647> : vector<256xi32>
    %reduce_min3A_1752 = vector.multi_reduction <minsi>, %select_n3A_1742, %reduce_min3A_1751 [1] : vector<256x128xi32> to vector<256xi32>
    %broadcast_in_dim3A_1753 = vector.shape_cast %reduce_min3A_1752 : vector<256xi32> to vector<256x1xi32>
    %eq3A_1754 = vector.broadcast %broadcast_in_dim3A_1753 : vector<256x1xi32> to vector<256x128xi32>
    %eq3A_1755 = arith.cmpi eq, %select_n3A_1742, %eq3A_1754 : vector<256x128xi32>
    %jit3A_1756 = arith.constant 8192 : i32
    %broadcast_in_dim3A_1757 = vector.broadcast %jit3A_1756 : i32 to vector<256x128xi32>
    %select_n3A_1758 = arith.select %eq3A_1755, %select_n3A_1743, %broadcast_in_dim3A_1757 : vector<256x128xi1>, vector<256x128xi32>
    %reduce_min3A_1759 = arith.constant dense<2147483647> : vector<256xi32>
    %reduce_min3A_1760 = vector.multi_reduction <minsi>, %select_n3A_1758, %reduce_min3A_1759 [1] : vector<256x128xi32> to vector<256xi32>
    %broadcast_in_dim3A_1761 = vector.shape_cast %reduce_min3A_1760 : vector<256xi32> to vector<256x1xi32>
    %swap3A_1762 = arith.constant 0 : index
    %swap3A_1763 = arith.constant 5 : index
    %swap3A_1764 = vector.load %arg16[%swap3A_1762, %swap3A_1763] : memref<256x16xi32, #tpu.memory_space<vmem>>, vector<256x1xi32>
    tpu.vector_store %arg16[%swap3A_1762, %swap3A_1763], %broadcast_in_dim3A_1761 {strides = array<i32>} : memref<256x16xi32, #tpu.memory_space<vmem>>, vector<256x1xi32>,
    %select_n3A_1765 = arith.select %eq3A_1755, %select_n3A_1744, %select_n3A_1742 : vector<256x128xi1>, vector<256x128xi32>
    %select_n3A_1766 = arith.select %eq3A_1755, %select_n3A_1745, %select_n3A_1743 : vector<256x128xi1>, vector<256x128xi32>
    %select_n3A_1767 = arith.select %eq3A_1755, %select_n3A_1746, %select_n3A_1744 : vector<256x128xi1>, vector<256x128xi32>
    %select_n3A_1768 = arith.select %eq3A_1755, %select_n3A_1747, %select_n3A_1745 : vector<256x128xi1>, vector<256x128xi32>
    %select_n3A_1769 = arith.select %eq3A_1755, %select_n3A_1750, %select_n3A_1746 : vector<256x128xi1>, vector<256x128xi32>
    %select_n3A_1770 = arith.select %eq3A_1755, %or3A_1637, %select_n3A_1747 : vector<256x128xi1>, vector<256x128xi32>
    %jit3A_1771 = arith.constant 2147483647 : i32
    %broadcast_in_dim3A_1772 = vector.broadcast %jit3A_1771 : i32 to vector<256x128xi32>
    %select_n3A_1773 = arith.select %eq3A_1755, %broadcast_in_dim3A_1772, %select_n3A_1750 : vector<256x128xi1>, vector<256x128xi32>
    %reduce_min3A_1774 = arith.constant dense<2147483647> : vector<256xi32>
    %reduce_min3A_1775 = vector.multi_reduction <minsi>, %select_n3A_1765, %reduce_min3A_1774 [1] : vector<256x128xi32> to vector<256xi32>
    %broadcast_in_dim3A_1776 = vector.shape_cast %reduce_min3A_1775 : vector<256xi32> to vector<256x1xi32>
    %eq3A_1777 = vector.broadcast %broadcast_in_dim3A_1776 : vector<256x1xi32> to vector<256x128xi32>
    %eq3A_1778 = arith.cmpi eq, %select_n3A_1765, %eq3A_1777 : vector<256x128xi32>
    %jit3A_1779 = arith.constant 8192 : i32
    %broadcast_in_dim3A_1780 = vector.broadcast %jit3A_1779 : i32 to vector<256x128xi32>
    %select_n3A_1781 = arith.select %eq3A_1778, %select_n3A_1766, %broadcast_in_dim3A_1780 : vector<256x128xi1>, vector<256x128xi32>
    %reduce_min3A_1782 = arith.constant dense<2147483647> : vector<256xi32>
    %reduce_min3A_1783 = vector.multi_reduction <minsi>, %select_n3A_1781, %reduce_min3A_1782 [1] : vector<256x128xi32> to vector<256xi32>
    %broadcast_in_dim3A_1784 = vector.shape_cast %reduce_min3A_1783 : vector<256xi32> to vector<256x1xi32>
    %swap3A_1785 = arith.constant 0 : index
    %swap3A_1786 = arith.constant 6 : index
    %swap3A_1787 = vector.load %arg16[%swap3A_1785, %swap3A_1786] : memref<256x16xi32, #tpu.memory_space<vmem>>, vector<256x1xi32>
    tpu.vector_store %arg16[%swap3A_1785, %swap3A_1786], %broadcast_in_dim3A_1784 {strides = array<i32>} : memref<256x16xi32, #tpu.memory_space<vmem>>, vector<256x1xi32>,
    %select_n3A_1788 = arith.select %eq3A_1778, %select_n3A_1767, %select_n3A_1765 : vector<256x128xi1>, vector<256x128xi32>
    %select_n3A_1789 = arith.select %eq3A_1778, %select_n3A_1768, %select_n3A_1766 : vector<256x128xi1>, vector<256x128xi32>
    %select_n3A_1790 = arith.select %eq3A_1778, %select_n3A_1769, %select_n3A_1767 : vector<256x128xi1>, vector<256x128xi32>
    %select_n3A_1791 = arith.select %eq3A_1778, %select_n3A_1770, %select_n3A_1768 : vector<256x128xi1>, vector<256x128xi32>
    %select_n3A_1792 = arith.select %eq3A_1778, %select_n3A_1773, %select_n3A_1769 : vector<256x128xi1>, vector<256x128xi32>
    %select_n3A_1793 = arith.select %eq3A_1778, %or3A_1637, %select_n3A_1770 : vector<256x128xi1>, vector<256x128xi32>
    %jit3A_1794 = arith.constant 2147483647 : i32
    %broadcast_in_dim3A_1795 = vector.broadcast %jit3A_1794 : i32 to vector<256x128xi32>
    %select_n3A_1796 = arith.select %eq3A_1778, %broadcast_in_dim3A_1795, %select_n3A_1773 : vector<256x128xi1>, vector<256x128xi32>
    %reduce_min3A_1797 = arith.constant dense<2147483647> : vector<256xi32>
    %reduce_min3A_1798 = vector.multi_reduction <minsi>, %select_n3A_1788, %reduce_min3A_1797 [1] : vector<256x128xi32> to vector<256xi32>
    %broadcast_in_dim3A_1799 = vector.shape_cast %reduce_min3A_1798 : vector<256xi32> to vector<256x1xi32>
    %eq3A_1800 = vector.broadcast %broadcast_in_dim3A_1799 : vector<256x1xi32> to vector<256x128xi32>
    %eq3A_1801 = arith.cmpi eq, %select_n3A_1788, %eq3A_1800 : vector<256x128xi32>
    %jit3A_1802 = arith.constant 8192 : i32
    %broadcast_in_dim3A_1803 = vector.broadcast %jit3A_1802 : i32 to vector<256x128xi32>
    %select_n3A_1804 = arith.select %eq3A_1801, %select_n3A_1789, %broadcast_in_dim3A_1803 : vector<256x128xi1>, vector<256x128xi32>
    %reduce_min3A_1805 = arith.constant dense<2147483647> : vector<256xi32>
    %reduce_min3A_1806 = vector.multi_reduction <minsi>, %select_n3A_1804, %reduce_min3A_1805 [1] : vector<256x128xi32> to vector<256xi32>
    %broadcast_in_dim3A_1807 = vector.shape_cast %reduce_min3A_1806 : vector<256xi32> to vector<256x1xi32>
    %swap3A_1808 = arith.constant 0 : index
    %swap3A_1809 = arith.constant 7 : index
    %swap3A_1810 = vector.load %arg16[%swap3A_1808, %swap3A_1809] : memref<256x16xi32, #tpu.memory_space<vmem>>, vector<256x1xi32>
    tpu.vector_store %arg16[%swap3A_1808, %swap3A_1809], %broadcast_in_dim3A_1807 {strides = array<i32>} : memref<256x16xi32, #tpu.memory_space<vmem>>, vector<256x1xi32>,
    %select_n3A_1811 = arith.select %eq3A_1801, %select_n3A_1790, %select_n3A_1788 : vector<256x128xi1>, vector<256x128xi32>
    %select_n3A_1812 = arith.select %eq3A_1801, %select_n3A_1791, %select_n3A_1789 : vector<256x128xi1>, vector<256x128xi32>
    %select_n3A_1813 = arith.select %eq3A_1801, %select_n3A_1792, %select_n3A_1790 : vector<256x128xi1>, vector<256x128xi32>
    %select_n3A_1814 = arith.select %eq3A_1801, %select_n3A_1793, %select_n3A_1791 : vector<256x128xi1>, vector<256x128xi32>
    %select_n3A_1815 = arith.select %eq3A_1801, %select_n3A_1796, %select_n3A_1792 : vector<256x128xi1>, vector<256x128xi32>
    %select_n3A_1816 = arith.select %eq3A_1801, %or3A_1637, %select_n3A_1793 : vector<256x128xi1>, vector<256x128xi32>
    %jit3A_1817 = arith.constant 2147483647 : i32
    %broadcast_in_dim3A_1818 = vector.broadcast %jit3A_1817 : i32 to vector<256x128xi32>
    %select_n3A_1819 = arith.select %eq3A_1801, %broadcast_in_dim3A_1818, %select_n3A_1796 : vector<256x128xi1>, vector<256x128xi32>
    %reduce_min3A_1820 = arith.constant dense<2147483647> : vector<256xi32>
    %reduce_min3A_1821 = vector.multi_reduction <minsi>, %select_n3A_1811, %reduce_min3A_1820 [1] : vector<256x128xi32> to vector<256xi32>
    %broadcast_in_dim3A_1822 = vector.shape_cast %reduce_min3A_1821 : vector<256xi32> to vector<256x1xi32>
    %eq3A_1823 = vector.broadcast %broadcast_in_dim3A_1822 : vector<256x1xi32> to vector<256x128xi32>
    %eq3A_1824 = arith.cmpi eq, %select_n3A_1811, %eq3A_1823 : vector<256x128xi32>
    %jit3A_1825 = arith.constant 8192 : i32
    %broadcast_in_dim3A_1826 = vector.broadcast %jit3A_1825 : i32 to vector<256x128xi32>
    %select_n3A_1827 = arith.select %eq3A_1824, %select_n3A_1812, %broadcast_in_dim3A_1826 : vector<256x128xi1>, vector<256x128xi32>
    %reduce_min3A_1828 = arith.constant dense<2147483647> : vector<256xi32>
    %reduce_min3A_1829 = vector.multi_reduction <minsi>, %select_n3A_1827, %reduce_min3A_1828 [1] : vector<256x128xi32> to vector<256xi32>
    %broadcast_in_dim3A_1830 = vector.shape_cast %reduce_min3A_1829 : vector<256xi32> to vector<256x1xi32>
    %swap3A_1831 = arith.constant 0 : index
    %swap3A_1832 = arith.constant 8 : index
    %swap3A_1833 = vector.load %arg16[%swap3A_1831, %swap3A_1832] : memref<256x16xi32, #tpu.memory_space<vmem>>, vector<256x1xi32>
    tpu.vector_store %arg16[%swap3A_1831, %swap3A_1832], %broadcast_in_dim3A_1830 {strides = array<i32>} : memref<256x16xi32, #tpu.memory_space<vmem>>, vector<256x1xi32>,
    %select_n3A_1834 = arith.select %eq3A_1824, %select_n3A_1813, %select_n3A_1811 : vector<256x128xi1>, vector<256x128xi32>
    %select_n3A_1835 = arith.select %eq3A_1824, %select_n3A_1814, %select_n3A_1812 : vector<256x128xi1>, vector<256x128xi32>
    %select_n3A_1836 = arith.select %eq3A_1824, %select_n3A_1815, %select_n3A_1813 : vector<256x128xi1>, vector<256x128xi32>
    %select_n3A_1837 = arith.select %eq3A_1824, %select_n3A_1816, %select_n3A_1814 : vector<256x128xi1>, vector<256x128xi32>
    %select_n3A_1838 = arith.select %eq3A_1824, %select_n3A_1819, %select_n3A_1815 : vector<256x128xi1>, vector<256x128xi32>
    %select_n3A_1839 = arith.select %eq3A_1824, %or3A_1637, %select_n3A_1816 : vector<256x128xi1>, vector<256x128xi32>
    %jit3A_1840 = arith.constant 2147483647 : i32
    %broadcast_in_dim3A_1841 = vector.broadcast %jit3A_1840 : i32 to vector<256x128xi32>
    %select_n3A_1842 = arith.select %eq3A_1824, %broadcast_in_dim3A_1841, %select_n3A_1819 : vector<256x128xi1>, vector<256x128xi32>
    %reduce_min3A_1843 = arith.constant dense<2147483647> : vector<256xi32>
    %reduce_min3A_1844 = vector.multi_reduction <minsi>, %select_n3A_1834, %reduce_min3A_1843 [1] : vector<256x128xi32> to vector<256xi32>
    %broadcast_in_dim3A_1845 = vector.shape_cast %reduce_min3A_1844 : vector<256xi32> to vector<256x1xi32>
    %eq3A_1846 = vector.broadcast %broadcast_in_dim3A_1845 : vector<256x1xi32> to vector<256x128xi32>
    %eq3A_1847 = arith.cmpi eq, %select_n3A_1834, %eq3A_1846 : vector<256x128xi32>
    %jit3A_1848 = arith.constant 8192 : i32
    %broadcast_in_dim3A_1849 = vector.broadcast %jit3A_1848 : i32 to vector<256x128xi32>
    %select_n3A_1850 = arith.select %eq3A_1847, %select_n3A_1835, %broadcast_in_dim3A_1849 : vector<256x128xi1>, vector<256x128xi32>
    %reduce_min3A_1851 = arith.constant dense<2147483647> : vector<256xi32>
    %reduce_min3A_1852 = vector.multi_reduction <minsi>, %select_n3A_1850, %reduce_min3A_1851 [1] : vector<256x128xi32> to vector<256xi32>
    %broadcast_in_dim3A_1853 = vector.shape_cast %reduce_min3A_1852 : vector<256xi32> to vector<256x1xi32>
    %swap3A_1854 = arith.constant 0 : index
    %swap3A_1855 = arith.constant 9 : index
    %swap3A_1856 = vector.load %arg16[%swap3A_1854, %swap3A_1855] : memref<256x16xi32, #tpu.memory_space<vmem>>, vector<256x1xi32>
    tpu.vector_store %arg16[%swap3A_1854, %swap3A_1855], %broadcast_in_dim3A_1853 {strides = array<i32>} : memref<256x16xi32, #tpu.memory_space<vmem>>, vector<256x1xi32>,
    %select_n3A_1857 = arith.select %eq3A_1847, %select_n3A_1836, %select_n3A_1834 : vector<256x128xi1>, vector<256x128xi32>
    %select_n3A_1858 = arith.select %eq3A_1847, %select_n3A_1837, %select_n3A_1835 : vector<256x128xi1>, vector<256x128xi32>
    %select_n3A_1859 = arith.select %eq3A_1847, %select_n3A_1838, %select_n3A_1836 : vector<256x128xi1>, vector<256x128xi32>
    %select_n3A_1860 = arith.select %eq3A_1847, %select_n3A_1839, %select_n3A_1837 : vector<256x128xi1>, vector<256x128xi32>
    %select_n3A_1861 = arith.select %eq3A_1847, %select_n3A_1842, %select_n3A_1838 : vector<256x128xi1>, vector<256x128xi32>
    %select_n3A_1862 = arith.select %eq3A_1847, %or3A_1637, %select_n3A_1839 : vector<256x128xi1>, vector<256x128xi32>
    %jit3A_1863 = arith.constant 2147483647 : i32
    %broadcast_in_dim3A_1864 = vector.broadcast %jit3A_1863 : i32 to vector<256x128xi32>
    %select_n3A_1865 = arith.select %eq3A_1847, %broadcast_in_dim3A_1864, %select_n3A_1842 : vector<256x128xi1>, vector<256x128xi32>
    %reduce_min3A_1866 = arith.constant dense<2147483647> : vector<256xi32>
    %reduce_min3A_1867 = vector.multi_reduction <minsi>, %select_n3A_1857, %reduce_min3A_1866 [1] : vector<256x128xi32> to vector<256xi32>
    %broadcast_in_dim3A_1868 = vector.shape_cast %reduce_min3A_1867 : vector<256xi32> to vector<256x1xi32>
    %eq3A_1869 = vector.broadcast %broadcast_in_dim3A_1868 : vector<256x1xi32> to vector<256x128xi32>
    %eq3A_1870 = arith.cmpi eq, %select_n3A_1857, %eq3A_1869 : vector<256x128xi32>
    %jit3A_1871 = arith.constant 8192 : i32
    %broadcast_in_dim3A_1872 = vector.broadcast %jit3A_1871 : i32 to vector<256x128xi32>
    %select_n3A_1873 = arith.select %eq3A_1870, %select_n3A_1858, %broadcast_in_dim3A_1872 : vector<256x128xi1>, vector<256x128xi32>
    %reduce_min3A_1874 = arith.constant dense<2147483647> : vector<256xi32>
    %reduce_min3A_1875 = vector.multi_reduction <minsi>, %select_n3A_1873, %reduce_min3A_1874 [1] : vector<256x128xi32> to vector<256xi32>
    %broadcast_in_dim3A_1876 = vector.shape_cast %reduce_min3A_1875 : vector<256xi32> to vector<256x1xi32>
    %swap3A_1877 = arith.constant 0 : index
    %swap3A_1878 = arith.constant 10 : index
    %swap3A_1879 = vector.load %arg16[%swap3A_1877, %swap3A_1878] : memref<256x16xi32, #tpu.memory_space<vmem>>, vector<256x1xi32>
    tpu.vector_store %arg16[%swap3A_1877, %swap3A_1878], %broadcast_in_dim3A_1876 {strides = array<i32>} : memref<256x16xi32, #tpu.memory_space<vmem>>, vector<256x1xi32>,
    %select_n3A_1880 = arith.select %eq3A_1870, %select_n3A_1859, %select_n3A_1857 : vector<256x128xi1>, vector<256x128xi32>
    %select_n3A_1881 = arith.select %eq3A_1870, %select_n3A_1860, %select_n3A_1858 : vector<256x128xi1>, vector<256x128xi32>
    %select_n3A_1882 = arith.select %eq3A_1870, %select_n3A_1861, %select_n3A_1859 : vector<256x128xi1>, vector<256x128xi32>
    %select_n3A_1883 = arith.select %eq3A_1870, %select_n3A_1862, %select_n3A_1860 : vector<256x128xi1>, vector<256x128xi32>
    %select_n3A_1884 = arith.select %eq3A_1870, %select_n3A_1865, %select_n3A_1861 : vector<256x128xi1>, vector<256x128xi32>
    %select_n3A_1885 = arith.select %eq3A_1870, %or3A_1637, %select_n3A_1862 : vector<256x128xi1>, vector<256x128xi32>
    %jit3A_1886 = arith.constant 2147483647 : i32
    %broadcast_in_dim3A_1887 = vector.broadcast %jit3A_1886 : i32 to vector<256x128xi32>
    %select_n3A_1888 = arith.select %eq3A_1870, %broadcast_in_dim3A_1887, %select_n3A_1865 : vector<256x128xi1>, vector<256x128xi32>
    %reduce_min3A_1889 = arith.constant dense<2147483647> : vector<256xi32>
    %reduce_min3A_1890 = vector.multi_reduction <minsi>, %select_n3A_1880, %reduce_min3A_1889 [1] : vector<256x128xi32> to vector<256xi32>
    %broadcast_in_dim3A_1891 = vector.shape_cast %reduce_min3A_1890 : vector<256xi32> to vector<256x1xi32>
    %eq3A_1892 = vector.broadcast %broadcast_in_dim3A_1891 : vector<256x1xi32> to vector<256x128xi32>
    %eq3A_1893 = arith.cmpi eq, %select_n3A_1880, %eq3A_1892 : vector<256x128xi32>
    %jit3A_1894 = arith.constant 8192 : i32
    %broadcast_in_dim3A_1895 = vector.broadcast %jit3A_1894 : i32 to vector<256x128xi32>
    %select_n3A_1896 = arith.select %eq3A_1893, %select_n3A_1881, %broadcast_in_dim3A_1895 : vector<256x128xi1>, vector<256x128xi32>
    %reduce_min3A_1897 = arith.constant dense<2147483647> : vector<256xi32>
    %reduce_min3A_1898 = vector.multi_reduction <minsi>, %select_n3A_1896, %reduce_min3A_1897 [1] : vector<256x128xi32> to vector<256xi32>
    %broadcast_in_dim3A_1899 = vector.shape_cast %reduce_min3A_1898 : vector<256xi32> to vector<256x1xi32>
    %swap3A_1900 = arith.constant 0 : index
    %swap3A_1901 = arith.constant 11 : index
    %swap3A_1902 = vector.load %arg16[%swap3A_1900, %swap3A_1901] : memref<256x16xi32, #tpu.memory_space<vmem>>, vector<256x1xi32>
    tpu.vector_store %arg16[%swap3A_1900, %swap3A_1901], %broadcast_in_dim3A_1899 {strides = array<i32>} : memref<256x16xi32, #tpu.memory_space<vmem>>, vector<256x1xi32>,
    %select_n3A_1903 = arith.select %eq3A_1893, %select_n3A_1882, %select_n3A_1880 : vector<256x128xi1>, vector<256x128xi32>
    %select_n3A_1904 = arith.select %eq3A_1893, %select_n3A_1883, %select_n3A_1881 : vector<256x128xi1>, vector<256x128xi32>
    %select_n3A_1905 = arith.select %eq3A_1893, %select_n3A_1884, %select_n3A_1882 : vector<256x128xi1>, vector<256x128xi32>
    %select_n3A_1906 = arith.select %eq3A_1893, %select_n3A_1885, %select_n3A_1883 : vector<256x128xi1>, vector<256x128xi32>
    %select_n3A_1907 = arith.select %eq3A_1893, %select_n3A_1888, %select_n3A_1884 : vector<256x128xi1>, vector<256x128xi32>
    %select_n3A_1908 = arith.select %eq3A_1893, %or3A_1637, %select_n3A_1885 : vector<256x128xi1>, vector<256x128xi32>
    %jit3A_1909 = arith.constant 2147483647 : i32
    %broadcast_in_dim3A_1910 = vector.broadcast %jit3A_1909 : i32 to vector<256x128xi32>
    %select_n3A_1911 = arith.select %eq3A_1893, %broadcast_in_dim3A_1910, %select_n3A_1888 : vector<256x128xi1>, vector<256x128xi32>
    %reduce_min3A_1912 = arith.constant dense<2147483647> : vector<256xi32>
    %reduce_min3A_1913 = vector.multi_reduction <minsi>, %select_n3A_1903, %reduce_min3A_1912 [1] : vector<256x128xi32> to vector<256xi32>
    %broadcast_in_dim3A_1914 = vector.shape_cast %reduce_min3A_1913 : vector<256xi32> to vector<256x1xi32>
    %eq3A_1915 = vector.broadcast %broadcast_in_dim3A_1914 : vector<256x1xi32> to vector<256x128xi32>
    %eq3A_1916 = arith.cmpi eq, %select_n3A_1903, %eq3A_1915 : vector<256x128xi32>
    %jit3A_1917 = arith.constant 8192 : i32
    %broadcast_in_dim3A_1918 = vector.broadcast %jit3A_1917 : i32 to vector<256x128xi32>
    %select_n3A_1919 = arith.select %eq3A_1916, %select_n3A_1904, %broadcast_in_dim3A_1918 : vector<256x128xi1>, vector<256x128xi32>
    %reduce_min3A_1920 = arith.constant dense<2147483647> : vector<256xi32>
    %reduce_min3A_1921 = vector.multi_reduction <minsi>, %select_n3A_1919, %reduce_min3A_1920 [1] : vector<256x128xi32> to vector<256xi32>
    %broadcast_in_dim3A_1922 = vector.shape_cast %reduce_min3A_1921 : vector<256xi32> to vector<256x1xi32>
    %swap3A_1923 = arith.constant 0 : index
    %swap3A_1924 = arith.constant 12 : index
    %swap3A_1925 = vector.load %arg16[%swap3A_1923, %swap3A_1924] : memref<256x16xi32, #tpu.memory_space<vmem>>, vector<256x1xi32>
    tpu.vector_store %arg16[%swap3A_1923, %swap3A_1924], %broadcast_in_dim3A_1922 {strides = array<i32>} : memref<256x16xi32, #tpu.memory_space<vmem>>, vector<256x1xi32>,
    %select_n3A_1926 = arith.select %eq3A_1916, %select_n3A_1905, %select_n3A_1903 : vector<256x128xi1>, vector<256x128xi32>
    %select_n3A_1927 = arith.select %eq3A_1916, %select_n3A_1906, %select_n3A_1904 : vector<256x128xi1>, vector<256x128xi32>
    %select_n3A_1928 = arith.select %eq3A_1916, %select_n3A_1907, %select_n3A_1905 : vector<256x128xi1>, vector<256x128xi32>
    %select_n3A_1929 = arith.select %eq3A_1916, %select_n3A_1908, %select_n3A_1906 : vector<256x128xi1>, vector<256x128xi32>
    %select_n3A_1930 = arith.select %eq3A_1916, %select_n3A_1911, %select_n3A_1907 : vector<256x128xi1>, vector<256x128xi32>
    %select_n3A_1931 = arith.select %eq3A_1916, %or3A_1637, %select_n3A_1908 : vector<256x128xi1>, vector<256x128xi32>
    %reduce_min3A_1932 = arith.constant dense<2147483647> : vector<256xi32>
    %reduce_min3A_1933 = vector.multi_reduction <minsi>, %select_n3A_1926, %reduce_min3A_1932 [1] : vector<256x128xi32> to vector<256xi32>
    %broadcast_in_dim3A_1934 = vector.shape_cast %reduce_min3A_1933 : vector<256xi32> to vector<256x1xi32>
    %eq3A_1935 = vector.broadcast %broadcast_in_dim3A_1934 : vector<256x1xi32> to vector<256x128xi32>
    %eq3A_1936 = arith.cmpi eq, %select_n3A_1926, %eq3A_1935 : vector<256x128xi32>
    %jit3A_1937 = arith.constant 8192 : i32
    %broadcast_in_dim3A_1938 = vector.broadcast %jit3A_1937 : i32 to vector<256x128xi32>
    %select_n3A_1939 = arith.select %eq3A_1936, %select_n3A_1927, %broadcast_in_dim3A_1938 : vector<256x128xi1>, vector<256x128xi32>
    %reduce_min3A_1940 = arith.constant dense<2147483647> : vector<256xi32>
    %reduce_min3A_1941 = vector.multi_reduction <minsi>, %select_n3A_1939, %reduce_min3A_1940 [1] : vector<256x128xi32> to vector<256xi32>
    %broadcast_in_dim3A_1942 = vector.shape_cast %reduce_min3A_1941 : vector<256xi32> to vector<256x1xi32>
    %swap3A_1943 = arith.constant 0 : index
    %swap3A_1944 = arith.constant 13 : index
    %swap3A_1945 = vector.load %arg16[%swap3A_1943, %swap3A_1944] : memref<256x16xi32, #tpu.memory_space<vmem>>, vector<256x1xi32>
    tpu.vector_store %arg16[%swap3A_1943, %swap3A_1944], %broadcast_in_dim3A_1942 {strides = array<i32>} : memref<256x16xi32, #tpu.memory_space<vmem>>, vector<256x1xi32>,
    %select_n3A_1946 = arith.select %eq3A_1936, %select_n3A_1928, %select_n3A_1926 : vector<256x128xi1>, vector<256x128xi32>
    %select_n3A_1947 = arith.select %eq3A_1936, %select_n3A_1929, %select_n3A_1927 : vector<256x128xi1>, vector<256x128xi32>
    %select_n3A_1948 = arith.select %eq3A_1936, %select_n3A_1930, %select_n3A_1928 : vector<256x128xi1>, vector<256x128xi32>
    %select_n3A_1949 = arith.select %eq3A_1936, %select_n3A_1931, %select_n3A_1929 : vector<256x128xi1>, vector<256x128xi32>
    %reduce_min3A_1950 = arith.constant dense<2147483647> : vector<256xi32>
    %reduce_min3A_1951 = vector.multi_reduction <minsi>, %select_n3A_1946, %reduce_min3A_1950 [1] : vector<256x128xi32> to vector<256xi32>
    %broadcast_in_dim3A_1952 = vector.shape_cast %reduce_min3A_1951 : vector<256xi32> to vector<256x1xi32>
    %eq3A_1953 = vector.broadcast %broadcast_in_dim3A_1952 : vector<256x1xi32> to vector<256x128xi32>
    %eq3A_1954 = arith.cmpi eq, %select_n3A_1946, %eq3A_1953 : vector<256x128xi32>
    %jit3A_1955 = arith.constant 8192 : i32
    %broadcast_in_dim3A_1956 = vector.broadcast %jit3A_1955 : i32 to vector<256x128xi32>
    %select_n3A_1957 = arith.select %eq3A_1954, %select_n3A_1947, %broadcast_in_dim3A_1956 : vector<256x128xi1>, vector<256x128xi32>
    %reduce_min3A_1958 = arith.constant dense<2147483647> : vector<256xi32>
    %reduce_min3A_1959 = vector.multi_reduction <minsi>, %select_n3A_1957, %reduce_min3A_1958 [1] : vector<256x128xi32> to vector<256xi32>
    %broadcast_in_dim3A_1960 = vector.shape_cast %reduce_min3A_1959 : vector<256xi32> to vector<256x1xi32>
    %swap3A_1961 = arith.constant 0 : index
    %swap3A_1962 = arith.constant 14 : index
    %swap3A_1963 = vector.load %arg16[%swap3A_1961, %swap3A_1962] : memref<256x16xi32, #tpu.memory_space<vmem>>, vector<256x1xi32>
    tpu.vector_store %arg16[%swap3A_1961, %swap3A_1962], %broadcast_in_dim3A_1960 {strides = array<i32>} : memref<256x16xi32, #tpu.memory_space<vmem>>, vector<256x1xi32>,
    %select_n3A_1964 = arith.select %eq3A_1954, %select_n3A_1948, %select_n3A_1946 : vector<256x128xi1>, vector<256x128xi32>
    %select_n3A_1965 = arith.select %eq3A_1954, %select_n3A_1949, %select_n3A_1947 : vector<256x128xi1>, vector<256x128xi32>
    %reduce_min3A_1966 = arith.constant dense<2147483647> : vector<256xi32>
    %reduce_min3A_1967 = vector.multi_reduction <minsi>, %select_n3A_1964, %reduce_min3A_1966 [1] : vector<256x128xi32> to vector<256xi32>
    %broadcast_in_dim3A_1968 = vector.shape_cast %reduce_min3A_1967 : vector<256xi32> to vector<256x1xi32>
    %eq3A_1969 = vector.broadcast %broadcast_in_dim3A_1968 : vector<256x1xi32> to vector<256x128xi32>
    %eq3A_1970 = arith.cmpi eq, %select_n3A_1964, %eq3A_1969 : vector<256x128xi32>
    %jit3A_1971 = arith.constant 8192 : i32
    %broadcast_in_dim3A_1972 = vector.broadcast %jit3A_1971 : i32 to vector<256x128xi32>
    %select_n3A_1973 = arith.select %eq3A_1970, %select_n3A_1965, %broadcast_in_dim3A_1972 : vector<256x128xi1>, vector<256x128xi32>
    %reduce_min3A_1974 = arith.constant dense<2147483647> : vector<256xi32>
    %reduce_min3A_1975 = vector.multi_reduction <minsi>, %select_n3A_1973, %reduce_min3A_1974 [1] : vector<256x128xi32> to vector<256xi32>
    %broadcast_in_dim3A_1976 = vector.shape_cast %reduce_min3A_1975 : vector<256xi32> to vector<256x1xi32>
    %swap3A_1977 = arith.constant 0 : index
    %swap3A_1978 = arith.constant 15 : index
    %swap3A_1979 = vector.load %arg16[%swap3A_1977, %swap3A_1978] : memref<256x16xi32, #tpu.memory_space<vmem>>, vector<256x1xi32>
    tpu.vector_store %arg16[%swap3A_1977, %swap3A_1978], %broadcast_in_dim3A_1976 {strides = array<i32>} : memref<256x16xi32, #tpu.memory_space<vmem>>, vector<256x1xi32>,
    return
  }
  func.func @transform_0(%arg0: i32) -> (i32, i32) {
    %c0_i32 = arith.constant 0 : i32
    %c0_i32_0 = arith.constant 0 : i32
    return %arg0, %c0_i32 : i32, i32
  }
  func.func @transform_1(%arg0: i32) -> (i32, i32) {
    %c0_i32 = arith.constant 0 : i32
    %c0_i32_0 = arith.constant 0 : i32
    return %arg0, %c0_i32 : i32, i32
  }
  func.func @transform_2(%arg0: i32) -> (i32, i32) {
    %c0_i32 = arith.constant 0 : i32
    %c0_i32_0 = arith.constant 0 : i32
    %c0_i32_1 = arith.constant 0 : i32
    return %c0_i32, %c0_i32_0 : i32, i32
  }
  func.func @transform_3(%arg0: i32) -> (i32, i32) {
    %c0_i32 = arith.constant 0 : i32
    %c0_i32_0 = arith.constant 0 : i32
    %c0_i32_1 = arith.constant 0 : i32
    return %c0_i32, %c0_i32_0 : i32, i32
  }
  func.func @transform_4(%arg0: i32) -> (i32, i32) {
    %c0_i32 = arith.constant 0 : i32
    %c0_i32_0 = arith.constant 0 : i32
    %c0_i32_1 = arith.constant 0 : i32
    return %c0_i32, %c0_i32_0 : i32, i32
  }
  func.func @transform_5(%arg0: i32) -> (i32, i32) {
    %c0_i32 = arith.constant 0 : i32
    %c0_i32_0 = arith.constant 0 : i32
    %c0_i32_1 = arith.constant 0 : i32
    return %c0_i32, %c0_i32_0 : i32, i32
  }
  func.func @transform_6(%arg0: i32) -> (i32, i32) {
    %c0_i32 = arith.constant 0 : i32
    %c0_i32_0 = arith.constant 0 : i32
    %c0_i32_1 = arith.constant 0 : i32
    return %c0_i32, %c0_i32_0 : i32, i32
  }
  func.func @transform_7(%arg0: i32) -> (i32, i32) {
    %c0_i32 = arith.constant 0 : i32
    %c0_i32_0 = arith.constant 0 : i32
    %c0_i32_1 = arith.constant 0 : i32
    return %c0_i32, %c0_i32_0 : i32, i32
  }
  func.func @transform_8(%arg0: i32) -> (i32, i32) {
    %c0_i32 = arith.constant 0 : i32
    %c0_i32_0 = arith.constant 0 : i32
    %c0_i32_1 = arith.constant 0 : i32
    return %c0_i32, %c0_i32_0 : i32, i32
  }
  func.func @transform_9(%arg0: i32) -> (i32, i32) {
    %c0_i32 = arith.constant 0 : i32
    %c0_i32_0 = arith.constant 0 : i32
    %c0_i32_1 = arith.constant 0 : i32
    return %c0_i32, %c0_i32_0 : i32, i32
  }
  func.func @transform_10(%arg0: i32) -> (i32, i32) {
    %c0_i32 = arith.constant 0 : i32
    %c0_i32_0 = arith.constant 0 : i32
    %c0_i32_1 = arith.constant 0 : i32
    return %c0_i32, %c0_i32_0 : i32, i32
  }
  func.func @transform_11(%arg0: i32) -> (i32, i32) {
    %c0_i32 = arith.constant 0 : i32
    %c0_i32_0 = arith.constant 0 : i32
    return %arg0, %c0_i32 : i32, i32
  }
  func.func @transform_12(%arg0: i32) -> (i32, i32) {
    %c0_i32 = arith.constant 0 : i32
    %c0_i32_0 = arith.constant 0 : i32
    return %arg0, %c0_i32 : i32, i32
  }
  func.func @transform_13(%arg0: i32) -> (i32, i32) {
    %c0_i32 = arith.constant 0 : i32
    %c0_i32_0 = arith.constant 0 : i32
    return %arg0, %c0_i32 : i32, i32
  }
  func.func @transform_14(%arg0: i32) -> (i32, i32) {
    %c0_i32 = arith.constant 0 : i32
    %c0_i32_0 = arith.constant 0 : i32
    return %arg0, %c0_i32 : i32, i32
  }
  func.func @transform_15(%arg0: i32) -> (i32, i32) {
    %c0_i32 = arith.constant 0 : i32
    %c0_i32_0 = arith.constant 0 : i32
    return %arg0, %c0_i32 : i32, i32
  }
}

module attributes {stable_mosaic.version = 14 : i64} {
  func.func @_attn_body(%arg0: i32, %arg1: memref<4096x128xf32, #tpu.memory_space<vmem>>, %arg2: memref<256x32xf32, #tpu.memory_space<vmem>>, %arg3: memref<256x32xf32, #tpu.memory_space<vmem>>, %arg4: memref<256x32xf32, #tpu.memory_space<vmem>>, %arg5: memref<32x32xf32, #tpu.memory_space<vmem>>, %arg6: memref<32x32xf32, #tpu.memory_space<vmem>>, %arg7: memref<32x32xf32, #tpu.memory_space<vmem>>, %arg8: memref<1x32xf32, #tpu.memory_space<vmem>>, %arg9: memref<32x32xf32, #tpu.memory_space<vmem>>, %arg10: memref<1x32xf32, #tpu.memory_space<vmem>>, %arg11: memref<32x32xf32, #tpu.memory_space<vmem>>, %arg12: memref<32x40xf32, #tpu.memory_space<vmem>>, %arg13: memref<256x40xf32, #tpu.memory_space<vmem>>) attributes {dimension_semantics = [#tpu.dimension_semantics<arbitrary>], iteration_bounds = array<i64: 16>, scalar_prefetch = 0 : i64, scratch_operands = 0 : i64, tpu.core_type = #tpu.core_type<tc>, window_params = [{transform_indices = @transform_0, window_bounds = array<i64: 4096, 128>}, {transform_indices = @transform_1, window_bounds = array<i64: 256, 32>}, {transform_indices = @transform_2, window_bounds = array<i64: 256, 32>}, {transform_indices = @transform_3, window_bounds = array<i64: 256, 32>}, {pipeline_mode = #tpu.pipeline_mode<synchronous>, transform_indices = @transform_4, window_bounds = array<i64: 32, 32>}, {pipeline_mode = #tpu.pipeline_mode<synchronous>, transform_indices = @transform_5, window_bounds = array<i64: 32, 32>}, {pipeline_mode = #tpu.pipeline_mode<synchronous>, transform_indices = @transform_6, window_bounds = array<i64: 32, 32>}, {pipeline_mode = #tpu.pipeline_mode<synchronous>, transform_indices = @transform_7, window_bounds = array<i64: 1, 32>}, {pipeline_mode = #tpu.pipeline_mode<synchronous>, transform_indices = @transform_8, window_bounds = array<i64: 32, 32>}, {pipeline_mode = #tpu.pipeline_mode<synchronous>, transform_indices = @transform_9, window_bounds = array<i64: 1, 32>}, {pipeline_mode = #tpu.pipeline_mode<synchronous>, transform_indices = @transform_10, window_bounds = array<i64: 32, 32>}, {pipeline_mode = #tpu.pipeline_mode<synchronous>, transform_indices = @transform_11, window_bounds = array<i64: 32, 40>}, {transform_indices = @transform_12, window_bounds = array<i64: 256, 40>}]} {
    %get3A = arith.constant 0 : index
    %get3A_0 = arith.constant 0 : index
    %get3A_1 = vector.load %arg1[%get3A, %get3A_0] : memref<4096x128xf32, #tpu.memory_space<vmem>>, vector<4096x128xf32>
    %slice3A = vector.extract_strided_slice %get3A_1 {offsets = [0, 0], sizes = [4096, 32], strides = [1, 1]} : vector<4096x128xf32> to vector<4096x32xf32>
    %slice3A_2 = vector.extract_strided_slice %get3A_1 {offsets = [0, 32], sizes = [4096, 32], strides = [1, 1]} : vector<4096x128xf32> to vector<4096x32xf32>
    %slice3A_3 = vector.extract_strided_slice %get3A_1 {offsets = [0, 64], sizes = [4096, 32], strides = [1, 1]} : vector<4096x128xf32> to vector<4096x32xf32>
    %get3A_4 = arith.constant 0 : index
    %get3A_5 = arith.constant 0 : index
    %get3A_6 = vector.load %arg2[%get3A_4, %get3A_5] : memref<256x32xf32, #tpu.memory_space<vmem>>, vector<256x32xf32>
    %broadcast_in_dim3A = vector.shape_cast %get3A_6 : vector<256x32xf32> to vector<256x1x32xf32>
    %broadcast_in_dim3A_7 = vector.shape_cast %broadcast_in_dim3A : vector<256x1x32xf32> to vector<256x1x32xf32>
    %broadcast_in_dim3A_8 = vector.broadcast %broadcast_in_dim3A_7 : vector<256x1x32xf32> to vector<256x16x32xf32>
    %reshape3A = vector.shape_cast %broadcast_in_dim3A_8 : vector<256x16x32xf32> to vector<4096x32xf32>
    %get3A_9 = arith.constant 0 : index
    %get3A_10 = arith.constant 0 : index
    %get3A_11 = vector.load %arg4[%get3A_9, %get3A_10] : memref<256x32xf32, #tpu.memory_space<vmem>>, vector<256x32xf32>
    %broadcast_in_dim3A_12 = vector.shape_cast %get3A_11 : vector<256x32xf32> to vector<256x1x32xf32>
    %broadcast_in_dim3A_13 = vector.shape_cast %broadcast_in_dim3A_12 : vector<256x1x32xf32> to vector<256x1x32xf32>
    %broadcast_in_dim3A_14 = vector.broadcast %broadcast_in_dim3A_13 : vector<256x1x32xf32> to vector<256x16x32xf32>
    %reshape3A_15 = vector.shape_cast %broadcast_in_dim3A_14 : vector<256x16x32xf32> to vector<4096x32xf32>
    %sub3A = arith.subf %reshape3A_15, %slice3A_3 : vector<4096x32xf32>
    %max3A = arith.constant 0.000000e+00 : f32
    %max3A_16 = vector.broadcast %max3A : f32 to vector<4096x32xf32>
    %max3A_17 = arith.maximumf %sub3A, %max3A_16 : vector<4096x32xf32>
    %get3A_18 = arith.constant 0 : index
    %get3A_19 = arith.constant 0 : index
    %get3A_20 = vector.load %arg5[%get3A_18, %get3A_19] : memref<32x32xf32, #tpu.memory_space<vmem>>, vector<32x32xf32>
    %dot_general3A = arith.constant dense<0.000000e+00> : vector<4096x32xf32>
    %dot_general3A_21 = tpu.matmul %max3A_17, %get3A_20, %dot_general3A {dimension_numbers = #tpu.dot_dimension_numbers<[1], [0], [0], [1], [0, 0, 1, 1], [], []>, transpose_lhs_hint = false} : vector<4096x32xf32>, vector<32x32xf32>, vector<4096x32xf32> -> vector<4096x32xf32>
    %sub3A_22 = arith.subf %reshape3A, %slice3A : vector<4096x32xf32>
    %add3A = arith.addf %sub3A_22, %dot_general3A_21 : vector<4096x32xf32>
    %max3A_23 = arith.constant 0.000000e+00 : f32
    %max3A_24 = vector.broadcast %max3A_23 : f32 to vector<4096x32xf32>
    %max3A_25 = arith.maximumf %add3A, %max3A_24 : vector<4096x32xf32>
    %get3A_26 = arith.constant 0 : index
    %get3A_27 = arith.constant 0 : index
    %get3A_28 = vector.load %arg6[%get3A_26, %get3A_27] : memref<32x32xf32, #tpu.memory_space<vmem>>, vector<32x32xf32>
    %dot_general3A_29 = arith.constant dense<0.000000e+00> : vector<4096x32xf32>
    %dot_general3A_30 = tpu.matmul %max3A_25, %get3A_28, %dot_general3A_29 {dimension_numbers = #tpu.dot_dimension_numbers<[1], [0], [0], [1], [0, 0, 1, 1], [], []>, transpose_lhs_hint = false} : vector<4096x32xf32>, vector<32x32xf32>, vector<4096x32xf32> -> vector<4096x32xf32>
    %max3A_31 = arith.constant 0.000000e+00 : f32
    %max3A_32 = vector.broadcast %max3A_31 : f32 to vector<4096x32xf32>
    %max3A_33 = arith.maximumf %dot_general3A_30, %max3A_32 : vector<4096x32xf32>
    %get3A_34 = arith.constant 0 : index
    %get3A_35 = arith.constant 0 : index
    %get3A_36 = vector.load %arg7[%get3A_34, %get3A_35] : memref<32x32xf32, #tpu.memory_space<vmem>>, vector<32x32xf32>
    %dot_general3A_37 = arith.constant dense<0.000000e+00> : vector<4096x32xf32>
    %dot_general3A_38 = tpu.matmul %max3A_33, %get3A_36, %dot_general3A_37 {dimension_numbers = #tpu.dot_dimension_numbers<[1], [0], [0], [1], [0, 0, 1, 1], [], []>, transpose_lhs_hint = false} : vector<4096x32xf32>, vector<32x32xf32>, vector<4096x32xf32> -> vector<4096x32xf32>
    %get3A_39 = arith.constant 0 : index
    %get3A_40 = arith.constant 0 : index
    %get3A_41 = vector.load %arg8[%get3A_39, %get3A_40] : memref<1x32xf32, #tpu.memory_space<vmem>>, vector<1x32xf32>
    %add3A_42 = vector.broadcast %get3A_41 : vector<1x32xf32> to vector<4096x32xf32>
    %add3A_43 = arith.addf %dot_general3A_38, %add3A_42 : vector<4096x32xf32>
    %reshape3A_44 = vector.shape_cast %add3A_43 : vector<4096x32xf32> to vector<256x16x32xf32>
    %add3A_45 = arith.addf %slice3A_2, %dot_general3A_21 : vector<4096x32xf32>
    %reshape3A_46 = vector.shape_cast %add3A_45 : vector<4096x32xf32> to vector<256x16x32xf32>
    %reduce_max3A = arith.constant dense<0xFF800000> : vector<256x32xf32>
    %reduce_max3A_47 = vector.multi_reduction <maximumf>, %reshape3A_44, %reduce_max3A [1] : vector<256x16x32xf32> to vector<256x32xf32>
    %broadcast_in_dim3A_48 = vector.shape_cast %reduce_max3A_47 : vector<256x32xf32> to vector<256x1x32xf32>
    %sub3A_49 = vector.broadcast %broadcast_in_dim3A_48 : vector<256x1x32xf32> to vector<256x16x32xf32>
    %sub3A_50 = arith.subf %reshape3A_44, %sub3A_49 : vector<256x16x32xf32>
    %exp3A = math.exp %sub3A_50 : vector<256x16x32xf32>
    %reduce_sum3A = arith.constant dense<0.000000e+00> : vector<256x32xf32>
    %reduce_sum3A_51 = vector.multi_reduction <add>, %exp3A, %reduce_sum3A [1] : vector<256x16x32xf32> to vector<256x32xf32>
    %mul3A = arith.mulf %exp3A, %reshape3A_46 : vector<256x16x32xf32>
    %reduce_sum3A_52 = arith.constant dense<0.000000e+00> : vector<256x32xf32>
    %reduce_sum3A_53 = vector.multi_reduction <add>, %mul3A, %reduce_sum3A_52 [1] : vector<256x16x32xf32> to vector<256x32xf32>
    %div3A = arith.divf %reduce_sum3A_53, %reduce_sum3A_51 : vector<256x32xf32>
    %get3A_54 = arith.constant 0 : index
    %get3A_55 = arith.constant 0 : index
    %get3A_56 = vector.load %arg9[%get3A_54, %get3A_55] : memref<32x32xf32, #tpu.memory_space<vmem>>, vector<32x32xf32>
    %dot_general3A_57 = arith.constant dense<0.000000e+00> : vector<256x32xf32>
    %dot_general3A_58 = tpu.matmul %div3A, %get3A_56, %dot_general3A_57 {dimension_numbers = #tpu.dot_dimension_numbers<[1], [0], [0], [1], [0, 0, 1, 1], [], []>, transpose_lhs_hint = false} : vector<256x32xf32>, vector<32x32xf32>, vector<256x32xf32> -> vector<256x32xf32>
    %get3A_59 = arith.constant 0 : index
    %get3A_60 = arith.constant 0 : index
    %get3A_61 = vector.load %arg10[%get3A_59, %get3A_60] : memref<1x32xf32, #tpu.memory_space<vmem>>, vector<1x32xf32>
    %add3A_62 = vector.broadcast %get3A_61 : vector<1x32xf32> to vector<256x32xf32>
    %add3A_63 = arith.addf %dot_general3A_58, %add3A_62 : vector<256x32xf32>
    %get3A_64 = arith.constant 0 : index
    %get3A_65 = arith.constant 0 : index
    %get3A_66 = vector.load %arg3[%get3A_64, %get3A_65] : memref<256x32xf32, #tpu.memory_space<vmem>>, vector<256x32xf32>
    %add3A_67 = arith.addf %add3A_63, %get3A_66 : vector<256x32xf32>
    %get3A_68 = arith.constant 0 : index
    %get3A_69 = arith.constant 0 : index
    %get3A_70 = vector.load %arg11[%get3A_68, %get3A_69] : memref<32x32xf32, #tpu.memory_space<vmem>>, vector<32x32xf32>
    %dot_general3A_71 = arith.constant dense<0.000000e+00> : vector<256x32xf32>
    %dot_general3A_72 = tpu.matmul %add3A_67, %get3A_70, %dot_general3A_71 {dimension_numbers = #tpu.dot_dimension_numbers<[1], [0], [0], [1], [0, 0, 1, 1], [], []>, transpose_lhs_hint = false} : vector<256x32xf32>, vector<32x32xf32>, vector<256x32xf32> -> vector<256x32xf32>
    %max3A_73 = arith.constant 0.000000e+00 : f32
    %max3A_74 = vector.broadcast %max3A_73 : f32 to vector<256x32xf32>
    %max3A_75 = arith.maximumf %dot_general3A_72, %max3A_74 : vector<256x32xf32>
    %get3A_76 = arith.constant 0 : index
    %get3A_77 = arith.constant 0 : index
    %get3A_78 = vector.load %arg12[%get3A_76, %get3A_77] : memref<32x40xf32, #tpu.memory_space<vmem>>, vector<32x40xf32>
    %dot_general3A_79 = arith.constant dense<0.000000e+00> : vector<256x40xf32>
    %dot_general3A_80 = tpu.matmul %max3A_75, %get3A_78, %dot_general3A_79 {dimension_numbers = #tpu.dot_dimension_numbers<[1], [0], [0], [1], [0, 0, 1, 1], [], []>, transpose_lhs_hint = false} : vector<256x32xf32>, vector<32x40xf32>, vector<256x40xf32> -> vector<256x40xf32>
    %max3A_81 = arith.constant 0.000000e+00 : f32
    %max3A_82 = vector.broadcast %max3A_81 : f32 to vector<256x40xf32>
    %max3A_83 = arith.maximumf %dot_general3A_80, %max3A_82 : vector<256x40xf32>
    %swap3A = arith.constant 0 : index
    %swap3A_84 = arith.constant 0 : index
    %swap3A_85 = vector.load %arg13[%swap3A, %swap3A_84] : memref<256x40xf32, #tpu.memory_space<vmem>>, vector<256x40xf32>
    tpu.vector_store %arg13[%swap3A, %swap3A_84], %max3A_83 {strides = array<i32>} : memref<256x40xf32, #tpu.memory_space<vmem>>, vector<256x40xf32>,
    return
  }
  func.func @transform_0(%arg0: i32) -> (i32, i32) {
    %c0_i32 = arith.constant 0 : i32
    %c0_i32_0 = arith.constant 0 : i32
    return %arg0, %c0_i32 : i32, i32
  }
  func.func @transform_1(%arg0: i32) -> (i32, i32) {
    %c0_i32 = arith.constant 0 : i32
    %c0_i32_0 = arith.constant 0 : i32
    return %arg0, %c0_i32 : i32, i32
  }
  func.func @transform_2(%arg0: i32) -> (i32, i32) {
    %c0_i32 = arith.constant 0 : i32
    %c0_i32_0 = arith.constant 0 : i32
    return %arg0, %c0_i32 : i32, i32
  }
  func.func @transform_3(%arg0: i32) -> (i32, i32) {
    %c0_i32 = arith.constant 0 : i32
    %c0_i32_0 = arith.constant 0 : i32
    return %arg0, %c0_i32 : i32, i32
  }
  func.func @transform_4(%arg0: i32) -> (i32, i32) {
    %c0_i32 = arith.constant 0 : i32
    %c0_i32_0 = arith.constant 0 : i32
    %c0_i32_1 = arith.constant 0 : i32
    return %c0_i32, %c0_i32_0 : i32, i32
  }
  func.func @transform_5(%arg0: i32) -> (i32, i32) {
    %c0_i32 = arith.constant 0 : i32
    %c0_i32_0 = arith.constant 0 : i32
    %c0_i32_1 = arith.constant 0 : i32
    return %c0_i32, %c0_i32_0 : i32, i32
  }
  func.func @transform_6(%arg0: i32) -> (i32, i32) {
    %c0_i32 = arith.constant 0 : i32
    %c0_i32_0 = arith.constant 0 : i32
    %c0_i32_1 = arith.constant 0 : i32
    return %c0_i32, %c0_i32_0 : i32, i32
  }
  func.func @transform_7(%arg0: i32) -> (i32, i32) {
    %c0_i32 = arith.constant 0 : i32
    %c0_i32_0 = arith.constant 0 : i32
    %c0_i32_1 = arith.constant 0 : i32
    return %c0_i32, %c0_i32_0 : i32, i32
  }
  func.func @transform_8(%arg0: i32) -> (i32, i32) {
    %c0_i32 = arith.constant 0 : i32
    %c0_i32_0 = arith.constant 0 : i32
    %c0_i32_1 = arith.constant 0 : i32
    return %c0_i32, %c0_i32_0 : i32, i32
  }
  func.func @transform_9(%arg0: i32) -> (i32, i32) {
    %c0_i32 = arith.constant 0 : i32
    %c0_i32_0 = arith.constant 0 : i32
    %c0_i32_1 = arith.constant 0 : i32
    return %c0_i32, %c0_i32_0 : i32, i32
  }
  func.func @transform_10(%arg0: i32) -> (i32, i32) {
    %c0_i32 = arith.constant 0 : i32
    %c0_i32_0 = arith.constant 0 : i32
    %c0_i32_1 = arith.constant 0 : i32
    return %c0_i32, %c0_i32_0 : i32, i32
  }
  func.func @transform_11(%arg0: i32) -> (i32, i32) {
    %c0_i32 = arith.constant 0 : i32
    %c0_i32_0 = arith.constant 0 : i32
    %c0_i32_1 = arith.constant 0 : i32
    return %c0_i32, %c0_i32_0 : i32, i32
  }
  func.func @transform_12(%arg0: i32) -> (i32, i32) {
    %c0_i32 = arith.constant 0 : i32
    %c0_i32_0 = arith.constant 0 : i32
    return %arg0, %c0_i32 : i32, i32
  }
}

</mosaic_0001>

<sc_bundles>
// kernel: kernel.10.cloned.1.call-start
scs
__scs_entry_jumppad:
0x0: {  	(pc) =	sbr.rel $0x88, $3  }
0x1: {  	(tag) =	ssettag $0x0;
	lr =	simm.s32 $0x1  }
0x2: {  	[smem:$0x3F8F] =	sst lr;
	_ =	strace $0xD0000000  }
0x3: {  	_ = 	snop  }
0x4: {  	_ = 	snop  }
0x5: {  	_ = 	snop  }
0x6: {  	_ = 	snop  }
0x7: {  	_ = 	snop  }
__scs_overlays_trampoline_lowered:
0x8: {  	[smem:$0x3F9E] =	sst s0  }
0x9: {  	[smem:$0x3F9F] =	sst s1  }
0xa: {  	[smem:$0x3FA0] =	sst s2  }
0xb: {  	[smem:$0x3FA1] =	sst s3  }
0xc: {  	[smem:$0x3FA2] =	sst s4  }
0xd: {  	[smem:$0x3FA3] =	sst s5  }
0xe: {  	[smem:$0x3FA4] =	sst s6  }
0xf: {  	[smem:$0x3FA5] =	sst s7  }
0x10: {  	[smem:$0x3FA6] =	sst s8  }
0x11: {  	[smem:$0x3FA7] =	sst s9;
	s0 =	simm.s32 @!p0 $0x0  }
0x12: {  	s1 =	sld [smem:$0x3F8D];
	s0 =	simm.s32 @p0 $0x1  }
0x13: {  	[smem:$0x3FA8] =	sst s0;
	s0 =	simm.s32 @!p1 $0x0  }
0x14: {  	s2 =	sld [smem:$0x3F8C];
	s0 =	simm.s32 @p1 $0x1  }
0x15: {  	[smem:$0x3FA9] =	sst s0;
	s0 =	simm.s32 @!p2 $0x0  }
0x16: {  	s3 =	sld [smem:$0x3FDB];
	s0 =	simm.s32 @p2 $0x1  }
0x17: {  	s4 =	simm.s32 $0x1BF5;
	[smem:$0x3FAB] =	sst s0  }
0x18: {  	s0 =	sld [smem:$0x3F8E];
	_ =	swait.ge [sflag:s4], $0x0  }
0x19: {  	s7 =	sld [smem:$0x3F8F]  }
0x1a: {  	s8 =	sadd.s32 $0xFFFFE003, lr  }
0x1b: {  	s9 =	sadd.s32 $0xFFFFFEF7, lr;
	s5 =	simm.s32 $0xFFFFFFFF;
	p2 =	slt.u32 s8, $0xFFFFF086  }
0x1c: {  	p1 =	slt.u32 s9, $0xF7A;
	s5 =	simm.s32 @!p2 $0x0  }
0x1d: {  	s5 =	simm.s32 @p1 $0x1;
	p0 =	seq.s32 s7, s2  }
0x1e: {  	s7 =	smul.u32 @!p0 $0xF7A, s2;
	p2 =	seq.s32 @!p0 s5, $0x0  }
0x1f: {  	s9 =	smul.u32 $0xF7A, s1;
	s8 =	simm.s32 @!p0 $0x1BF5;
	p2 =	por !p2, p0  }
0x20: {  	[sflag:s8] =	ssyncset.s32 @!p0 $0xFFFFF086;
	s6 =	sadd.s32 @!p0 s3, s7;
	s7 =	simm.s32 @!p0 $0x108  }
0x21: {  	s3 =	sadd.s32 s3, s9;
	s6 =	sadd.s32 @!p0 $0x88, s6;
	s7 =	simm.s32 @p2 $0x1082  }
0x22: {  	[simem:s7], [sflag:s8] =	dma.local @!p0 [hbm:s6], $0xF7A  }
0x23: {  	s9 =	sor.u32 $0xD0000000, s2;
	s6 =	simm.s32 $0x108;
	_ =	swait.ge @!p0 [sflag:s8], $0x0  }
0x24: {  	s3 =	sadd.s32 $0x88, s3;
	s6 =	simm.s32 @!p1 $0x1082;
	[sflag:s4] =	ssyncset.s32 $0xFFFFF086  }
0x25: {  	[simem:s6], [sflag:s4] =	dma.local [hbm:s3], $0xF7A  }
0x26: {  	[smem:$0x3F8F] =	sst s1;
	(tag) =	ssettag s2;
	_ =	strace s9  }
0x27: {  	s1 =	sld [smem:$0x3F9F]  }
0x28: {  	s2 =	sld [smem:$0x3FA0]  }
0x29: {  	s4 =	sld [smem:$0x3FA2]  }
0x2a: {  	p0 =	seq.s32 s5, $0x0;
	s5 =	sld [smem:$0x3FA3]  }
0x2b: {  	s6 =	sld [smem:$0x3FA4]  }
0x2c: {  	s7 =	sld [smem:$0x3FA5]  }
0x2d: {  	s3 =	simm.s32 $0x108;
	s8 =	sld [smem:$0x3FA6]  }
0x2e: {  	s3 =	simm.s32 @!p0 $0x1082;
	s9 =	sld [smem:$0x3FA7]  }
0x2f: {  	lr =	sadd.s32 s0, s3;
	s0 =	sld [smem:$0x3F9E]  }
0x30: {  	s3 =	sld [smem:$0x3FA1]  }
0x31: {  	[smem:$0x3FAA] =	sst s10  }
0x32: {  	s10 =	sld [smem:$0x3FA8];
	_ =	sdelay $0x3  }
0x33: {  	p0 =	seq.s32 s10, $0x1;
	s10 =	sld [smem:$0x3FAA];
	_ =	sdelay $0x3  }
0x34: {  	[smem:$0x3FAA] =	sst s10  }
0x35: {  	s10 =	sld [smem:$0x3FA9];
	_ =	sdelay $0x3  }
0x36: {  	p1 =	seq.s32 s10, $0x1;
	s10 =	sld [smem:$0x3FAA];
	_ =	sdelay $0x3  }
0x37: {  	[smem:$0x3FAA] =	sst s10  }
0x38: {  	s10 =	sld [smem:$0x3FAB]  }
0x39: {  	_ = 	snop;
	(pc) =	sbr.ind lr, $3  }
0x3a: {  	_ = 	snop  }
0x3b: {  	_ = 	snop  }
0x3c: {  	p2 =	seq.s32 s10, $0x1;
	s10 =	sld [smem:$0x3FAA]  }
0x3d: {  	_ =	shalt  }
0x3e: {  	_ =	shalt  }
0x3f: {  	_ =	shalt  }
0x40: {  	_ =	shalt  }
0x41: {  	_ =	shalt  }
0x42: {  	_ =	shalt  }
0x43: {  	_ =	shalt  }
0x44: {  	_ =	shalt  }
0x45: {  	_ =	shalt  }
0x46: {  	_ =	shalt  }
0x47: {  	_ =	shalt  }
0x48: {  	_ =	shalt  }
0x49: {  	_ =	shalt  }
0x4a: {  	_ =	shalt  }
0x4b: {  	_ =	shalt  }
0x4c: {  	_ =	shalt  }
0x4d: {  	_ =	shalt  }
0x4e: {  	_ =	shalt  }
0x4f: {  	_ =	shalt  }
0x50: {  	_ =	shalt  }
0x51: {  	_ =	shalt  }
0x52: {  	_ =	shalt  }
0x53: {  	_ =	shalt  }
0x54: {  	_ =	shalt  }
0x55: {  	_ =	shalt  }
0x56: {  	_ =	shalt  }
0x57: {  	_ =	shalt  }
0x58: {  	_ =	shalt  }
0x59: {  	_ =	shalt  }
0x5a: {  	_ =	shalt  }
0x5b: {  	_ =	shalt  }
0x5c: {  	_ =	shalt  }
0x5d: {  	_ =	shalt  }
0x5e: {  	_ =	shalt  }
0x5f: {  	_ =	shalt  }
0x60: {  	_ =	shalt  }
0x61: {  	_ =	shalt  }
0x62: {  	_ =	shalt  }
0x63: {  	_ =	shalt  }
0x64: {  	_ =	shalt  }
0x65: {  	_ =	shalt  }
0x66: {  	_ =	shalt  }
0x67: {  	_ =	shalt  }
0x68: {  	_ =	shalt  }
0x69: {  	_ =	shalt  }
0x6a: {  	_ =	shalt  }
0x6b: {  	_ =	shalt  }
0x6c: {  	_ =	shalt  }
0x6d: {  	_ =	shalt  }
0x6e: {  	_ =	shalt  }
0x6f: {  	_ =	shalt  }
0x70: {  	_ =	shalt  }
0x71: {  	_ =	shalt  }
0x72: {  	_ =	shalt  }
0x73: {  	_ =	shalt  }
0x74: {  	_ =	shalt  }
0x75: {  	_ =	shalt  }
0x76: {  	_ =	shalt  }
0x77: {  	_ =	shalt  }
0x78: {  	_ =	shalt  }
0x79: {  	_ =	shalt  }
0x7a: {  	_ =	shalt  }
0x7b: {  	_ =	shalt  }
0x7c: {  	_ =	shalt  }
0x7d: {  	_ =	shalt  }
0x7e: {  	_ =	shalt  }
0x7f: {  	_ =	shalt  }
0x80: {  	_ =	shalt  }
0x81: {  	_ =	shalt  }
0x82: {  	_ =	shalt  }
0x83: {  	_ =	shalt  }
0x84: {  	_ =	shalt  }
0x85: {  	_ =	shalt  }
0x86: {  	_ =	shalt  }
0x87: {  	_ =	shalt  }
.Lfunc_end0:
.L_simem_size_0:
called_computation.1_lowered:
.L_overlay_start_0:
0x88: {  	s2 =	sld [smem:$0x3FD9]  }
0x89: {  	s3 =	sld [smem:$0x3FFE];
	_ =	sdelay $0x1  }
0x8a: {  	s1 =	srdreg.scid  }
0x8b: {  	s0 =	sand.u32 $0x1, s1  }
0x8c: {  	s17 =	sshll.u32 s0, $0xA;
	s2 =	sadd.s32 s3, s2  }
0x8d: {  	s2 =	sadd.s32 s2, s17  }
0x8e: {  	[smem:$0x3FB6] =	sst s2  }
0x8f: {  	_ = 	snop  }
0x90: {  	s2 =	sld [smem:$0x3FD0];
	(tm) =	ssettm $0x1  }
0x91: {  	s18 =	sld [smem:$0x3FFB];
	_ =	sdelay $0x3  }
0x92: {  	_ =	strace s18  }
0x93: {  	s3 =	sld [smem:$0x3FFC];
	_ =	sdelay $0x3  }
0x94: {  	_ =	strace s3  }
0x95: {  	s3 =	sld [smem:$0x3FFD];
	_ =	sdelay $0x3  }
0x96: {  	_ =	strace s3  }
0x97: {  	_ =	strace $0x8FFFFFFF  }
0x98: {  	s19 =	sld [smem:$0x3FDB];
	_ =	sdelay $0x1  }
0x99: {  	s4 =	simm.s32 $_scs_section_size  }
0x9a: {  	s5 =	simm.s32 $_size__tile_overlayer_lowered;
	s6 =	simm.s32 $_tile_overlayer_lowered  }
0x9b: {  	s22 =	simm.s32 $0x1BFF;
	s21 =	sshll.u32 s6, $0x1;
	s3 =	sadd.s32 s4, s19  }
0x9c: {  	s7 =	simm.s32 $0x0;
	s20 =	sshll.u32 s5, $0x1;
	s5 =	sadd.s32 s21, s3  }
0x9d: {  	[timem:s7], [sflag:s22] =	dma.local [hbm:s5], s20  }
0x9e: {  	_ =	swait.ge [sflag:s22], s20  }
0x9f: {  	s4 =	ssub.s32 $0x0, s20;
	[sflag:s22] =	ssyncset.done $0x0  }
0xa0: {  	[sflag:s22] =	ssyncadd.s32 s4;
	_ =	sdelay $0x1  }
0xa1: {  	s23 =	simm.s32 $0x1B8B  }
0xa2: {  	_ =	swait.ge [sflag:s23], $0x1  }
0xa3: {  	[sflag:s23] =	ssyncset.done $0x0  }
0xa4: {  	s25 =	simm.s32 $0x1B8E;
	s24 =	sld [smem:$0x3FFE];
	[sflag:s23] =	ssyncadd.s32 $0xFFFFFFFF  }
0xa5: {  	s26 =	simm.s32 $execute0_lowered;
	[smem:$0x3FD2] =	sst s25  }
0xa6: {  	s5 =	sshll.u32 s26, $0x1;
	_ =	strace $0x80000046;
	[dreg:$0x1] =	wrdreg $0xFFFFFFFF  }
0xa7: {  	s28 =	simm.s32 $_size_execute0_lowered;
	s3 =	sadd.s32 s3, s5;
	[dreg:$0x0] =	wrdreg $0x0  }
0xa8: {  	s5 =	sshll.u32 s28, $0x1;
	[dreg:$0x2] =	wrdreg s3  }
0xa9: {  	[dreg:$0x3] =	wrdreg s5  }
0xaa: {  	[dreg:$0x4] =	wrdreg $0xC0  }
0xab: {  	_ =	task [dreg:s7], $0x5FFFF  }
0xac: {  	[dreg:$0x1] =	wrdreg $0xFFFFFFFF  }
0xad: {  	[dreg:$0x0] =	wrdreg $0x60  }
0xae: {  	[dreg:$0x2] =	wrdreg s24  }
0xaf: {  	[dreg:$0x3] =	wrdreg s2  }
0xb0: {  	[dreg:$0x4] =	wrdreg $0xA  }
0xb1: {  	_ =	task.clear_ibuf [dreg:s7], $0x5FFFF;
	_ =	strace $0x90000046  }
0xb2: {  	s29 =	simm.s32 $0xA;
	_ =	strace $0x80000048  }
0xb3: {  	_ =	swait.ge [sflag:s29], $0x1  }
0xb4: {  	[sflag:s29] =	ssyncadd.s32 $0xFFFFFFFF  }
0xb5: {  	_ =	strace $0x90000048  }
0xb6: {  	_ =	sfence  }
0xb7: {  	s30 =	sld [smem:$0x0];
	_ =	sdelay $0x2  }
0xb8: {  	s31 =	sshll.u32 s1, $0xD;
	s1 =	sshrl.u32 s1, $0x2  }
0xb9: {  	s3 =	sand.u32 $0x4000, s31;
	s1 =	sadd.s32 s1, s30  }
0xba: {  	s0 =	sor.u32 s3, s0;
	s1 =	sshll.u32 s1, $0x11  }
0xbb: {  	s0 =	sor.u32 s1, s0  }
0xbc: {  	s0 =	sadd.s32 $0x8F2B, s0  }
0xbd: {  	[sflag:s0] =	ssyncadd.remote.s32 $0x1  }
0xbe: {  	_ =	sfence.sel $0xFFFF  }
0xbf: {  	[dreg:$0x0] =	wrdreg $0xFFFFFFFF;
	(pc) =	sbr.abs _section_cstart, $3  }
0xc0: {  	[dreg:$0x1] =	wrdreg $0xFFFFFFFF  }
0xc1: {  	_ =	task.clear_ibuf [dreg:s7], $0x2FFFF;
	_ =	strace $0x9FFFFFFF  }
0xc2: {  	(tm) =	ssettm $0x7FFFFFFF  }
0xc3: {  	_ =	shalt  }
tec
execute0_lowered:
.L_overlay_start_1:
0x0: {  	(tag) =	ssettag $0x1  }
0x1: {  	s1 =	srdreg.scid;
	s0 =	stileid.u32  }
0x2: {  	s4 =	rddreg [dreg:$0x0];
	s1 =	sand.u32 $0x1, s1;
	s5 =	sshll.u32 s0, $0x1  }
0x3: {  	s3 =	rddreg [dreg:$0x1];
	s5 =	sor.u32 s1, s5  }
0x4: {  	s2 =	simm.s32 $0x0;
	s6 =	sshll.u32 s5, $0xF;
	s5 =	sshll.u32 s5, $0x8  }
0x5: {  	[smem:$0x7FF] =	sst s2;
	s31 =	sadd.s32 s6, s4;
	s3 =	sadd.s32 s3, s5  }
0x6: {  	_ =	strace $0x80000047;
	[dreg:$0x3] =	wrdreg s3;
	s17 =	sadd.s32 $0x43800, s31  }
0x7: {  	s18 =	sadd.s32 $0x44000, s31;
	[dreg:$0x4] =	wrdreg s17  }
0x8: {  	s19 =	sadd.s32 $0x44800, s31;
	[dreg:$0x5] =	wrdreg s18  }
0x9: {  	s20 =	sadd.s32 $0x45000, s31;
	[dreg:$0x6] =	wrdreg s19  }
0xa: {  	s21 =	sadd.s32 $0x45800, s31;
	[dreg:$0x7] =	wrdreg s20  }
0xb: {  	s22 =	sadd.s32 $0x46000, s31;
	[dreg:$0x8] =	wrdreg s21  }
0xc: {  	s23 =	sadd.s32 $0x46800, s31;
	[dreg:$0x9] =	wrdreg s22  }
0xd: {  	[dreg:$0xa] =	wrdreg s23  }
0xe: {  	s24 =	sadd.s32 $0x47000, s31;
	s25 =	rddreg [dreg:$0x3]  }
0xf: {  	s26 =	sadd.s32 $0x47800, s31;
	[dreg:$0xb] =	wrdreg s24  }
0x10: {  	s3 =	simm.s32 $0x3;
	[dreg:$0xc] =	wrdreg s26  }
0x11: {  	[tilespmem:s2], [sflag:$0x3] =	stream.linear.gather [hbm4b:s25+s2], $0x800, $0x38;
	[tilespmem:$0x8800] =	vst v63  }
0x12: {  	_ =	swait.ge [sflag:s3], $0x800  }
0x13: {  	s4 =	sadd.s32 $0x23800, s4;
	[sflag:s3] =	ssyncset.done $0x0  }
0x14: {  	s5 =	simm.s32 $0x80;
	s6 =	simm.s32 $0x800;
	[sflag:s3] =	ssyncadd.s32 $0xFFFFF800  }
0x15: {  	[tilespmem:s6], [sflag:$0x1] =	stream.indirect.gather [hbm4b:s4+s5], $0x80, s2, s5, $0xb8;
	[tilespmem:$0x8800] =	vst v63  }
0x16: {  	s7 =	simm.s32 $0x4800;
	s8 =	simm.s32 $0x1  }
0x17: {  	[tilespmem:s7], [sflag:$0x2] =	stream.indirect.gather [hbm4b:s4+s5], $0x80, s5, s5, $0xb8;
	[tilespmem:$0x8800] =	vst v63  }
0x18: {  	_ =	swait.ge [sflag:s8], $0x4000  }
0x19: {  	[sflag:s8] =	ssyncset.done $0x0  }
0x1a: {  	s9 =	rddreg [dreg:$0x4];
	[sflag:s8] =	ssyncadd.s32 $0xFFFFC000  }
0x1b: {  	[hbm4b:s9+s2] =	stream.linear.scatter [tilespmem:s6], [sflag:$0x3], $0x4000, $0x38;
	[tilespmem:$0x8800] =	vst v63  }
0x1c: {  	_ =	swait.ge [sflag:s3], $0x4000  }
0x1d: {  	[sflag:s3] =	ssyncset.done $0x0  }
0x1e: {  	s10 =	simm.s32 $0x2;
	s9 =	simm.s32 $0x100;
	[sflag:s3] =	ssyncadd.s32 $0xFFFFC000  }
0x1f: {  	[tilespmem:s6], [sflag:$0x1] =	stream.indirect.gather [hbm4b:s4+s5], $0x80, s9, s5, $0xb8;
	[tilespmem:$0x8800] =	vst v63  }
0x20: {  	_ =	swait.ge [sflag:s10], $0x4000  }
0x21: {  	[sflag:s10] =	ssyncset.done $0x0  }
0x22: {  	s11 =	rddreg [dreg:$0x5];
	[sflag:s10] =	ssyncadd.s32 $0xFFFFC000  }
0x23: {  	[hbm4b:s11+s2] =	stream.linear.scatter [tilespmem:s7], [sflag:$0x3], $0x4000, $0x38;
	[tilespmem:$0x8800] =	vst v63  }
0x24: {  	_ =	swait.ge [sflag:s3], $0x4000  }
0x25: {  	[sflag:s3] =	ssyncset.done $0x0  }
0x26: {  	s11 =	simm.s32 $0x180;
	[sflag:s3] =	ssyncadd.s32 $0xFFFFC000  }
0x27: {  	[tilespmem:s7], [sflag:$0x2] =	stream.indirect.gather [hbm4b:s4+s5], $0x80, s11, s5, $0xb8;
	[tilespmem:$0x8800] =	vst v63  }
0x28: {  	_ =	swait.ge [sflag:s8], $0x4000  }
0x29: {  	[sflag:s8] =	ssyncset.done $0x0  }
0x2a: {  	s12 =	rddreg [dreg:$0x6];
	[sflag:s8] =	ssyncadd.s32 $0xFFFFC000  }
0x2b: {  	[hbm4b:s12+s2] =	stream.linear.scatter [tilespmem:s6], [sflag:$0x3], $0x4000, $0x38;
	[tilespmem:$0x8800] =	vst v63  }
0x2c: {  	_ =	swait.ge [sflag:s3], $0x4000  }
0x2d: {  	[sflag:s3] =	ssyncset.done $0x0  }
0x2e: {  	s12 =	simm.s32 $0x200;
	[sflag:s3] =	ssyncadd.s32 $0xFFFFC000  }
0x2f: {  	[tilespmem:s6], [sflag:$0x1] =	stream.indirect.gather [hbm4b:s4+s5], $0x80, s12, s5, $0xb8;
	[tilespmem:$0x8800] =	vst v63  }
0x30: {  	_ =	swait.ge [sflag:s10], $0x4000  }
0x31: {  	[sflag:s10] =	ssyncset.done $0x0  }
0x32: {  	s13 =	rddreg [dreg:$0x7];
	[sflag:s10] =	ssyncadd.s32 $0xFFFFC000  }
0x33: {  	[hbm4b:s13+s2] =	stream.linear.scatter [tilespmem:s7], [sflag:$0x3], $0x4000, $0x38;
	[tilespmem:$0x8800] =	vst v63  }
0x34: {  	_ =	swait.ge [sflag:s3], $0x4000  }
0x35: {  	[sflag:s3] =	ssyncset.done $0x0  }
0x36: {  	s13 =	simm.s32 $0x280;
	[sflag:s3] =	ssyncadd.s32 $0xFFFFC000  }
0x37: {  	[tilespmem:s7], [sflag:$0x2] =	stream.indirect.gather [hbm4b:s4+s5], $0x80, s13, s5, $0xb8;
	[tilespmem:$0x8800] =	vst v63  }
0x38: {  	_ =	swait.ge [sflag:s8], $0x4000  }
0x39: {  	[sflag:s8] =	ssyncset.done $0x0  }
0x3a: {  	s14 =	rddreg [dreg:$0x8];
	[sflag:s8] =	ssyncadd.s32 $0xFFFFC000  }
0x3b: {  	[hbm4b:s14+s2] =	stream.linear.scatter [tilespmem:s6], [sflag:$0x3], $0x4000, $0x38;
	[tilespmem:$0x8800] =	vst v63  }
0x3c: {  	_ =	swait.ge [sflag:s3], $0x4000  }
0x3d: {  	[sflag:s3] =	ssyncset.done $0x0  }
0x3e: {  	s14 =	simm.s32 $0x300;
	[sflag:s3] =	ssyncadd.s32 $0xFFFFC000  }
0x3f: {  	[tilespmem:s6], [sflag:$0x1] =	stream.indirect.gather [hbm4b:s4+s5], $0x80, s14, s5, $0xb8;
	[tilespmem:$0x8800] =	vst v63  }
0x40: {  	_ =	swait.ge [sflag:s10], $0x4000  }
0x41: {  	[sflag:s10] =	ssyncset.done $0x0  }
0x42: {  	s15 =	rddreg [dreg:$0x9];
	[sflag:s10] =	ssyncadd.s32 $0xFFFFC000  }
0x43: {  	[hbm4b:s15+s2] =	stream.linear.scatter [tilespmem:s7], [sflag:$0x3], $0x4000, $0x38;
	[tilespmem:$0x8800] =	vst v63  }
0x44: {  	_ =	swait.ge [sflag:s3], $0x4000  }
0x45: {  	[sflag:s3] =	ssyncset.done $0x0  }
0x46: {  	s15 =	simm.s32 $0x380;
	[sflag:s3] =	ssyncadd.s32 $0xFFFFC000  }
0x47: {  	[tilespmem:s7], [sflag:$0x2] =	stream.indirect.gather [hbm4b:s4+s5], $0x80, s15, s5, $0xb8;
	[tilespmem:$0x8800] =	vst v63  }
0x48: {  	_ =	swait.ge [sflag:s8], $0x4000  }
0x49: {  	[sflag:s8] =	ssyncset.done $0x0  }
0x4a: {  	s16 =	rddreg [dreg:$0xa];
	[sflag:s8] =	ssyncadd.s32 $0xFFFFC000  }
0x4b: {  	[hbm4b:s16+s2] =	stream.linear.scatter [tilespmem:s6], [sflag:$0x3], $0x4000, $0x38;
	[tilespmem:$0x8800] =	vst v63  }
0x4c: {  	_ =	swait.ge [sflag:s3], $0x4000  }
0x4d: {  	[sflag:s3] =	ssyncset.done $0x0  }
0x4e: {  	s16 =	simm.s32 $0x400;
	[sflag:s3] =	ssyncadd.s32 $0xFFFFC000  }
0x4f: {  	[tilespmem:s6], [sflag:$0x1] =	stream.indirect.gather [hbm4b:s4+s5], $0x80, s16, s5, $0xb8;
	[tilespmem:$0x8800] =	vst v63  }
0x50: {  	_ =	swait.ge [sflag:s10], $0x4000  }
0x51: {  	[sflag:s10] =	ssyncset.done $0x0  }
0x52: {  	s17 =	rddreg [dreg:$0xb];
	[sflag:s10] =	ssyncadd.s32 $0xFFFFC000  }
0x53: {  	[hbm4b:s17+s2] =	stream.linear.scatter [tilespmem:s7], [sflag:$0x3], $0x4000, $0x38;
	[tilespmem:$0x8800] =	vst v63  }
0x54: {  	_ =	swait.ge [sflag:s3], $0x4000  }
0x55: {  	[sflag:s3] =	ssyncset.done $0x0  }
0x56: {  	s17 =	simm.s32 $0x480;
	[sflag:s3] =	ssyncadd.s32 $0xFFFFC000  }
0x57: {  	[tilespmem:s7], [sflag:$0x2] =	stream.indirect.gather [hbm4b:s4+s5], $0x80, s17, s5, $0xb8;
	[tilespmem:$0x8800] =	vst v63  }
0x58: {  	_ =	swait.ge [sflag:s8], $0x4000  }
0x59: {  	[sflag:s8] =	ssyncset.done $0x0  }
0x5a: {  	s18 =	rddreg [dreg:$0xc];
	[sflag:s8] =	ssyncadd.s32 $0xFFFFC000  }
0x5b: {  	[hbm4b:s18+s2] =	stream.linear.scatter [tilespmem:s6], [sflag:$0x3], $0x4000, $0x38;
	[tilespmem:$0x8800] =	vst v63  }
0x5c: {  	_ =	swait.ge [sflag:s3], $0x4000  }
0x5d: {  	[sflag:s3] =	ssyncset.done $0x0  }
0x5e: {  	s18 =	simm.s32 $0x500;
	[sflag:s3] =	ssyncadd.s32 $0xFFFFC000  }
0x5f: {  	[tilespmem:s6], [sflag:$0x1] =	stream.indirect.gather [hbm4b:s4+s5], $0x80, s18, s5, $0xb8;
	[tilespmem:$0x8800] =	vst v63  }
0x60: {  	_ =	swait.ge [sflag:s10], $0x4000  }
0x61: {  	[sflag:s10] =	ssyncset.done $0x0  }
0x62: {  	s19 =	sadd.s32 $0x48000, s31;
	[sflag:s10] =	ssyncadd.s32 $0xFFFFC000  }
0x63: {  	[hbm4b:s19+s2] =	stream.linear.scatter [tilespmem:s7], [sflag:$0x3], $0x4000, $0x38;
	[tilespmem:$0x8800] =	vst v63  }
0x64: {  	_ =	swait.ge [sflag:s3], $0x4000  }
0x65: {  	[sflag:s3] =	ssyncset.done $0x0  }
0x66: {  	s20 =	simm.s32 $0x580;
	[sflag:s3] =	ssyncadd.s32 $0xFFFFC000  }
0x67: {  	[tilespmem:s7], [sflag:$0x2] =	stream.indirect.gather [hbm4b:s4+s5], $0x80, s20, s5, $0xb8;
	[tilespmem:$0x8800] =	vst v63  }
0x68: {  	_ =	swait.ge [sflag:s8], $0x4000  }
0x69: {  	[sflag:s8] =	ssyncset.done $0x0  }
0x6a: {  	s21 =	sadd.s32 $0x48800, s31;
	[sflag:s8] =	ssyncadd.s32 $0xFFFFC000  }
0x6b: {  	[hbm4b:s21+s2] =	stream.linear.scatter [tilespmem:s6], [sflag:$0x3], $0x4000, $0x38;
	[tilespmem:$0x8800] =	vst v63  }
0x6c: {  	_ =	swait.ge [sflag:s3], $0x4000  }
0x6d: {  	[sflag:s3] =	ssyncset.done $0x0  }
0x6e: {  	s22 =	simm.s32 $0x600;
	[sflag:s3] =	ssyncadd.s32 $0xFFFFC000  }
0x6f: {  	[tilespmem:s6], [sflag:$0x1] =	stream.indirect.gather [hbm4b:s4+s5], $0x80, s22, s5, $0xb8;
	[tilespmem:$0x8800] =	vst v63  }
0x70: {  	_ =	swait.ge [sflag:s10], $0x4000  }
0x71: {  	[sflag:s10] =	ssyncset.done $0x0  }
0x72: {  	s23 =	sadd.s32 $0x49000, s31;
	[sflag:s10] =	ssyncadd.s32 $0xFFFFC000  }
0x73: {  	[hbm4b:s23+s2] =	stream.linear.scatter [tilespmem:s7], [sflag:$0x3], $0x4000, $0x38;
	[tilespmem:$0x8800] =	vst v63  }
0x74: {  	_ =	swait.ge [sflag:s3], $0x4000  }
0x75: {  	[sflag:s3] =	ssyncset.done $0x0  }
0x76: {  	s24 =	simm.s32 $0x680;
	[sflag:s3] =	ssyncadd.s32 $0xFFFFC000  }
0x77: {  	[tilespmem:s7], [sflag:$0x2] =	stream.indirect.gather [hbm4b:s4+s5], $0x80, s24, s5, $0xb8;
	[tilespmem:$0x8800] =	vst v63  }
0x78: {  	_ =	swait.ge [sflag:s8], $0x4000  }
0x79: {  	[sflag:s8] =	ssyncset.done $0x0  }
0x7a: {  	s25 =	sadd.s32 $0x49800, s31;
	[sflag:s8] =	ssyncadd.s32 $0xFFFFC000  }
0x7b: {  	[hbm4b:s25+s2] =	stream.linear.scatter [tilespmem:s6], [sflag:$0x3], $0x4000, $0x38;
	[tilespmem:$0x8800] =	vst v63  }
0x7c: {  	_ =	swait.ge [sflag:s3], $0x4000  }
0x7d: {  	[sflag:s3] =	ssyncset.done $0x0  }
0x7e: {  	s26 =	simm.s32 $0x700;
	[sflag:s3] =	ssyncadd.s32 $0xFFFFC000  }
0x7f: {  	[tilespmem:s6], [sflag:$0x1] =	stream.indirect.gather [hbm4b:s4+s5], $0x80, s26, s5, $0xb8;
	[tilespmem:$0x8800] =	vst v63  }
0x80: {  	_ =	swait.ge [sflag:s10], $0x4000  }
0x81: {  	[sflag:s10] =	ssyncset.done $0x0  }
0x82: {  	s28 =	sadd.s32 $0x4A000, s31;
	[sflag:s10] =	ssyncadd.s32 $0xFFFFC000  }
0x83: {  	[hbm4b:s28+s2] =	stream.linear.scatter [tilespmem:s7], [sflag:$0x3], $0x4000, $0x38;
	[tilespmem:$0x8800] =	vst v63  }
0x84: {  	_ =	swait.ge [sflag:s3], $0x4000  }
0x85: {  	[sflag:s3] =	ssyncset.done $0x0  }
0x86: {  	s29 =	simm.s32 $0x780;
	[sflag:s3] =	ssyncadd.s32 $0xFFFFC000  }
0x87: {  	[tilespmem:s7], [sflag:$0x2] =	stream.indirect.gather [hbm4b:s4+s5], $0x80, s29, s5, $0xb8;
	[tilespmem:$0x8800] =	vst v63  }
0x88: {  	_ =	swait.ge [sflag:s8], $0x4000  }
0x89: {  	s1 =	ssub.s32 $0x2, s1;
	[sflag:s8] =	ssyncset.done $0x0  }
0x8a: {  	s0 =	sshrl.u32 s1, $0x1;
	s30 =	sadd.s32 $0x4A800, s31;
	[sflag:s8] =	ssyncadd.s32 $0xFFFFC000  }
0x8b: {  	[hbm4b:s30+s2] =	stream.linear.scatter [tilespmem:s6], [sflag:$0x3], $0x4000, $0x38;
	[tilespmem:$0x8800] =	vst v63  }
0x8c: {  	s0 =	ssub.s32 s1, s0;
	_ =	swait.ge [sflag:s3], $0x4000  }
0x8d: {  	s0 =	smax.u32 s0, $0x1;
	[sflag:s3] =	ssyncset.done $0x0  }
0x8e: {  	p0 =	sne.s32 s0, $0x1;
	[sflag:s3] =	ssyncadd.s32 $0xFFFFC000  }
.Ltmp0:
0x8f: {  	_ =	swait.ge [sflag:s10], $0x4000;
	(pc) =	sbr.rel @!p0 .LBB2_2-.Ltmp0, $4  }
0x90: {  	[sflag:s10] =	ssyncset.done $0x0  }
0x91: {  	s31 =	sadd.s32 $0x4B000, s31;
	[sflag:s10] =	ssyncadd.s32 $0xFFFFC000  }
0x92: {  	[hbm4b:s31+s2] =	stream.linear.scatter [tilespmem:s7], [sflag:$0x3], $0x4000, $0x38;
	[tilespmem:$0x8800] =	vst v63  }
0x93: {  	s1 =	sadd.s32 $0xFFFFFFFF, s0;
	_ =	swait.ge [sflag:s3], $0x4000  }
.LBB2_1:
0x94: {  	[sflag:s3] =	ssyncset.done $0x0  }
0x95: {  	s0 =	rddreg [dreg:$0x3];
	[sflag:s3] =	ssyncadd.s32 $0xFFFFC000  }
0x96: {  	[tilespmem:s2], [sflag:$0x3] =	stream.linear.gather [hbm4b:s0+s2], $0x800, $0x38;
	[tilespmem:$0x8800] =	vst v63  }
0x97: {  	_ =	swait.ge [sflag:s3], $0x800  }
0x98: {  	[sflag:s3] =	ssyncset.done $0x0  }
0x99: {  	[sflag:s3] =	ssyncadd.s32 $0xFFFFF800  }
0x9a: {  	[tilespmem:s6], [sflag:$0x1] =	stream.indirect.gather [hbm4b:s4+s5], $0x80, s2, s5, $0xb8;
	[tilespmem:$0x8800] =	vst v63  }
0x9b: {  	_ = 	snop  }
0x9c: {  	[tilespmem:s7], [sflag:$0x2] =	stream.indirect.gather [hbm4b:s4+s5], $0x80, s5, s5, $0xb8;
	[tilespmem:$0x8800] =	vst v63  }
0x9d: {  	_ =	swait.ge [sflag:s8], $0x4000  }
0x9e: {  	[sflag:s8] =	ssyncset.done $0x0  }
0x9f: {  	s0 =	rddreg [dreg:$0x4];
	[sflag:s8] =	ssyncadd.s32 $0xFFFFC000  }
0xa0: {  	[hbm4b:s0+s2] =	stream.linear.scatter [tilespmem:s6], [sflag:$0x3], $0x4000, $0x38;
	[tilespmem:$0x8800] =	vst v63  }
0xa1: {  	_ =	swait.ge [sflag:s3], $0x4000  }
0xa2: {  	[sflag:s3] =	ssyncset.done $0x0  }
0xa3: {  	[sflag:s3] =	ssyncadd.s32 $0xFFFFC000  }
0xa4: {  	[tilespmem:s6], [sflag:$0x1] =	stream.indirect.gather [hbm4b:s4+s5], $0x80, s9, s5, $0xb8;
	[tilespmem:$0x8800] =	vst v63  }
0xa5: {  	_ =	swait.ge [sflag:s10], $0x4000  }
0xa6: {  	[sflag:s10] =	ssyncset.done $0x0  }
0xa7: {  	s0 =	rddreg [dreg:$0x5];
	[sflag:s10] =	ssyncadd.s32 $0xFFFFC000  }
0xa8: {  	[hbm4b:s0+s2] =	stream.linear.scatter [tilespmem:s7], [sflag:$0x3], $0x4000, $0x38;
	[tilespmem:$0x8800] =	vst v63  }
0xa9: {  	_ =	swait.ge [sflag:s3], $0x4000  }
0xaa: {  	[sflag:s3] =	ssyncset.done $0x0  }
0xab: {  	[sflag:s3] =	ssyncadd.s32 $0xFFFFC000  }
0xac: {  	[tilespmem:s7], [sflag:$0x2] =	stream.indirect.gather [hbm4b:s4+s5], $0x80, s11, s5, $0xb8;
	[tilespmem:$0x8800] =	vst v63  }
0xad: {  	_ =	swait.ge [sflag:s8], $0x4000  }
0xae: {  	[sflag:s8] =	ssyncset.done $0x0  }
0xaf: {  	s0 =	rddreg [dreg:$0x6];
	[sflag:s8] =	ssyncadd.s32 $0xFFFFC000  }
0xb0: {  	[hbm4b:s0+s2] =	stream.linear.scatter [tilespmem:s6], [sflag:$0x3], $0x4000, $0x38;
	[tilespmem:$0x8800] =	vst v63  }
0xb1: {  	_ =	swait.ge [sflag:s3], $0x4000  }
0xb2: {  	[sflag:s3] =	ssyncset.done $0x0  }
0xb3: {  	[sflag:s3] =	ssyncadd.s32 $0xFFFFC000  }
0xb4: {  	[tilespmem:s6], [sflag:$0x1] =	stream.indirect.gather [hbm4b:s4+s5], $0x80, s12, s5, $0xb8;
	[tilespmem:$0x8800] =	vst v63  }
0xb5: {  	_ =	swait.ge [sflag:s10], $0x4000  }
0xb6: {  	[sflag:s10] =	ssyncset.done $0x0  }
0xb7: {  	s0 =	rddreg [dreg:$0x7];
	[sflag:s10] =	ssyncadd.s32 $0xFFFFC000  }
0xb8: {  	[hbm4b:s0+s2] =	stream.linear.scatter [tilespmem:s7], [sflag:$0x3], $0x4000, $0x38;
	[tilespmem:$0x8800] =	vst v63  }
0xb9: {  	_ =	swait.ge [sflag:s3], $0x4000  }
0xba: {  	[sflag:s3] =	ssyncset.done $0x0  }
0xbb: {  	[sflag:s3] =	ssyncadd.s32 $0xFFFFC000  }
0xbc: {  	[tilespmem:s7], [sflag:$0x2] =	stream.indirect.gather [hbm4b:s4+s5], $0x80, s13, s5, $0xb8;
	[tilespmem:$0x8800] =	vst v63  }
0xbd: {  	_ =	swait.ge [sflag:s8], $0x4000  }
0xbe: {  	[sflag:s8] =	ssyncset.done $0x0  }
0xbf: {  	s0 =	rddreg [dreg:$0x8];
	[sflag:s8] =	ssyncadd.s32 $0xFFFFC000  }
0xc0: {  	[hbm4b:s0+s2] =	stream.linear.scatter [tilespmem:s6], [sflag:$0x3], $0x4000, $0x38;
	[tilespmem:$0x8800] =	vst v63  }
0xc1: {  	_ =	swait.ge [sflag:s3], $0x4000  }
0xc2: {  	[sflag:s3] =	ssyncset.done $0x0  }
0xc3: {  	[sflag:s3] =	ssyncadd.s32 $0xFFFFC000  }
0xc4: {  	[tilespmem:s6], [sflag:$0x1] =	stream.indirect.gather [hbm4b:s4+s5], $0x80, s14, s5, $0xb8;
	[tilespmem:$0x8800] =	vst v63  }
0xc5: {  	_ =	swait.ge [sflag:s10], $0x4000  }
0xc6: {  	[sflag:s10] =	ssyncset.done $0x0  }
0xc7: {  	s0 =	rddreg [dreg:$0x9];
	[sflag:s10] =	ssyncadd.s32 $0xFFFFC000  }
0xc8: {  	[hbm4b:s0+s2] =	stream.linear.scatter [tilespmem:s7], [sflag:$0x3], $0x4000, $0x38;
	[tilespmem:$0x8800] =	vst v63  }
0xc9: {  	_ =	swait.ge [sflag:s3], $0x4000  }
0xca: {  	[sflag:s3] =	ssyncset.done $0x0  }
0xcb: {  	[sflag:s3] =	ssyncadd.s32 $0xFFFFC000  }
0xcc: {  	[tilespmem:s7], [sflag:$0x2] =	stream.indirect.gather [hbm4b:s4+s5], $0x80, s15, s5, $0xb8;
	[tilespmem:$0x8800] =	vst v63  }
0xcd: {  	_ =	swait.ge [sflag:s8], $0x4000  }
0xce: {  	[sflag:s8] =	ssyncset.done $0x0  }
0xcf: {  	s0 =	rddreg [dreg:$0xa];
	[sflag:s8] =	ssyncadd.s32 $0xFFFFC000  }
0xd0: {  	[hbm4b:s0+s2] =	stream.linear.scatter [tilespmem:s6], [sflag:$0x3], $0x4000, $0x38;
	[tilespmem:$0x8800] =	vst v63  }
0xd1: {  	_ =	swait.ge [sflag:s3], $0x4000  }
0xd2: {  	[sflag:s3] =	ssyncset.done $0x0  }
0xd3: {  	[sflag:s3] =	ssyncadd.s32 $0xFFFFC000  }
0xd4: {  	[tilespmem:s6], [sflag:$0x1] =	stream.indirect.gather [hbm4b:s4+s5], $0x80, s16, s5, $0xb8;
	[tilespmem:$0x8800] =	vst v63  }
0xd5: {  	_ =	swait.ge [sflag:s10], $0x4000  }
0xd6: {  	[sflag:s10] =	ssyncset.done $0x0  }
0xd7: {  	s0 =	rddreg [dreg:$0xb];
	[sflag:s10] =	ssyncadd.s32 $0xFFFFC000  }
0xd8: {  	[hbm4b:s0+s2] =	stream.linear.scatter [tilespmem:s7], [sflag:$0x3], $0x4000, $0x38;
	[tilespmem:$0x8800] =	vst v63  }
0xd9: {  	_ =	swait.ge [sflag:s3], $0x4000  }
0xda: {  	[sflag:s3] =	ssyncset.done $0x0  }
0xdb: {  	[sflag:s3] =	ssyncadd.s32 $0xFFFFC000  }
0xdc: {  	[tilespmem:s7], [sflag:$0x2] =	stream.indirect.gather [hbm4b:s4+s5], $0x80, s17, s5, $0xb8;
	[tilespmem:$0x8800] =	vst v63  }
0xdd: {  	_ =	swait.ge [sflag:s8], $0x4000  }
0xde: {  	[sflag:s8] =	ssyncset.done $0x0  }
0xdf: {  	s0 =	rddreg [dreg:$0xc];
	[sflag:s8] =	ssyncadd.s32 $0xFFFFC000  }
0xe0: {  	[hbm4b:s0+s2] =	stream.linear.scatter [tilespmem:s6], [sflag:$0x3], $0x4000, $0x38;
	[tilespmem:$0x8800] =	vst v63  }
0xe1: {  	_ =	swait.ge [sflag:s3], $0x4000  }
0xe2: {  	[sflag:s3] =	ssyncset.done $0x0  }
0xe3: {  	[sflag:s3] =	ssyncadd.s32 $0xFFFFC000  }
0xe4: {  	[tilespmem:s6], [sflag:$0x1] =	stream.indirect.gather [hbm4b:s4+s5], $0x80, s18, s5, $0xb8;
	[tilespmem:$0x8800] =	vst v63  }
0xe5: {  	_ =	swait.ge [sflag:s10], $0x4000  }
0xe6: {  	[sflag:s10] =	ssyncset.done $0x0  }
0xe7: {  	[sflag:s10] =	ssyncadd.s32 $0xFFFFC000  }
0xe8: {  	[hbm4b:s19+s2] =	stream.linear.scatter [tilespmem:s7], [sflag:$0x3], $0x4000, $0x38;
	[tilespmem:$0x8800] =	vst v63  }
0xe9: {  	_ =	swait.ge [sflag:s3], $0x4000  }
0xea: {  	[sflag:s3] =	ssyncset.done $0x0  }
0xeb: {  	[sflag:s3] =	ssyncadd.s32 $0xFFFFC000  }
0xec: {  	[tilespmem:s7], [sflag:$0x2] =	stream.indirect.gather [hbm4b:s4+s5], $0x80, s20, s5, $0xb8;
	[tilespmem:$0x8800] =	vst v63  }
0xed: {  	_ =	swait.ge [sflag:s8], $0x4000  }
0xee: {  	[sflag:s8] =	ssyncset.done $0x0  }
0xef: {  	[sflag:s8] =	ssyncadd.s32 $0xFFFFC000  }
0xf0: {  	[hbm4b:s21+s2] =	stream.linear.scatter [tilespmem:s6], [sflag:$0x3], $0x4000, $0x38;
	[tilespmem:$0x8800] =	vst v63  }
0xf1: {  	_ =	swait.ge [sflag:s3], $0x4000  }
0xf2: {  	[sflag:s3] =	ssyncset.done $0x0  }
0xf3: {  	[sflag:s3] =	ssyncadd.s32 $0xFFFFC000  }
0xf4: {  	[tilespmem:s6], [sflag:$0x1] =	stream.indirect.gather [hbm4b:s4+s5], $0x80, s22, s5, $0xb8;
	[tilespmem:$0x8800] =	vst v63  }
0xf5: {  	_ =	swait.ge [sflag:s10], $0x4000  }
0xf6: {  	[sflag:s10] =	ssyncset.done $0x0  }
0xf7: {  	[sflag:s10] =	ssyncadd.s32 $0xFFFFC000  }
0xf8: {  	[hbm4b:s23+s2] =	stream.linear.scatter [tilespmem:s7], [sflag:$0x3], $0x4000, $0x38;
	[tilespmem:$0x8800] =	vst v63  }
0xf9: {  	_ =	swait.ge [sflag:s3], $0x4000  }
0xfa: {  	[sflag:s3] =	ssyncset.done $0x0  }
0xfb: {  	[sflag:s3] =	ssyncadd.s32 $0xFFFFC000  }
0xfc: {  	[tilespmem:s7], [sflag:$0x2] =	stream.indirect.gather [hbm4b:s4+s5], $0x80, s24, s5, $0xb8;
	[tilespmem:$0x8800] =	vst v63  }
0xfd: {  	_ =	swait.ge [sflag:s8], $0x4000  }
0xfe: {  	[sflag:s8] =	ssyncset.done $0x0  }
0xff: {  	[sflag:s8] =	ssyncadd.s32 $0xFFFFC000  }
0x100: {  	[hbm4b:s25+s2] =	stream.linear.scatter [tilespmem:s6], [sflag:$0x3], $0x4000, $0x38;
	[tilespmem:$0x8800] =	vst v63  }
0x101: {  	_ =	swait.ge [sflag:s3], $0x4000  }
0x102: {  	[sflag:s3] =	ssyncset.done $0x0  }
0x103: {  	[sflag:s3] =	ssyncadd.s32 $0xFFFFC000  }
0x104: {  	[tilespmem:s6], [sflag:$0x1] =	stream.indirect.gather [hbm4b:s4+s5], $0x80, s26, s5, $0xb8;
	[tilespmem:$0x8800] =	vst v63  }
0x105: {  	_ =	swait.ge [sflag:s10], $0x4000  }
0x106: {  	[sflag:s10] =	ssyncset.done $0x0  }
0x107: {  	[sflag:s10] =	ssyncadd.s32 $0xFFFFC000  }
0x108: {  	[hbm4b:s28+s2] =	stream.linear.scatter [tilespmem:s7], [sflag:$0x3], $0x4000, $0x38;
	[tilespmem:$0x8800] =	vst v63  }
0x109: {  	_ =	swait.ge [sflag:s3], $0x4000  }
0x10a: {  	[sflag:s3] =	ssyncset.done $0x0  }
0x10b: {  	[sflag:s3] =	ssyncadd.s32 $0xFFFFC000  }
0x10c: {  	[tilespmem:s7], [sflag:$0x2] =	stream.indirect.gather [hbm4b:s4+s5], $0x80, s29, s5, $0xb8;
	[tilespmem:$0x8800] =	vst v63  }
0x10d: {  	_ =	swait.ge [sflag:s8], $0x4000  }
0x10e: {  	[sflag:s8] =	ssyncset.done $0x0  }
0x10f: {  	[sflag:s8] =	ssyncadd.s32 $0xFFFFC000  }
0x110: {  	[hbm4b:s30+s2] =	stream.linear.scatter [tilespmem:s6], [sflag:$0x3], $0x4000, $0x38;
	[tilespmem:$0x8800] =	vst v63  }
0x111: {  	_ =	swait.ge [sflag:s3], $0x4000  }
0x112: {  	[sflag:s3] =	ssyncset.done $0x0  }
0x113: {  	p0 =	sne.s32 s1, $0x1;
	[sflag:s3] =	ssyncadd.s32 $0xFFFFC000  }
.Ltmp1:
0x114: {  	_ =	swait.ge [sflag:s10], $0x4000;
	(pc) =	sbr.rel @p0 .LBB2_1-.Ltmp1, $4  }
0x115: {  	[sflag:s10] =	ssyncset.done $0x0  }
0x116: {  	[sflag:s10] =	ssyncadd.s32 $0xFFFFC000  }
0x117: {  	[hbm4b:s31+s2] =	stream.linear.scatter [tilespmem:s7], [sflag:$0x3], $0x4000, $0x38;
	[tilespmem:$0x8800] =	vst v63  }
0x118: {  	s1 =	sadd.s32 $0xFFFFFFFF, s1;
	_ =	swait.ge [sflag:s3], $0x4000  }
.LBB2_2:
0x119: {  	[sflag:s3] =	ssyncset.done $0x0  }
0x11a: {  	[sflag:s3] =	ssyncadd.s32 $0xFFFFC000  }
0x11b: {  	_ =	sfence.sel $0x180000  }
0x11c: {  	[bflag:$0x0] =	sbarrier.arrive $0xFFFF  }
0x11d: {  	_ =	strace $0x90000047  }
0x11e: {  	s0 =	stileid.u32;
	[bflag:$0x2] =	sbarrier.arrive $0xFFFF  }
0x11f: {  	p0 =	sne.s32 s0, $0x0;
	s0 =	rddreg [dreg:$0x2]  }
0x120: {  	s0 =	sadd.s32 @!p0 $0x100000, s0  }
0x121: {  	[sflag:s0] =	ssyncadd.tile.s32 @!p0 $0x1;
	_ =	shalt  }
.Lfunc_end2:
_tile_overlayer_lowered:
.L_overlay_start_2:
0x122: {  	(tag) =	ssettag $0x2  }
0x123: {  	s0 =	rddreg [dreg:$0x0];
	s2 =	stileid.u32  }
0x124: {  	s1 =	rddreg [dreg:$0x1];
	p0 =	sne.s32 s2, $0x0  }
0x125: {  	s3 =	rddreg [dreg:$0x2];
	[bflag:$0x3] =	sbarrier.arrive $0xFFFF;
	s2 =	simm.s32 @!p0 $0x1C03  }
0x126: {  	[timem:s3], [sflag:s2] =	dma.local @!p0 [hbm:s0], s1  }
0x127: {  	s0 =	simm.s32 @!p0 $0x3  }
0x128: {  	_ =	swait.ge @!p0 [sflag:s0], s1  }
0x129: {  	s1 =	ssub.s32 @!p0 $0x0, s1;
	[sflag:s0] =	ssyncset.done @!p0 $0x0  }
0x12a: {  	[sflag:s0] =	ssyncadd.s32 @!p0 s1  }
0x12b: {  	[bflag:$0x3] =	sbarrier.arrive $0xFFFF  }
0x12c: {  	_ =	shalt  }

// kernel: kernel.7.cloned.1.call-start
scs
__scs_entry_jumppad:
0x0: {  	(pc) =	sbr.rel $0x88, $3  }
0x1: {  	(tag) =	ssettag $0x0;
	lr =	simm.s32 $0x1  }
0x2: {  	[smem:$0x3F8F] =	sst lr;
	_ =	strace $0xD0000000  }
0x3: {  	_ = 	snop  }
0x4: {  	_ = 	snop  }
0x5: {  	_ = 	snop  }
0x6: {  	_ = 	snop  }
0x7: {  	_ = 	snop  }
__scs_overlays_trampoline_lowered:
0x8: {  	[smem:$0x3F9E] =	sst s0  }
0x9: {  	[smem:$0x3F9F] =	sst s1  }
0xa: {  	[smem:$0x3FA0] =	sst s2  }
0xb: {  	[smem:$0x3FA1] =	sst s3  }
0xc: {  	[smem:$0x3FA2] =	sst s4  }
0xd: {  	[smem:$0x3FA3] =	sst s5  }
0xe: {  	[smem:$0x3FA4] =	sst s6  }
0xf: {  	[smem:$0x3FA5] =	sst s7  }
0x10: {  	[smem:$0x3FA6] =	sst s8  }
0x11: {  	[smem:$0x3FA7] =	sst s9;
	s0 =	simm.s32 @!p0 $0x0  }
0x12: {  	s1 =	sld [smem:$0x3F8D];
	s0 =	simm.s32 @p0 $0x1  }
0x13: {  	[smem:$0x3FA8] =	sst s0;
	s0 =	simm.s32 @!p1 $0x0  }
0x14: {  	s2 =	sld [smem:$0x3F8C];
	s0 =	simm.s32 @p1 $0x1  }
0x15: {  	[smem:$0x3FA9] =	sst s0;
	s0 =	simm.s32 @!p2 $0x0  }
0x16: {  	s3 =	sld [smem:$0x3FDB];
	s0 =	simm.s32 @p2 $0x1  }
0x17: {  	s4 =	simm.s32 $0x1BF5;
	[smem:$0x3FAB] =	sst s0  }
0x18: {  	s0 =	sld [smem:$0x3F8E];
	_ =	swait.ge [sflag:s4], $0x0  }
0x19: {  	s7 =	sld [smem:$0x3F8F]  }
0x1a: {  	s8 =	sadd.s32 $0xFFFFE003, lr  }
0x1b: {  	s9 =	sadd.s32 $0xFFFFFEF7, lr;
	s5 =	simm.s32 $0xFFFFFFFF;
	p2 =	slt.u32 s8, $0xFFFFF086  }
0x1c: {  	p1 =	slt.u32 s9, $0xF7A;
	s5 =	simm.s32 @!p2 $0x0  }
0x1d: {  	s5 =	simm.s32 @p1 $0x1;
	p0 =	seq.s32 s7, s2  }
0x1e: {  	s7 =	smul.u32 @!p0 $0xF7A, s2;
	p2 =	seq.s32 @!p0 s5, $0x0  }
0x1f: {  	s9 =	smul.u32 $0xF7A, s1;
	s8 =	simm.s32 @!p0 $0x1BF5;
	p2 =	por !p2, p0  }
0x20: {  	[sflag:s8] =	ssyncset.s32 @!p0 $0xFFFFF086;
	s6 =	sadd.s32 @!p0 s3, s7;
	s7 =	simm.s32 @!p0 $0x108  }
0x21: {  	s3 =	sadd.s32 s3, s9;
	s6 =	sadd.s32 @!p0 $0x88, s6;
	s7 =	simm.s32 @p2 $0x1082  }
0x22: {  	[simem:s7], [sflag:s8] =	dma.local @!p0 [hbm:s6], $0xF7A  }
0x23: {  	s9 =	sor.u32 $0xD0000000, s2;
	s6 =	simm.s32 $0x108;
	_ =	swait.ge @!p0 [sflag:s8], $0x0  }
0x24: {  	s3 =	sadd.s32 $0x88, s3;
	s6 =	simm.s32 @!p1 $0x1082;
	[sflag:s4] =	ssyncset.s32 $0xFFFFF086  }
0x25: {  	[simem:s6], [sflag:s4] =	dma.local [hbm:s3], $0xF7A  }
0x26: {  	[smem:$0x3F8F] =	sst s1;
	(tag) =	ssettag s2;
	_ =	strace s9  }
0x27: {  	s1 =	sld [smem:$0x3F9F]  }
0x28: {  	s2 =	sld [smem:$0x3FA0]  }
0x29: {  	s4 =	sld [smem:$0x3FA2]  }
0x2a: {  	p0 =	seq.s32 s5, $0x0;
	s5 =	sld [smem:$0x3FA3]  }
0x2b: {  	s6 =	sld [smem:$0x3FA4]  }
0x2c: {  	s7 =	sld [smem:$0x3FA5]  }
0x2d: {  	s3 =	simm.s32 $0x108;
	s8 =	sld [smem:$0x3FA6]  }
0x2e: {  	s3 =	simm.s32 @!p0 $0x1082;
	s9 =	sld [smem:$0x3FA7]  }
0x2f: {  	lr =	sadd.s32 s0, s3;
	s0 =	sld [smem:$0x3F9E]  }
0x30: {  	s3 =	sld [smem:$0x3FA1]  }
0x31: {  	[smem:$0x3FAA] =	sst s10  }
0x32: {  	s10 =	sld [smem:$0x3FA8];
	_ =	sdelay $0x3  }
0x33: {  	p0 =	seq.s32 s10, $0x1;
	s10 =	sld [smem:$0x3FAA];
	_ =	sdelay $0x3  }
0x34: {  	[smem:$0x3FAA] =	sst s10  }
0x35: {  	s10 =	sld [smem:$0x3FA9];
	_ =	sdelay $0x3  }
0x36: {  	p1 =	seq.s32 s10, $0x1;
	s10 =	sld [smem:$0x3FAA];
	_ =	sdelay $0x3  }
0x37: {  	[smem:$0x3FAA] =	sst s10  }
0x38: {  	s10 =	sld [smem:$0x3FAB]  }
0x39: {  	_ = 	snop;
	(pc) =	sbr.ind lr, $3  }
0x3a: {  	_ = 	snop  }
0x3b: {  	_ = 	snop  }
0x3c: {  	p2 =	seq.s32 s10, $0x1;
	s10 =	sld [smem:$0x3FAA]  }
0x3d: {  	_ =	shalt  }
0x3e: {  	_ =	shalt  }
0x3f: {  	_ =	shalt  }
0x40: {  	_ =	shalt  }
0x41: {  	_ =	shalt  }
0x42: {  	_ =	shalt  }
0x43: {  	_ =	shalt  }
0x44: {  	_ =	shalt  }
0x45: {  	_ =	shalt  }
0x46: {  	_ =	shalt  }
0x47: {  	_ =	shalt  }
0x48: {  	_ =	shalt  }
0x49: {  	_ =	shalt  }
0x4a: {  	_ =	shalt  }
0x4b: {  	_ =	shalt  }
0x4c: {  	_ =	shalt  }
0x4d: {  	_ =	shalt  }
0x4e: {  	_ =	shalt  }
0x4f: {  	_ =	shalt  }
0x50: {  	_ =	shalt  }
0x51: {  	_ =	shalt  }
0x52: {  	_ =	shalt  }
0x53: {  	_ =	shalt  }
0x54: {  	_ =	shalt  }
0x55: {  	_ =	shalt  }
0x56: {  	_ =	shalt  }
0x57: {  	_ =	shalt  }
0x58: {  	_ =	shalt  }
0x59: {  	_ =	shalt  }
0x5a: {  	_ =	shalt  }
0x5b: {  	_ =	shalt  }
0x5c: {  	_ =	shalt  }
0x5d: {  	_ =	shalt  }
0x5e: {  	_ =	shalt  }
0x5f: {  	_ =	shalt  }
0x60: {  	_ =	shalt  }
0x61: {  	_ =	shalt  }
0x62: {  	_ =	shalt  }
0x63: {  	_ =	shalt  }
0x64: {  	_ =	shalt  }
0x65: {  	_ =	shalt  }
0x66: {  	_ =	shalt  }
0x67: {  	_ =	shalt  }
0x68: {  	_ =	shalt  }
0x69: {  	_ =	shalt  }
0x6a: {  	_ =	shalt  }
0x6b: {  	_ =	shalt  }
0x6c: {  	_ =	shalt  }
0x6d: {  	_ =	shalt  }
0x6e: {  	_ =	shalt  }
0x6f: {  	_ =	shalt  }
0x70: {  	_ =	shalt  }
0x71: {  	_ =	shalt  }
0x72: {  	_ =	shalt  }
0x73: {  	_ =	shalt  }
0x74: {  	_ =	shalt  }
0x75: {  	_ =	shalt  }
0x76: {  	_ =	shalt  }
0x77: {  	_ =	shalt  }
0x78: {  	_ =	shalt  }
0x79: {  	_ =	shalt  }
0x7a: {  	_ =	shalt  }
0x7b: {  	_ =	shalt  }
0x7c: {  	_ =	shalt  }
0x7d: {  	_ =	shalt  }
0x7e: {  	_ =	shalt  }
0x7f: {  	_ =	shalt  }
0x80: {  	_ =	shalt  }
0x81: {  	_ =	shalt  }
0x82: {  	_ =	shalt  }
0x83: {  	_ =	shalt  }
0x84: {  	_ =	shalt  }
0x85: {  	_ =	shalt  }
0x86: {  	_ =	shalt  }
0x87: {  	_ =	shalt  }
.Lfunc_end0:
.L_simem_size_0:
called_computation_lowered:
.L_overlay_start_0:
0x88: {  	s2 =	sld [smem:$0x3FD9]  }
0x89: {  	s3 =	sld [smem:$0x3FFE];
	_ =	sdelay $0x1  }
0x8a: {  	s1 =	srdreg.scid  }
0x8b: {  	s0 =	sand.u32 $0x1, s1  }
0x8c: {  	s17 =	sshll.u32 s0, $0xA;
	s2 =	sadd.s32 s3, s2  }
0x8d: {  	s2 =	sadd.s32 s2, s17  }
0x8e: {  	[smem:$0x3FB6] =	sst s2  }
0x8f: {  	_ = 	snop  }
0x90: {  	(tm) =	ssettm $0x1  }
0x91: {  	s18 =	sld [smem:$0x3FFB];
	_ =	sdelay $0x3  }
0x92: {  	_ =	strace s18  }
0x93: {  	s2 =	sld [smem:$0x3FFC];
	_ =	sdelay $0x3  }
0x94: {  	_ =	strace s2  }
0x95: {  	s2 =	sld [smem:$0x3FFD];
	_ =	sdelay $0x3  }
0x96: {  	_ =	strace s2  }
0x97: {  	_ =	strace $0x8FFFFFFF  }
0x98: {  	s19 =	sld [smem:$0x3FDB];
	_ =	sdelay $0x1  }
0x99: {  	s20 =	simm.s32 $_scs_section_size  }
0x9a: {  	s4 =	simm.s32 $_size__tile_overlayer_lowered;
	s5 =	simm.s32 $_tile_overlayer_lowered  }
0x9b: {  	s6 =	simm.s32 $0x1BFF;
	s21 =	sshll.u32 s5, $0x1;
	s3 =	sadd.s32 s20, s19  }
0x9c: {  	s22 =	simm.s32 $0x0;
	s4 =	sshll.u32 s4, $0x1;
	s5 =	sadd.s32 s21, s3  }
0x9d: {  	[timem:s22], [sflag:s6] =	dma.local [hbm:s5], s4  }
0x9e: {  	_ =	swait.ge [sflag:s6], s4  }
0x9f: {  	s4 =	ssub.s32 $0x0, s4;
	[sflag:s6] =	ssyncset.done $0x0  }
0xa0: {  	[sflag:s6] =	ssyncadd.s32 s4;
	_ =	sdelay $0x1  }
0xa1: {  	s23 =	simm.s32 $0x1B8B  }
0xa2: {  	_ =	swait.ge [sflag:s23], $0x1  }
0xa3: {  	[sflag:s23] =	ssyncset.done $0x0  }
0xa4: {  	[sflag:s23] =	ssyncadd.s32 $0xFFFFFFFF  }
0xa5: {  	s4 =	sld [smem:$0x0]  }
0xa6: {  	s5 =	sand.u32 $0xFFFFFFFE, s1  }
0xa7: {  	p0 =	sne.s32 s1, s5  }
0xa8: {  	s5 =	sshll.u32 @p0 s5, $0xE  }
0xa9: {  	s5 =	sadd.s32 @p0 $0x11B8D, s5;
	s6 =	sshll.u32 @p0 s4, $0x11  }
0xaa: {  	s5 =	sor.u32 @p0 s6, s5  }
0xab: {  	[sflag:s5] =	ssyncadd.remote.s32 @p0 $0x1;
	_ =	sdelay $0x1  }
0xac: {  	s5 =	simm.s32 @p0 $0x1B8D  }
0xad: {  	_ =	swait.eq @p0 [sflag:s5], $0x1  }
0xae: {  	[sflag:s5] =	ssyncadd.s32 @p0 $0xFFFFFFFF  }
0xaf: {  	s6 =	sshll.u32 @!p0 s1, $0xE  }
0xb0: {  	s6 =	sor.u32 @!p0 $0x4000, s6;
	s5 =	simm.s32 @!p0 $0x1B8D  }
0xb1: {  	s4 =	sshll.u32 @!p0 s4, $0x11;
	s6 =	sadd.s32 @!p0 $0x11B8D, s6;
	_ =	swait.eq @!p0 [sflag:s5], $0x1  }
0xb2: {  	s4 =	sor.u32 @!p0 s4, s6;
	[sflag:s5] =	ssyncadd.s32 @!p0 $0xFFFFFFFF  }
0xb3: {  	s25 =	simm.s32 $0x1B8E;
	s24 =	sld [smem:$0x3FFE];
	[sflag:s4] =	ssyncadd.remote.s32 @!p0 $0x1  }
0xb4: {  	s26 =	simm.s32 $execute0_lowered;
	[smem:$0x3FD2] =	sst s25  }
0xb5: {  	s5 =	sshll.u32 s26, $0x1;
	_ =	strace $0x80000049;
	[dreg:$0x1] =	wrdreg $0xFFFFFFFF  }
0xb6: {  	s28 =	simm.s32 $_size_execute0_lowered;
	s3 =	sadd.s32 s3, s5;
	[dreg:$0x0] =	wrdreg $0x0  }
0xb7: {  	s5 =	sshll.u32 s28, $0x1;
	[dreg:$0x2] =	wrdreg s3  }
0xb8: {  	[dreg:$0x3] =	wrdreg s5  }
0xb9: {  	[dreg:$0x4] =	wrdreg $0xC0  }
0xba: {  	_ =	task [dreg:s22], $0x5FFFF  }
0xbb: {  	[dreg:$0x1] =	wrdreg $0xFFFFFFFF  }
0xbc: {  	[dreg:$0x0] =	wrdreg $0x60  }
0xbd: {  	[dreg:$0x2] =	wrdreg s24  }
0xbe: {  	[dreg:$0x3] =	wrdreg $0x9  }
0xbf: {  	_ =	task.clear_ibuf [dreg:s22], $0x4FFFF;
	_ =	strace $0x90000049  }
0xc0: {  	s29 =	simm.s32 $0x9;
	_ =	strace $0x8000004B  }
0xc1: {  	_ =	swait.ge [sflag:s29], $0x1  }
0xc2: {  	[sflag:s29] =	ssyncadd.s32 $0xFFFFFFFF  }
0xc3: {  	_ =	strace $0x9000004B  }
0xc4: {  	_ =	sfence  }
0xc5: {  	s30 =	sld [smem:$0x0];
	_ =	sdelay $0x2  }
0xc6: {  	s31 =	sshll.u32 s1, $0xD;
	s1 =	sshrl.u32 s1, $0x2  }
0xc7: {  	s4 =	sand.u32 $0x4000, s31;
	s1 =	sadd.s32 s1, s30  }
0xc8: {  	s0 =	sor.u32 s4, s0;
	s1 =	sshll.u32 s1, $0x11  }
0xc9: {  	s0 =	sor.u32 s1, s0  }
0xca: {  	s0 =	sadd.s32 $0x8F2B, s0  }
0xcb: {  	[sflag:s0] =	ssyncadd.remote.s32 $0x1  }
0xcc: {  	_ =	sfence.sel $0xFFFF  }
0xcd: {  	[dreg:$0x0] =	wrdreg $0xFFFFFFFF;
	(pc) =	sbr.abs _section_cstart, $3  }
0xce: {  	[dreg:$0x1] =	wrdreg $0xFFFFFFFF  }
0xcf: {  	_ =	task.clear_ibuf [dreg:s22], $0x2FFFF;
	_ =	strace $0x9FFFFFFF  }
0xd0: {  	(tm) =	ssettm $0x7FFFFFFF  }
0xd1: {  	_ =	shalt  }
tec
execute0_lowered:
.L_overlay_start_1:
0x0: {  	(tag) =	ssettag $0x1  }
0x1: {  	s1 =	srdreg.scid;
	s0 =	stileid.u32  }
0x2: {  	s1 =	sand.u32 $0x1, s1;
	s2 =	sshll.u32 s0, $0x1  }
0x3: {  	s3 =	sor.u32 s1, s2  }
0x4: {  	s4 =	rddreg [dreg:$0x0];
	s5 =	sshll.u32 s3, $0x8  }
0x5: {  	s2 =	simm.s32 $0x0;
	s3 =	sshll.u32 s3, $0xF;
	s5 =	sadd.s32 s5, s4  }
0x6: {  	[smem:$0x7FF] =	sst s2;
	s31 =	sadd.s32 s3, s4;
	s16 =	sadd.s32 $0x143800, s5  }
0x7: {  	_ =	strace $0x8000004A;
	s17 =	sadd.s32 $0x145800, s31;
	[dreg:$0x2] =	wrdreg s16  }
0x8: {  	s18 =	sadd.s32 $0x146000, s31;
	[dreg:$0x3] =	wrdreg s17  }
0x9: {  	s19 =	sadd.s32 $0x146800, s31;
	[dreg:$0x4] =	wrdreg s18  }
0xa: {  	s20 =	sadd.s32 $0x147000, s31;
	[dreg:$0x5] =	wrdreg s19  }
0xb: {  	s21 =	sadd.s32 $0x147800, s31;
	[dreg:$0x6] =	wrdreg s20  }
0xc: {  	s22 =	sadd.s32 $0x148000, s31;
	[dreg:$0x7] =	wrdreg s21  }
0xd: {  	s23 =	sadd.s32 $0x148800, s31;
	[dreg:$0x8] =	wrdreg s22  }
0xe: {  	s24 =	sadd.s32 $0x149000, s31;
	[dreg:$0x9] =	wrdreg s23  }
0xf: {  	s26 =	sadd.s32 $0x149800, s31;
	[dreg:$0xa] =	wrdreg s24  }
0x10: {  	[dreg:$0xb] =	wrdreg s26  }
0x11: {  	s3 =	simm.s32 $0x3;
	s25 =	rddreg [dreg:$0x2]  }
0x12: {  	[tilespmem:s2], [sflag:$0x3] =	stream.linear.gather [hbm4b:s25+s2], $0x800, $0x38;
	[tilespmem:$0x8800] =	vst v63  }
0x13: {  	_ =	swait.ge [sflag:s3], $0x800  }
0x14: {  	s6 =	simm.s32 $0x800;
	[sflag:s3] =	ssyncset.done $0x0  }
0x15: {  	s4 =	sadd.s32 $0x23800, s4;
	s5 =	simm.s32 $0x80;
	[sflag:s3] =	ssyncadd.s32 $0xFFFFF800  }
0x16: {  	[tilespmem:s6], [sflag:$0x1] =	stream.indirect.gather [hbm4b:s4+s5], $0x80, s2, s5, $0xb8;
	[tilespmem:$0x8800] =	vst v63  }
0x17: {  	s7 =	simm.s32 $0x4800;
	s8 =	simm.s32 $0x1  }
0x18: {  	[tilespmem:s7], [sflag:$0x2] =	stream.indirect.gather [hbm4b:s4+s5], $0x80, s5, s5, $0xb8;
	[tilespmem:$0x8800] =	vst v63  }
0x19: {  	_ =	swait.ge [sflag:s8], $0x4000  }
0x1a: {  	[sflag:s8] =	ssyncset.done $0x0  }
0x1b: {  	s9 =	rddreg [dreg:$0x3];
	[sflag:s8] =	ssyncadd.s32 $0xFFFFC000  }
0x1c: {  	[hbm4b:s9+s2] =	stream.linear.scatter [tilespmem:s6], [sflag:$0x3], $0x4000, $0x38;
	[tilespmem:$0x8800] =	vst v63  }
0x1d: {  	_ =	swait.ge [sflag:s3], $0x4000  }
0x1e: {  	[sflag:s3] =	ssyncset.done $0x0  }
0x1f: {  	s10 =	simm.s32 $0x2;
	s9 =	simm.s32 $0x100;
	[sflag:s3] =	ssyncadd.s32 $0xFFFFC000  }
0x20: {  	[tilespmem:s6], [sflag:$0x1] =	stream.indirect.gather [hbm4b:s4+s5], $0x80, s9, s5, $0xb8;
	[tilespmem:$0x8800] =	vst v63  }
0x21: {  	_ =	swait.ge [sflag:s10], $0x4000  }
0x22: {  	[sflag:s10] =	ssyncset.done $0x0  }
0x23: {  	s11 =	rddreg [dreg:$0x4];
	[sflag:s10] =	ssyncadd.s32 $0xFFFFC000  }
0x24: {  	[hbm4b:s11+s2] =	stream.linear.scatter [tilespmem:s7], [sflag:$0x3], $0x4000, $0x38;
	[tilespmem:$0x8800] =	vst v63  }
0x25: {  	_ =	swait.ge [sflag:s3], $0x4000  }
0x26: {  	[sflag:s3] =	ssyncset.done $0x0  }
0x27: {  	s11 =	simm.s32 $0x180;
	[sflag:s3] =	ssyncadd.s32 $0xFFFFC000  }
0x28: {  	[tilespmem:s7], [sflag:$0x2] =	stream.indirect.gather [hbm4b:s4+s5], $0x80, s11, s5, $0xb8;
	[tilespmem:$0x8800] =	vst v63  }
0x29: {  	_ =	swait.ge [sflag:s8], $0x4000  }
0x2a: {  	[sflag:s8] =	ssyncset.done $0x0  }
0x2b: {  	s12 =	rddreg [dreg:$0x5];
	[sflag:s8] =	ssyncadd.s32 $0xFFFFC000  }
0x2c: {  	[hbm4b:s12+s2] =	stream.linear.scatter [tilespmem:s6], [sflag:$0x3], $0x4000, $0x38;
	[tilespmem:$0x8800] =	vst v63  }
0x2d: {  	_ =	swait.ge [sflag:s3], $0x4000  }
0x2e: {  	[sflag:s3] =	ssyncset.done $0x0  }
0x2f: {  	s12 =	simm.s32 $0x200;
	[sflag:s3] =	ssyncadd.s32 $0xFFFFC000  }
0x30: {  	[tilespmem:s6], [sflag:$0x1] =	stream.indirect.gather [hbm4b:s4+s5], $0x80, s12, s5, $0xb8;
	[tilespmem:$0x8800] =	vst v63  }
0x31: {  	_ =	swait.ge [sflag:s10], $0x4000  }
0x32: {  	[sflag:s10] =	ssyncset.done $0x0  }
0x33: {  	s13 =	rddreg [dreg:$0x6];
	[sflag:s10] =	ssyncadd.s32 $0xFFFFC000  }
0x34: {  	[hbm4b:s13+s2] =	stream.linear.scatter [tilespmem:s7], [sflag:$0x3], $0x4000, $0x38;
	[tilespmem:$0x8800] =	vst v63  }
0x35: {  	_ =	swait.ge [sflag:s3], $0x4000  }
0x36: {  	[sflag:s3] =	ssyncset.done $0x0  }
0x37: {  	s13 =	simm.s32 $0x280;
	[sflag:s3] =	ssyncadd.s32 $0xFFFFC000  }
0x38: {  	[tilespmem:s7], [sflag:$0x2] =	stream.indirect.gather [hbm4b:s4+s5], $0x80, s13, s5, $0xb8;
	[tilespmem:$0x8800] =	vst v63  }
0x39: {  	_ =	swait.ge [sflag:s8], $0x4000  }
0x3a: {  	[sflag:s8] =	ssyncset.done $0x0  }
0x3b: {  	s14 =	rddreg [dreg:$0x7];
	[sflag:s8] =	ssyncadd.s32 $0xFFFFC000  }
0x3c: {  	[hbm4b:s14+s2] =	stream.linear.scatter [tilespmem:s6], [sflag:$0x3], $0x4000, $0x38;
	[tilespmem:$0x8800] =	vst v63  }
0x3d: {  	_ =	swait.ge [sflag:s3], $0x4000  }
0x3e: {  	[sflag:s3] =	ssyncset.done $0x0  }
0x3f: {  	s14 =	simm.s32 $0x300;
	[sflag:s3] =	ssyncadd.s32 $0xFFFFC000  }
0x40: {  	[tilespmem:s6], [sflag:$0x1] =	stream.indirect.gather [hbm4b:s4+s5], $0x80, s14, s5, $0xb8;
	[tilespmem:$0x8800] =	vst v63  }
0x41: {  	_ =	swait.ge [sflag:s10], $0x4000  }
0x42: {  	[sflag:s10] =	ssyncset.done $0x0  }
0x43: {  	s15 =	rddreg [dreg:$0x8];
	[sflag:s10] =	ssyncadd.s32 $0xFFFFC000  }
0x44: {  	[hbm4b:s15+s2] =	stream.linear.scatter [tilespmem:s7], [sflag:$0x3], $0x4000, $0x38;
	[tilespmem:$0x8800] =	vst v63  }
0x45: {  	_ =	swait.ge [sflag:s3], $0x4000  }
0x46: {  	[sflag:s3] =	ssyncset.done $0x0  }
0x47: {  	s15 =	simm.s32 $0x380;
	[sflag:s3] =	ssyncadd.s32 $0xFFFFC000  }
0x48: {  	[tilespmem:s7], [sflag:$0x2] =	stream.indirect.gather [hbm4b:s4+s5], $0x80, s15, s5, $0xb8;
	[tilespmem:$0x8800] =	vst v63  }
0x49: {  	_ =	swait.ge [sflag:s8], $0x4000  }
0x4a: {  	[sflag:s8] =	ssyncset.done $0x0  }
0x4b: {  	s16 =	rddreg [dreg:$0x9];
	[sflag:s8] =	ssyncadd.s32 $0xFFFFC000  }
0x4c: {  	[hbm4b:s16+s2] =	stream.linear.scatter [tilespmem:s6], [sflag:$0x3], $0x4000, $0x38;
	[tilespmem:$0x8800] =	vst v63  }
0x4d: {  	_ =	swait.ge [sflag:s3], $0x4000  }
0x4e: {  	[sflag:s3] =	ssyncset.done $0x0  }
0x4f: {  	s16 =	simm.s32 $0x400;
	[sflag:s3] =	ssyncadd.s32 $0xFFFFC000  }
0x50: {  	[tilespmem:s6], [sflag:$0x1] =	stream.indirect.gather [hbm4b:s4+s5], $0x80, s16, s5, $0xb8;
	[tilespmem:$0x8800] =	vst v63  }
0x51: {  	_ =	swait.ge [sflag:s10], $0x4000  }
0x52: {  	[sflag:s10] =	ssyncset.done $0x0  }
0x53: {  	s17 =	rddreg [dreg:$0xa];
	[sflag:s10] =	ssyncadd.s32 $0xFFFFC000  }
0x54: {  	[hbm4b:s17+s2] =	stream.linear.scatter [tilespmem:s7], [sflag:$0x3], $0x4000, $0x38;
	[tilespmem:$0x8800] =	vst v63  }
0x55: {  	_ =	swait.ge [sflag:s3], $0x4000  }
0x56: {  	[sflag:s3] =	ssyncset.done $0x0  }
0x57: {  	s17 =	simm.s32 $0x480;
	[sflag:s3] =	ssyncadd.s32 $0xFFFFC000  }
0x58: {  	[tilespmem:s7], [sflag:$0x2] =	stream.indirect.gather [hbm4b:s4+s5], $0x80, s17, s5, $0xb8;
	[tilespmem:$0x8800] =	vst v63  }
0x59: {  	_ =	swait.ge [sflag:s8], $0x4000  }
0x5a: {  	[sflag:s8] =	ssyncset.done $0x0  }
0x5b: {  	s18 =	rddreg [dreg:$0xb];
	[sflag:s8] =	ssyncadd.s32 $0xFFFFC000  }
0x5c: {  	[hbm4b:s18+s2] =	stream.linear.scatter [tilespmem:s6], [sflag:$0x3], $0x4000, $0x38;
	[tilespmem:$0x8800] =	vst v63  }
0x5d: {  	_ =	swait.ge [sflag:s3], $0x4000  }
0x5e: {  	[sflag:s3] =	ssyncset.done $0x0  }
0x5f: {  	s18 =	simm.s32 $0x500;
	[sflag:s3] =	ssyncadd.s32 $0xFFFFC000  }
0x60: {  	[tilespmem:s6], [sflag:$0x1] =	stream.indirect.gather [hbm4b:s4+s5], $0x80, s18, s5, $0xb8;
	[tilespmem:$0x8800] =	vst v63  }
0x61: {  	_ =	swait.ge [sflag:s10], $0x4000  }
0x62: {  	[sflag:s10] =	ssyncset.done $0x0  }
0x63: {  	s19 =	sadd.s32 $0x14A000, s31;
	[sflag:s10] =	ssyncadd.s32 $0xFFFFC000  }
0x64: {  	[hbm4b:s19+s2] =	stream.linear.scatter [tilespmem:s7], [sflag:$0x3], $0x4000, $0x38;
	[tilespmem:$0x8800] =	vst v63  }
0x65: {  	_ =	swait.ge [sflag:s3], $0x4000  }
0x66: {  	[sflag:s3] =	ssyncset.done $0x0  }
0x67: {  	s20 =	simm.s32 $0x580;
	[sflag:s3] =	ssyncadd.s32 $0xFFFFC000  }
0x68: {  	[tilespmem:s7], [sflag:$0x2] =	stream.indirect.gather [hbm4b:s4+s5], $0x80, s20, s5, $0xb8;
	[tilespmem:$0x8800] =	vst v63  }
0x69: {  	_ =	swait.ge [sflag:s8], $0x4000  }
0x6a: {  	[sflag:s8] =	ssyncset.done $0x0  }
0x6b: {  	s21 =	sadd.s32 $0x14A800, s31;
	[sflag:s8] =	ssyncadd.s32 $0xFFFFC000  }
0x6c: {  	[hbm4b:s21+s2] =	stream.linear.scatter [tilespmem:s6], [sflag:$0x3], $0x4000, $0x38;
	[tilespmem:$0x8800] =	vst v63  }
0x6d: {  	_ =	swait.ge [sflag:s3], $0x4000  }
0x6e: {  	[sflag:s3] =	ssyncset.done $0x0  }
0x6f: {  	s22 =	simm.s32 $0x600;
	[sflag:s3] =	ssyncadd.s32 $0xFFFFC000  }
0x70: {  	[tilespmem:s6], [sflag:$0x1] =	stream.indirect.gather [hbm4b:s4+s5], $0x80, s22, s5, $0xb8;
	[tilespmem:$0x8800] =	vst v63  }
0x71: {  	_ =	swait.ge [sflag:s10], $0x4000  }
0x72: {  	[sflag:s10] =	ssyncset.done $0x0  }
0x73: {  	s23 =	sadd.s32 $0x14B000, s31;
	[sflag:s10] =	ssyncadd.s32 $0xFFFFC000  }
0x74: {  	[hbm4b:s23+s2] =	stream.linear.scatter [tilespmem:s7], [sflag:$0x3], $0x4000, $0x38;
	[tilespmem:$0x8800] =	vst v63  }
0x75: {  	_ =	swait.ge [sflag:s3], $0x4000  }
0x76: {  	[sflag:s3] =	ssyncset.done $0x0  }
0x77: {  	s24 =	simm.s32 $0x680;
	[sflag:s3] =	ssyncadd.s32 $0xFFFFC000  }
0x78: {  	[tilespmem:s7], [sflag:$0x2] =	stream.indirect.gather [hbm4b:s4+s5], $0x80, s24, s5, $0xb8;
	[tilespmem:$0x8800] =	vst v63  }
0x79: {  	_ =	swait.ge [sflag:s8], $0x4000  }
0x7a: {  	[sflag:s8] =	ssyncset.done $0x0  }
0x7b: {  	s25 =	sadd.s32 $0x14B800, s31;
	[sflag:s8] =	ssyncadd.s32 $0xFFFFC000  }
0x7c: {  	[hbm4b:s25+s2] =	stream.linear.scatter [tilespmem:s6], [sflag:$0x3], $0x4000, $0x38;
	[tilespmem:$0x8800] =	vst v63  }
0x7d: {  	_ =	swait.ge [sflag:s3], $0x4000  }
0x7e: {  	[sflag:s3] =	ssyncset.done $0x0  }
0x7f: {  	s26 =	simm.s32 $0x700;
	[sflag:s3] =	ssyncadd.s32 $0xFFFFC000  }
0x80: {  	[tilespmem:s6], [sflag:$0x1] =	stream.indirect.gather [hbm4b:s4+s5], $0x80, s26, s5, $0xb8;
	[tilespmem:$0x8800] =	vst v63  }
0x81: {  	_ =	swait.ge [sflag:s10], $0x4000  }
0x82: {  	[sflag:s10] =	ssyncset.done $0x0  }
0x83: {  	s28 =	sadd.s32 $0x14C000, s31;
	[sflag:s10] =	ssyncadd.s32 $0xFFFFC000  }
0x84: {  	[hbm4b:s28+s2] =	stream.linear.scatter [tilespmem:s7], [sflag:$0x3], $0x4000, $0x38;
	[tilespmem:$0x8800] =	vst v63  }
0x85: {  	_ =	swait.ge [sflag:s3], $0x4000  }
0x86: {  	[sflag:s3] =	ssyncset.done $0x0  }
0x87: {  	s29 =	simm.s32 $0x780;
	[sflag:s3] =	ssyncadd.s32 $0xFFFFC000  }
0x88: {  	[tilespmem:s7], [sflag:$0x2] =	stream.indirect.gather [hbm4b:s4+s5], $0x80, s29, s5, $0xb8;
	[tilespmem:$0x8800] =	vst v63  }
0x89: {  	_ =	swait.ge [sflag:s8], $0x4000  }
0x8a: {  	s1 =	ssub.s32 $0x2, s1;
	[sflag:s8] =	ssyncset.done $0x0  }
0x8b: {  	s0 =	sshrl.u32 s1, $0x1;
	s30 =	sadd.s32 $0x14C800, s31;
	[sflag:s8] =	ssyncadd.s32 $0xFFFFC000  }
0x8c: {  	[hbm4b:s30+s2] =	stream.linear.scatter [tilespmem:s6], [sflag:$0x3], $0x4000, $0x38;
	[tilespmem:$0x8800] =	vst v63  }
0x8d: {  	s0 =	ssub.s32 s1, s0;
	_ =	swait.ge [sflag:s3], $0x4000  }
0x8e: {  	s0 =	smax.u32 s0, $0x1;
	[sflag:s3] =	ssyncset.done $0x0  }
0x8f: {  	p0 =	sne.s32 s0, $0x1;
	[sflag:s3] =	ssyncadd.s32 $0xFFFFC000  }
.Ltmp0:
0x90: {  	_ =	swait.ge [sflag:s10], $0x4000;
	(pc) =	sbr.rel @!p0 .LBB2_2-.Ltmp0, $4  }
0x91: {  	[sflag:s10] =	ssyncset.done $0x0  }
0x92: {  	s31 =	sadd.s32 $0x14D000, s31;
	[sflag:s10] =	ssyncadd.s32 $0xFFFFC000  }
0x93: {  	[hbm4b:s31+s2] =	stream.linear.scatter [tilespmem:s7], [sflag:$0x3], $0x4000, $0x38;
	[tilespmem:$0x8800] =	vst v63  }
0x94: {  	s1 =	sadd.s32 $0xFFFFFFFF, s0;
	_ =	swait.ge [sflag:s3], $0x4000  }
.LBB2_1:
0x95: {  	[sflag:s3] =	ssyncset.done $0x0  }
0x96: {  	s0 =	rddreg [dreg:$0x2];
	[sflag:s3] =	ssyncadd.s32 $0xFFFFC000  }
0x97: {  	[tilespmem:s2], [sflag:$0x3] =	stream.linear.gather [hbm4b:s0+s2], $0x800, $0x38;
	[tilespmem:$0x8800] =	vst v63  }
0x98: {  	_ =	swait.ge [sflag:s3], $0x800  }
0x99: {  	[sflag:s3] =	ssyncset.done $0x0  }
0x9a: {  	[sflag:s3] =	ssyncadd.s32 $0xFFFFF800  }
0x9b: {  	[tilespmem:s6], [sflag:$0x1] =	stream.indirect.gather [hbm4b:s4+s5], $0x80, s2, s5, $0xb8;
	[tilespmem:$0x8800] =	vst v63  }
0x9c: {  	_ = 	snop  }
0x9d: {  	[tilespmem:s7], [sflag:$0x2] =	stream.indirect.gather [hbm4b:s4+s5], $0x80, s5, s5, $0xb8;
	[tilespmem:$0x8800] =	vst v63  }
0x9e: {  	_ =	swait.ge [sflag:s8], $0x4000  }
0x9f: {  	[sflag:s8] =	ssyncset.done $0x0  }
0xa0: {  	s0 =	rddreg [dreg:$0x3];
	[sflag:s8] =	ssyncadd.s32 $0xFFFFC000  }
0xa1: {  	[hbm4b:s0+s2] =	stream.linear.scatter [tilespmem:s6], [sflag:$0x3], $0x4000, $0x38;
	[tilespmem:$0x8800] =	vst v63  }
0xa2: {  	_ =	swait.ge [sflag:s3], $0x4000  }
0xa3: {  	[sflag:s3] =	ssyncset.done $0x0  }
0xa4: {  	[sflag:s3] =	ssyncadd.s32 $0xFFFFC000  }
0xa5: {  	[tilespmem:s6], [sflag:$0x1] =	stream.indirect.gather [hbm4b:s4+s5], $0x80, s9, s5, $0xb8;
	[tilespmem:$0x8800] =	vst v63  }
0xa6: {  	_ =	swait.ge [sflag:s10], $0x4000  }
0xa7: {  	[sflag:s10] =	ssyncset.done $0x0  }
0xa8: {  	s0 =	rddreg [dreg:$0x4];
	[sflag:s10] =	ssyncadd.s32 $0xFFFFC000  }
0xa9: {  	[hbm4b:s0+s2] =	stream.linear.scatter [tilespmem:s7], [sflag:$0x3], $0x4000, $0x38;
	[tilespmem:$0x8800] =	vst v63  }
0xaa: {  	_ =	swait.ge [sflag:s3], $0x4000  }
0xab: {  	[sflag:s3] =	ssyncset.done $0x0  }
0xac: {  	[sflag:s3] =	ssyncadd.s32 $0xFFFFC000  }
0xad: {  	[tilespmem:s7], [sflag:$0x2] =	stream.indirect.gather [hbm4b:s4+s5], $0x80, s11, s5, $0xb8;
	[tilespmem:$0x8800] =	vst v63  }
0xae: {  	_ =	swait.ge [sflag:s8], $0x4000  }
0xaf: {  	[sflag:s8] =	ssyncset.done $0x0  }
0xb0: {  	s0 =	rddreg [dreg:$0x5];
	[sflag:s8] =	ssyncadd.s32 $0xFFFFC000  }
0xb1: {  	[hbm4b:s0+s2] =	stream.linear.scatter [tilespmem:s6], [sflag:$0x3], $0x4000, $0x38;
	[tilespmem:$0x8800] =	vst v63  }
0xb2: {  	_ =	swait.ge [sflag:s3], $0x4000  }
0xb3: {  	[sflag:s3] =	ssyncset.done $0x0  }
0xb4: {  	[sflag:s3] =	ssyncadd.s32 $0xFFFFC000  }
0xb5: {  	[tilespmem:s6], [sflag:$0x1] =	stream.indirect.gather [hbm4b:s4+s5], $0x80, s12, s5, $0xb8;
	[tilespmem:$0x8800] =	vst v63  }
0xb6: {  	_ =	swait.ge [sflag:s10], $0x4000  }
0xb7: {  	[sflag:s10] =	ssyncset.done $0x0  }
0xb8: {  	s0 =	rddreg [dreg:$0x6];
	[sflag:s10] =	ssyncadd.s32 $0xFFFFC000  }
0xb9: {  	[hbm4b:s0+s2] =	stream.linear.scatter [tilespmem:s7], [sflag:$0x3], $0x4000, $0x38;
	[tilespmem:$0x8800] =	vst v63  }
0xba: {  	_ =	swait.ge [sflag:s3], $0x4000  }
0xbb: {  	[sflag:s3] =	ssyncset.done $0x0  }
0xbc: {  	[sflag:s3] =	ssyncadd.s32 $0xFFFFC000  }
0xbd: {  	[tilespmem:s7], [sflag:$0x2] =	stream.indirect.gather [hbm4b:s4+s5], $0x80, s13, s5, $0xb8;
	[tilespmem:$0x8800] =	vst v63  }
0xbe: {  	_ =	swait.ge [sflag:s8], $0x4000  }
0xbf: {  	[sflag:s8] =	ssyncset.done $0x0  }
0xc0: {  	s0 =	rddreg [dreg:$0x7];
	[sflag:s8] =	ssyncadd.s32 $0xFFFFC000  }
0xc1: {  	[hbm4b:s0+s2] =	stream.linear.scatter [tilespmem:s6], [sflag:$0x3], $0x4000, $0x38;
	[tilespmem:$0x8800] =	vst v63  }
0xc2: {  	_ =	swait.ge [sflag:s3], $0x4000  }
0xc3: {  	[sflag:s3] =	ssyncset.done $0x0  }
0xc4: {  	[sflag:s3] =	ssyncadd.s32 $0xFFFFC000  }
0xc5: {  	[tilespmem:s6], [sflag:$0x1] =	stream.indirect.gather [hbm4b:s4+s5], $0x80, s14, s5, $0xb8;
	[tilespmem:$0x8800] =	vst v63  }
0xc6: {  	_ =	swait.ge [sflag:s10], $0x4000  }
0xc7: {  	[sflag:s10] =	ssyncset.done $0x0  }
0xc8: {  	s0 =	rddreg [dreg:$0x8];
	[sflag:s10] =	ssyncadd.s32 $0xFFFFC000  }
0xc9: {  	[hbm4b:s0+s2] =	stream.linear.scatter [tilespmem:s7], [sflag:$0x3], $0x4000, $0x38;
	[tilespmem:$0x8800] =	vst v63  }
0xca: {  	_ =	swait.ge [sflag:s3], $0x4000  }
0xcb: {  	[sflag:s3] =	ssyncset.done $0x0  }
0xcc: {  	[sflag:s3] =	ssyncadd.s32 $0xFFFFC000  }
0xcd: {  	[tilespmem:s7], [sflag:$0x2] =	stream.indirect.gather [hbm4b:s4+s5], $0x80, s15, s5, $0xb8;
	[tilespmem:$0x8800] =	vst v63  }
0xce: {  	_ =	swait.ge [sflag:s8], $0x4000  }
0xcf: {  	[sflag:s8] =	ssyncset.done $0x0  }
0xd0: {  	s0 =	rddreg [dreg:$0x9];
	[sflag:s8] =	ssyncadd.s32 $0xFFFFC000  }
0xd1: {  	[hbm4b:s0+s2] =	stream.linear.scatter [tilespmem:s6], [sflag:$0x3], $0x4000, $0x38;
	[tilespmem:$0x8800] =	vst v63  }
0xd2: {  	_ =	swait.ge [sflag:s3], $0x4000  }
0xd3: {  	[sflag:s3] =	ssyncset.done $0x0  }
0xd4: {  	[sflag:s3] =	ssyncadd.s32 $0xFFFFC000  }
0xd5: {  	[tilespmem:s6], [sflag:$0x1] =	stream.indirect.gather [hbm4b:s4+s5], $0x80, s16, s5, $0xb8;
	[tilespmem:$0x8800] =	vst v63  }
0xd6: {  	_ =	swait.ge [sflag:s10], $0x4000  }
0xd7: {  	[sflag:s10] =	ssyncset.done $0x0  }
0xd8: {  	s0 =	rddreg [dreg:$0xa];
	[sflag:s10] =	ssyncadd.s32 $0xFFFFC000  }
0xd9: {  	[hbm4b:s0+s2] =	stream.linear.scatter [tilespmem:s7], [sflag:$0x3], $0x4000, $0x38;
	[tilespmem:$0x8800] =	vst v63  }
0xda: {  	_ =	swait.ge [sflag:s3], $0x4000  }
0xdb: {  	[sflag:s3] =	ssyncset.done $0x0  }
0xdc: {  	[sflag:s3] =	ssyncadd.s32 $0xFFFFC000  }
0xdd: {  	[tilespmem:s7], [sflag:$0x2] =	stream.indirect.gather [hbm4b:s4+s5], $0x80, s17, s5, $0xb8;
	[tilespmem:$0x8800] =	vst v63  }
0xde: {  	_ =	swait.ge [sflag:s8], $0x4000  }
0xdf: {  	[sflag:s8] =	ssyncset.done $0x0  }
0xe0: {  	s0 =	rddreg [dreg:$0xb];
	[sflag:s8] =	ssyncadd.s32 $0xFFFFC000  }
0xe1: {  	[hbm4b:s0+s2] =	stream.linear.scatter [tilespmem:s6], [sflag:$0x3], $0x4000, $0x38;
	[tilespmem:$0x8800] =	vst v63  }
0xe2: {  	_ =	swait.ge [sflag:s3], $0x4000  }
0xe3: {  	[sflag:s3] =	ssyncset.done $0x0  }
0xe4: {  	[sflag:s3] =	ssyncadd.s32 $0xFFFFC000  }
0xe5: {  	[tilespmem:s6], [sflag:$0x1] =	stream.indirect.gather [hbm4b:s4+s5], $0x80, s18, s5, $0xb8;
	[tilespmem:$0x8800] =	vst v63  }
0xe6: {  	_ =	swait.ge [sflag:s10], $0x4000  }
0xe7: {  	[sflag:s10] =	ssyncset.done $0x0  }
0xe8: {  	[sflag:s10] =	ssyncadd.s32 $0xFFFFC000  }
0xe9: {  	[hbm4b:s19+s2] =	stream.linear.scatter [tilespmem:s7], [sflag:$0x3], $0x4000, $0x38;
	[tilespmem:$0x8800] =	vst v63  }
0xea: {  	_ =	swait.ge [sflag:s3], $0x4000  }
0xeb: {  	[sflag:s3] =	ssyncset.done $0x0  }
0xec: {  	[sflag:s3] =	ssyncadd.s32 $0xFFFFC000  }
0xed: {  	[tilespmem:s7], [sflag:$0x2] =	stream.indirect.gather [hbm4b:s4+s5], $0x80, s20, s5, $0xb8;
	[tilespmem:$0x8800] =	vst v63  }
0xee: {  	_ =	swait.ge [sflag:s8], $0x4000  }
0xef: {  	[sflag:s8] =	ssyncset.done $0x0  }
0xf0: {  	[sflag:s8] =	ssyncadd.s32 $0xFFFFC000  }
0xf1: {  	[hbm4b:s21+s2] =	stream.linear.scatter [tilespmem:s6], [sflag:$0x3], $0x4000, $0x38;
	[tilespmem:$0x8800] =	vst v63  }
0xf2: {  	_ =	swait.ge [sflag:s3], $0x4000  }
0xf3: {  	[sflag:s3] =	ssyncset.done $0x0  }
0xf4: {  	[sflag:s3] =	ssyncadd.s32 $0xFFFFC000  }
0xf5: {  	[tilespmem:s6], [sflag:$0x1] =	stream.indirect.gather [hbm4b:s4+s5], $0x80, s22, s5, $0xb8;
	[tilespmem:$0x8800] =	vst v63  }
0xf6: {  	_ =	swait.ge [sflag:s10], $0x4000  }
0xf7: {  	[sflag:s10] =	ssyncset.done $0x0  }
0xf8: {  	[sflag:s10] =	ssyncadd.s32 $0xFFFFC000  }
0xf9: {  	[hbm4b:s23+s2] =	stream.linear.scatter [tilespmem:s7], [sflag:$0x3], $0x4000, $0x38;
	[tilespmem:$0x8800] =	vst v63  }
0xfa: {  	_ =	swait.ge [sflag:s3], $0x4000  }
0xfb: {  	[sflag:s3] =	ssyncset.done $0x0  }
0xfc: {  	[sflag:s3] =	ssyncadd.s32 $0xFFFFC000  }
0xfd: {  	[tilespmem:s7], [sflag:$0x2] =	stream.indirect.gather [hbm4b:s4+s5], $0x80, s24, s5, $0xb8;
	[tilespmem:$0x8800] =	vst v63  }
0xfe: {  	_ =	swait.ge [sflag:s8], $0x4000  }
0xff: {  	[sflag:s8] =	ssyncset.done $0x0  }
0x100: {  	[sflag:s8] =	ssyncadd.s32 $0xFFFFC000  }
0x101: {  	[hbm4b:s25+s2] =	stream.linear.scatter [tilespmem:s6], [sflag:$0x3], $0x4000, $0x38;
	[tilespmem:$0x8800] =	vst v63  }
0x102: {  	_ =	swait.ge [sflag:s3], $0x4000  }
0x103: {  	[sflag:s3] =	ssyncset.done $0x0  }
0x104: {  	[sflag:s3] =	ssyncadd.s32 $0xFFFFC000  }
0x105: {  	[tilespmem:s6], [sflag:$0x1] =	stream.indirect.gather [hbm4b:s4+s5], $0x80, s26, s5, $0xb8;
	[tilespmem:$0x8800] =	vst v63  }
0x106: {  	_ =	swait.ge [sflag:s10], $0x4000  }
0x107: {  	[sflag:s10] =	ssyncset.done $0x0  }
0x108: {  	[sflag:s10] =	ssyncadd.s32 $0xFFFFC000  }
0x109: {  	[hbm4b:s28+s2] =	stream.linear.scatter [tilespmem:s7], [sflag:$0x3], $0x4000, $0x38;
	[tilespmem:$0x8800] =	vst v63  }
0x10a: {  	_ =	swait.ge [sflag:s3], $0x4000  }
0x10b: {  	[sflag:s3] =	ssyncset.done $0x0  }
0x10c: {  	[sflag:s3] =	ssyncadd.s32 $0xFFFFC000  }
0x10d: {  	[tilespmem:s7], [sflag:$0x2] =	stream.indirect.gather [hbm4b:s4+s5], $0x80, s29, s5, $0xb8;
	[tilespmem:$0x8800] =	vst v63  }
0x10e: {  	_ =	swait.ge [sflag:s8], $0x4000  }
0x10f: {  	[sflag:s8] =	ssyncset.done $0x0  }
0x110: {  	[sflag:s8] =	ssyncadd.s32 $0xFFFFC000  }
0x111: {  	[hbm4b:s30+s2] =	stream.linear.scatter [tilespmem:s6], [sflag:$0x3], $0x4000, $0x38;
	[tilespmem:$0x8800] =	vst v63  }
0x112: {  	_ =	swait.ge [sflag:s3], $0x4000  }
0x113: {  	[sflag:s3] =	ssyncset.done $0x0  }
0x114: {  	p0 =	sne.s32 s1, $0x1;
	[sflag:s3] =	ssyncadd.s32 $0xFFFFC000  }
.Ltmp1:
0x115: {  	_ =	swait.ge [sflag:s10], $0x4000;
	(pc) =	sbr.rel @p0 .LBB2_1-.Ltmp1, $4  }
0x116: {  	[sflag:s10] =	ssyncset.done $0x0  }
0x117: {  	[sflag:s10] =	ssyncadd.s32 $0xFFFFC000  }
0x118: {  	[hbm4b:s31+s2] =	stream.linear.scatter [tilespmem:s7], [sflag:$0x3], $0x4000, $0x38;
	[tilespmem:$0x8800] =	vst v63  }
0x119: {  	s1 =	sadd.s32 $0xFFFFFFFF, s1;
	_ =	swait.ge [sflag:s3], $0x4000  }
.LBB2_2:
0x11a: {  	[sflag:s3] =	ssyncset.done $0x0  }
0x11b: {  	[sflag:s3] =	ssyncadd.s32 $0xFFFFC000  }
0x11c: {  	_ =	sfence.sel $0x180000  }
0x11d: {  	[bflag:$0x0] =	sbarrier.arrive $0xFFFF  }
0x11e: {  	_ =	strace $0x9000004A  }
0x11f: {  	s0 =	stileid.u32;
	[bflag:$0x2] =	sbarrier.arrive $0xFFFF  }
0x120: {  	p0 =	sne.s32 s0, $0x0;
	s0 =	rddreg [dreg:$0x1]  }
0x121: {  	s0 =	sadd.s32 @!p0 $0x100000, s0  }
0x122: {  	[sflag:s0] =	ssyncadd.tile.s32 @!p0 $0x1;
	_ =	shalt  }
.Lfunc_end2:
_tile_overlayer_lowered:
.L_overlay_start_2:
0x123: {  	(tag) =	ssettag $0x2  }
0x124: {  	s0 =	rddreg [dreg:$0x0];
	s2 =	stileid.u32  }
0x125: {  	s1 =	rddreg [dreg:$0x1];
	p0 =	sne.s32 s2, $0x0  }
0x126: {  	s3 =	rddreg [dreg:$0x2];
	[bflag:$0x3] =	sbarrier.arrive $0xFFFF;
	s2 =	simm.s32 @!p0 $0x1C03  }
0x127: {  	[timem:s3], [sflag:s2] =	dma.local @!p0 [hbm:s0], s1  }
0x128: {  	s0 =	simm.s32 @!p0 $0x3  }
0x129: {  	_ =	swait.ge @!p0 [sflag:s0], s1  }
0x12a: {  	s1 =	ssub.s32 @!p0 $0x0, s1;
	[sflag:s0] =	ssyncset.done @!p0 $0x0  }
0x12b: {  	[sflag:s0] =	ssyncadd.s32 @!p0 s1  }
0x12c: {  	[bflag:$0x3] =	sbarrier.arrive $0xFFFF  }
0x12d: {  	_ =	shalt  }

</sc_bundles>
